<compile_context>
chip_gen: v7x
topology: tpu7x:2x2x1
jax: 0.10.2.dev20260603
libtpu: 0.0.44.dev20260713+nightly
codegen_flags: <defaults>
</compile_context>

<pallas_src>
import functools

import jax
import jax.numpy as jnp
from jax import lax
from jax.experimental import pallas as pl
from jax.experimental.pallas import tpu as pltpu
from jax.experimental.pallas import tpu_sc as plsc

EPS = 1e-06
M_TOTAL = 8 * 512 * 512
K_KEEP = int(M_TOTAL * 0.75)
KF = float(K_KEEP)
ROWS = 4096
COLS = 512
GRID = 8
BLK = ROWS // GRID

H = 1088
CH_H = H // 16
NW = 32
WPW = M_TOTAL // NW
CH_DATA = WPW // 16
RPW = ROWS // NW
CPR = COLS // 16

_mesh = plsc.VectorSubcoreMesh(core_axis_name="c", subcore_axis_name="s")
_cp = pltpu.CompilerParams(needs_layout_passes=False)


def _lanes():
    return lax.iota(jnp.int32, 16)


def _scalar(x):
    return jnp.max(x) if getattr(x, "ndim", 0) else x



def _tc_body(x_ref, t_ref, bits_ref, scal_ref, acc_ref):
    i = pl.program_id(0)
    x = x_ref[...]
    t = t_ref[...]
    posf = (t == 1).astype(jnp.float32)
    negf = 1.0 - posf

    e = jnp.exp(-jnp.abs(x))
    log1pe = jnp.log1p(e)
    ls_pos = jnp.minimum(x, 0.0) - log1pe
    ls_neg = jnp.minimum(-x, 0.0) - log1pe
    r = 1.0 / (1.0 + e)
    sig = jnp.where(x >= 0.0, r, e * r)
    pt = jnp.clip(sig, EPS, 1.0 - EPS)

    pos_loss = -jnp.sqrt(jnp.sqrt(1.0 - pt)) * ls_pos * posf
    neg_loss = jnp.abs(-(pt * pt) * ls_neg * negf)
    bits_ref[...] = lax.bitcast_convert_type(neg_loss, jnp.int32)

    p_sum = jnp.sum(pos_loss)
    p_cnt = jnp.sum(posf)
    n_cnt = jnp.float32(BLK * COLS) - p_cnt

    @pl.when(i == 0)
    def _():
        acc_ref[0] = p_sum
        acc_ref[1] = p_cnt
        acc_ref[2] = n_cnt

    @pl.when(i > 0)
    def _():
        acc_ref[0] += p_sum
        acc_ref[1] += p_cnt
        acc_ref[2] += n_cnt

    @pl.when(i == GRID - 1)
    def _():
        scal_ref[0, 0] = acc_ref[0]
        scal_ref[0, 1] = acc_ref[1]
        scal_ref[0, 2] = acc_ref[2]
        for j in range(3, 16):
            scal_ref[0, j] = 0.0


def _tc_stage(x, t):
    return pl.pallas_call(
        _tc_body,
        grid=(GRID,),
        in_specs=[
            pl.BlockSpec((BLK, COLS), lambda i: (i, 0)),
            pl.BlockSpec((BLK, COLS), lambda i: (i, 0)),
        ],
        out_shape=[
            jax.ShapeDtypeStruct((ROWS, COLS), jnp.int32),
            jax.ShapeDtypeStruct((1, 16), jnp.float32),
        ],
        out_specs=[
            pl.BlockSpec((BLK, COLS), lambda i: (i, 0)),
            pl.BlockSpec(memory_space=pltpu.SMEM),
        ],
        scratch_shapes=[pltpu.SMEM((3,), jnp.float32)],
    )(x, t)



def _zero_hists(cnt_v, sum_v, iota_v):
    @pl.loop(0, CH_H)
    def _(i):
        z = jnp.zeros((16,), jnp.float32)
        cnt_v[pl.ds(i * 16, 16)] = z
        sum_v[pl.ds(i * 16, 16)] = z
        iota_v[pl.ds(i * 16, 16)] = _lanes() + i * 16


def _hist_scatter(data_v, cnt_v, sum_v, idx_fn, mask_fn, lo, hi, carry_in):
    ones = jnp.ones((16,), jnp.float32)

    @plsc.parallel_loop(lo, hi, unroll=8, carry=carry_in)
    def zc(i, acc):
        v = data_v[i >> 5, pl.ds((i & 31) * 16, 16)]
        m = mask_fn(v) & (v != 0)
        idx = idx_fn(v)
        f = plsc.bitcast(v, jnp.float32)
        plsc.addupdate_scatter(cnt_v, [idx], ones, mask=m)
        plsc.addupdate_scatter(sum_v, [idx], f, mask=m)
        return acc + jnp.where(v == 0, 1.0, 0.0)

    return zc


def _merge_and_emit(c, s, cnt_v, sum_v, iota_v, sh_cnt, sh_sum,
                    out_cnt, out_sum):
    pltpu.sync_copy(cnt_v, sh_cnt.at[iota_v], add=True)
    pltpu.sync_copy(sum_v, sh_sum.at[iota_v], add=True)
    plsc.subcore_barrier()

    @pl.when(s == 0)
    def _():
        pltpu.sync_copy(sh_cnt, out_cnt.at[c])
        pltpu.sync_copy(sh_sum, out_sum.at[c])



@functools.partial(
    pl.kernel, mesh=_mesh, compiler_params=_cp,
    out_type=[jax.ShapeDtypeStruct((2, H), jnp.float32),
              jax.ShapeDtypeStruct((2, H), jnp.float32)],
    scratch_types=[
        pltpu.VMEM((RPW, COLS), jnp.int32),
        pltpu.VMEM((H,), jnp.float32),
        pltpu.VMEM((H,), jnp.float32),
        pltpu.VMEM((H,), jnp.int32),
        pltpu.VMEM_SHARED((H,), jnp.float32),
        pltpu.VMEM_SHARED((H,), jnp.float32),
        pltpu.SemaphoreType.DMA,
        pltpu.SemaphoreType.DMA,
    ])
def _sc_hist1(bits_hbm, out_cnt, out_sum,
              data_v, cnt_v, sum_v, iota_v, sh_cnt, sh_sum, sem_a, sem_b):
    c = lax.axis_index("c")
    s = lax.axis_index("s")
    w = c * 16 + s
    half = RPW // 2
    cpa = pltpu.async_copy(bits_hbm.at[pl.ds(w * RPW, half)],
                           data_v.at[pl.ds(0, half)], sem_a)
    cpb = pltpu.async_copy(bits_hbm.at[pl.ds(w * RPW + half, half)],
                           data_v.at[pl.ds(half, half)], sem_b)
    _zero_hists(cnt_v, sum_v, iota_v)

    @pl.when(s == 0)
    def _():
        pltpu.sync_copy(cnt_v, sh_cnt)
        pltpu.sync_copy(sum_v, sh_sum)

    plsc.subcore_barrier()
    idx1 = lambda v: jnp.right_shift(v, 21)
    all1 = lambda v: jnp.full((16,), True)
    cpa.wait()
    zc = _hist_scatter(data_v, cnt_v, sum_v, idx1, all1,
                       0, CH_DATA // 2, jnp.zeros((16,), jnp.float32))
    cpb.wait()
    zc = _hist_scatter(data_v, cnt_v, sum_v, idx1, all1,
                       CH_DATA // 2, CH_DATA, zc)
    c0 = cnt_v[pl.ds(0, 16)]
    cnt_v[pl.ds(0, 16)] = c0 + jnp.where(_lanes() == 0, jnp.sum(zc), 0.0)
    _merge_and_emit(c, s, cnt_v, sum_v, iota_v, sh_cnt, sh_sum,
                    out_cnt, out_sum)



def _scan_for_bin(buf_cnt2d, threshold, nchunks):
    def step(i, carry):
        run, b, cb = carry
        ch = buf_cnt2d[0, pl.ds(i * 16, 16)] + buf_cnt2d[1, pl.ds(i * 16, 16)]
        cs = plsc.cumsum(ch)
        tot = run + jnp.max(cs)
        hitmask = (cs + run) >= threshold
        hit = (run < threshold) & (tot >= threshold)
        lane = _scalar(plsc.all_reduce_ffs(hitmask))
        excl_c = jnp.sum(jnp.where(_lanes() == lane, cs - ch, 0.0))
        b_n = jnp.where(hit, i * 16 + lane, b)
        cb_n = jnp.where(hit, run + excl_c, cb)
        return tot, b_n, cb_n

    return lax.fori_loop(0, nchunks, step,
                         (jnp.float32(0.0), jnp.int32(0), jnp.float32(0.0)))


@functools.partial(
    pl.kernel, mesh=_mesh, compiler_params=_cp,
    out_type=[jax.ShapeDtypeStruct((2, H), jnp.float32),
              jax.ShapeDtypeStruct((2, H), jnp.float32)],
    scratch_types=[
        pltpu.VMEM((RPW, COLS), jnp.int32),
        pltpu.VMEM((2, H), jnp.float32),
        pltpu.VMEM((H,), jnp.float32),
        pltpu.VMEM((H,), jnp.float32),
        pltpu.VMEM((H,), jnp.int32),
        pltpu.VMEM_SHARED((H,), jnp.float32),
        pltpu.VMEM_SHARED((H,), jnp.float32),
        pltpu.SemaphoreType.DMA,
        pltpu.SemaphoreType.DMA,
    ])
def _sc_hist2(bits_hbm, h1cnt_hbm, out_cnt, out_sum,
              data_v, h1_v, cnt_v, sum_v, iota_v, sh_cnt, sh_sum,
              sem_a, sem_b):
    c = lax.axis_index("c")
    s = lax.axis_index("s")
    w = c * 16 + s
    half = RPW // 2
    cpa = pltpu.async_copy(bits_hbm.at[pl.ds(w * RPW, half)],
                           data_v.at[pl.ds(0, half)], sem_a)
    cpb = pltpu.async_copy(bits_hbm.at[pl.ds(w * RPW + half, half)],
                           data_v.at[pl.ds(half, half)], sem_b)
    pltpu.sync_copy(h1cnt_hbm, h1_v)
    _zero_hists(cnt_v, sum_v, iota_v)

    @pl.when(s == 0)
    def _():
        pltpu.sync_copy(cnt_v, sh_cnt)
        pltpu.sync_copy(sum_v, sh_sum)

    _, b, _ = _scan_for_bin(h1_v, KF, 64)
    plsc.subcore_barrier()
    idx2 = lambda v: jnp.bitwise_and(jnp.right_shift(v, 11), 1023)
    msk2 = lambda v: jnp.right_shift(v, 21) == b
    cpa.wait()
    zc = _hist_scatter(data_v, cnt_v, sum_v, idx2, msk2,
                       0, CH_DATA // 2, jnp.zeros((16,), jnp.float32))
    cpb.wait()
    zc = _hist_scatter(data_v, cnt_v, sum_v, idx2, msk2,
                       CH_DATA // 2, CH_DATA, zc)
    @pl.when(b == 0)
    def _():
        c0 = cnt_v[pl.ds(0, 16)]
        cnt_v[pl.ds(0, 16)] = c0 + jnp.where(_lanes() == 0, jnp.sum(zc), 0.0)

    _merge_and_emit(c, s, cnt_v, sum_v, iota_v, sh_cnt, sh_sum,
                    out_cnt, out_sum)



@functools.partial(
    pl.kernel, mesh=_mesh, compiler_params=_cp,
    out_type=jax.ShapeDtypeStruct((16,), jnp.float32),
    scratch_types=[
        pltpu.VMEM((2, H), jnp.float32),
        pltpu.VMEM((2, H), jnp.float32),
        pltpu.VMEM((2, H), jnp.float32),
        pltpu.VMEM((2, H), jnp.float32),
        pltpu.VMEM((16,), jnp.float32),
        pltpu.VMEM((16,), jnp.float32),
    ])
def _sc_finalize(h1c_hbm, h1s_hbm, h2c_hbm, h2s_hbm, scal_hbm, out_hbm,
                 c1_v, s1_v, c2_v, s2_v, scal_v, out_v):
    c = lax.axis_index("c")
    s = lax.axis_index("s")

    @pl.when((c == 0) & (s == 0))
    def _():
        pltpu.sync_copy(h1c_hbm, c1_v)
        pltpu.sync_copy(h1s_hbm, s1_v)
        pltpu.sync_copy(h2c_hbm, c2_v)
        pltpu.sync_copy(h2s_hbm, s2_v)
        pltpu.sync_copy(scal_hbm, scal_v)

        def scan_full(cbuf, sbuf, threshold):
            def step(i, carry):
                run_c, run_s, b, cb, sb, cbin, sbin = carry
                chc = cbuf[0, pl.ds(i * 16, 16)] + cbuf[1, pl.ds(i * 16, 16)]
                chs = sbuf[0, pl.ds(i * 16, 16)] + sbuf[1, pl.ds(i * 16, 16)]
                csc = plsc.cumsum(chc)
                css = plsc.cumsum(chs)
                tot_c = run_c + jnp.max(csc)
                tot_s = run_s + jnp.max(css)
                hitmask = (csc + run_c) >= threshold
                hit = (run_c < threshold) & (tot_c >= threshold)
                lane = _scalar(plsc.all_reduce_ffs(hitmask))
                sel = _lanes() == lane
                excl_c = jnp.sum(jnp.where(sel, csc - chc, 0.0))
                excl_s = jnp.sum(jnp.where(sel, css - chs, 0.0))
                bin_c = jnp.sum(jnp.where(sel, chc, 0.0))
                bin_s = jnp.sum(jnp.where(sel, chs, 0.0))
                b_n = jnp.where(hit, i * 16 + lane, b)
                cb_n = jnp.where(hit, run_c + excl_c, cb)
                sb_n = jnp.where(hit, run_s + excl_s, sb)
                cbin_n = jnp.where(hit, bin_c, cbin)
                sbin_n = jnp.where(hit, bin_s, sbin)
                return tot_c, tot_s, b_n, cb_n, sb_n, cbin_n, sbin_n

            z = jnp.float32(0.0)
            return lax.fori_loop(0, 64, step,
                                 (z, z, jnp.int32(0), z, z, z, z))

        _, _, _, cb1, sb1, _, _ = scan_full(c1_v, s1_v, KF)
        k2p = KF - cb1
        _, _, _, cb2, sb2, cbin, sbin = scan_full(c2_v, s2_v, k2p)

        z16 = jnp.zeros((16,), jnp.float32)
        cbin16 = z16 + cbin
        sbin16 = z16 + sbin
        mean16 = jnp.where(cbin16 > 0.0,
                           sbin16 / jnp.maximum(cbin16, 1.0), 0.0)
        bottom16 = (z16 + sb1) + (z16 + sb2) + (z16 + (k2p - cb2)) * mean16

        sv = scal_v[...]
        pos_sum = jnp.sum(jnp.where(_lanes() == 0, sv, 0.0))
        pos_cnt = jnp.sum(jnp.where(_lanes() == 1, sv, 0.0))
        neg_cnt = jnp.sum(jnp.where(_lanes() == 2, sv, 0.0))
        loss16 = ((z16 + pos_sum) / (z16 + pos_cnt + EPS)
                  + bottom16 / (z16 + neg_cnt + EPS))
        out_v[...] = loss16
        pltpu.sync_copy(out_v, out_hbm)



def kernel(output, target):
    x = output.astype(jnp.float32).reshape(ROWS, COLS)
    t = target.reshape(ROWS, COLS)
    bits2d, scal = _tc_stage(x, t)
    h1c, h1s = _sc_hist1(bits2d)
    h2c, h2s = _sc_hist2(bits2d, h1c)
    out = _sc_finalize(h1c, h1s, h2c, h2s, scal.reshape(16))
    return out[0]

# --- scband reference (transcript-rebuilt; emitter-appended) ---
"""Pipeline reference for scband-assymetric-binary-focal-loss-64381559767485 (READ-ONLY COPY).

The authoritative reference and input builder live on the scoring server;
editing this copy changes nothing except your own understanding.
"""

import jax, jax.numpy as jnp
import numpy as np

ALPHA = 0.25
BETA = 2.0
KEEP_FRACTION = 1.0 - 0.25
EPS = 1e-06


def setup_inputs(seed: int = 0) -> dict:
    key = jax.random.key(seed)
    k1, k2 = jax.random.split(key)
    output = jax.random.normal(k1, (8, 1, 512, 512), dtype=jnp.float32)
    target = jax.random.randint(k2, (8, 1, 512, 512), 0, 2).astype(jnp.int32)
    return {"output": output, "target": target}


def reference(output, target):
    output = output.astype(jnp.float32)
    targetf = target.astype(jnp.float32)
    pos_mask = targetf == 1.0
    neg_mask = ~pos_mask
    pt = jnp.clip(jax.nn.sigmoid(output), EPS, 1.0 - EPS)
    pos_loss = -jnp.power(1.0 - pt, ALPHA) * jax.nn.log_sigmoid(output) * pos_mask.astype(jnp.float32)
    neg_loss = -jnp.power(pt, BETA) * jax.nn.log_sigmoid(-output) * neg_mask.astype(jnp.float32)
    # keep_fraction < 1: keep the k smallest negative-losses (drop the largest 25% as outliers)
    neg_flat = neg_loss.reshape(-1)
    M = neg_flat.shape[0]
    num_elements_to_keep = int(M * KEEP_FRACTION)
    # torch.topk(largest=False) == k smallest values; equivalent via full sort + slice
    neg_kept = jnp.sort(neg_flat)[:num_elements_to_keep]
    pos_loss_reduced = pos_loss.sum() / (pos_mask.sum().astype(jnp.float32) + EPS)
    neg_loss_reduced = neg_kept.sum() / (neg_mask.sum().astype(jnp.float32) + EPS)
    loss = pos_loss_reduced + neg_loss_reduced
    return loss

if __name__ == "__main__":
    import jax
    _d = setup_inputs()
    print(jax.jit(kernel)(*tuple(_d.values())))

</pallas_src>

<mosaic_0001>
#map = affine_map<(d0, d1) -> (0, 0)>
#map1 = affine_map<(d0, d1) -> (0)>
module attributes {stable_mosaic.version = 14 : i64} {
  func.func @_sc_finalize(%arg0: i32, %arg1: i32, %arg2: memref<2x1088xf32, #tpu.memory_space<hbm>>, %arg3: memref<2x1088xf32, #tpu.memory_space<hbm>>, %arg4: memref<2x1088xf32, #tpu.memory_space<hbm>>, %arg5: memref<2x1088xf32, #tpu.memory_space<hbm>>, %arg6: memref<16xf32, #tpu.memory_space<hbm>>, %arg7: memref<16xf32, #tpu.memory_space<hbm>>, %arg8: memref<2x1088xf32, #tpu.memory_space<vmem>>, %arg9: memref<2x1088xf32, #tpu.memory_space<vmem>>, %arg10: memref<2x1088xf32, #tpu.memory_space<vmem>>, %arg11: memref<2x1088xf32, #tpu.memory_space<vmem>>, %arg12: memref<16xf32, #tpu.memory_space<vmem>>, %arg13: memref<16xf32, #tpu.memory_space<vmem>>) attributes {dimension_semantics = [#tpu.dimension_semantics<core_parallel>, #tpu.dimension_semantics<subcore_parallel>], iteration_bounds = array<i64: 2, 16>, scalar_prefetch = 0 : i64, scratch_operands = 6 : i64, tpu.core_type = #tpu.core_type<sc_vector_subcore>, window_params = [{transform_indices = #map}, {transform_indices = #map}, {transform_indices = #map}, {transform_indices = #map}, {transform_indices = #map1}, {transform_indices = #map1}]} {
    %eq3A = arith.constant 0 : i32
    %eq3A_0 = arith.cmpi eq, %arg0, %eq3A : i32
    %eq3A_1 = arith.constant 0 : i32
    %eq3A_2 = arith.cmpi eq, %arg1, %eq3A_1 : i32
    %and3A = arith.andi %eq3A_0, %eq3A_2 : i1
    %convert_element_type3A = arith.extui %and3A : i1 to i32
    %cond3A = arith.constant 0 : i32
    %cond3A_3 = arith.cmpi ne, %convert_element_type3A, %cond3A : i32
    scf.if %cond3A_3 {
      "tpu.region"() ({
        %run_scoped3A = tpu.sem_alloc : memref<!tpu.dma_semaphore, #tpu.memory_space<semaphore_mem>>
        tpu.enqueue_dma source(%arg2 : memref<2x1088xf32, #tpu.memory_space<hbm>>) target(%arg8 : memref<2x1088xf32, #tpu.memory_space<vmem>>) target_semaphore(%run_scoped3A : memref<!tpu.dma_semaphore, #tpu.memory_space<semaphore_mem>>)
        tpu.wait_dma2 semaphore(%run_scoped3A : memref<!tpu.dma_semaphore, #tpu.memory_space<semaphore_mem>>) src(%arg2 : memref<2x1088xf32, #tpu.memory_space<hbm>>) dst(%arg8 : memref<2x1088xf32, #tpu.memory_space<vmem>>)
        tpu.yield
      }) : () -> ()
      "tpu.region"() ({
        %run_scoped3A = tpu.sem_alloc : memref<!tpu.dma_semaphore, #tpu.memory_space<semaphore_mem>>
        tpu.enqueue_dma source(%arg3 : memref<2x1088xf32, #tpu.memory_space<hbm>>) target(%arg9 : memref<2x1088xf32, #tpu.memory_space<vmem>>) target_semaphore(%run_scoped3A : memref<!tpu.dma_semaphore, #tpu.memory_space<semaphore_mem>>)
        tpu.wait_dma2 semaphore(%run_scoped3A : memref<!tpu.dma_semaphore, #tpu.memory_space<semaphore_mem>>) src(%arg3 : memref<2x1088xf32, #tpu.memory_space<hbm>>) dst(%arg9 : memref<2x1088xf32, #tpu.memory_space<vmem>>)
        tpu.yield
      }) : () -> ()
      "tpu.region"() ({
        %run_scoped3A = tpu.sem_alloc : memref<!tpu.dma_semaphore, #tpu.memory_space<semaphore_mem>>
        tpu.enqueue_dma source(%arg4 : memref<2x1088xf32, #tpu.memory_space<hbm>>) target(%arg10 : memref<2x1088xf32, #tpu.memory_space<vmem>>) target_semaphore(%run_scoped3A : memref<!tpu.dma_semaphore, #tpu.memory_space<semaphore_mem>>)
        tpu.wait_dma2 semaphore(%run_scoped3A : memref<!tpu.dma_semaphore, #tpu.memory_space<semaphore_mem>>) src(%arg4 : memref<2x1088xf32, #tpu.memory_space<hbm>>) dst(%arg10 : memref<2x1088xf32, #tpu.memory_space<vmem>>)
        tpu.yield
      }) : () -> ()
      "tpu.region"() ({
        %run_scoped3A = tpu.sem_alloc : memref<!tpu.dma_semaphore, #tpu.memory_space<semaphore_mem>>
        tpu.enqueue_dma source(%arg5 : memref<2x1088xf32, #tpu.memory_space<hbm>>) target(%arg11 : memref<2x1088xf32, #tpu.memory_space<vmem>>) target_semaphore(%run_scoped3A : memref<!tpu.dma_semaphore, #tpu.memory_space<semaphore_mem>>)
        tpu.wait_dma2 semaphore(%run_scoped3A : memref<!tpu.dma_semaphore, #tpu.memory_space<semaphore_mem>>) src(%arg5 : memref<2x1088xf32, #tpu.memory_space<hbm>>) dst(%arg11 : memref<2x1088xf32, #tpu.memory_space<vmem>>)
        tpu.yield
      }) : () -> ()
      "tpu.region"() ({
        %run_scoped3A = tpu.sem_alloc : memref<!tpu.dma_semaphore, #tpu.memory_space<semaphore_mem>>
        tpu.enqueue_dma source(%arg6 : memref<16xf32, #tpu.memory_space<hbm>>) target(%arg12 : memref<16xf32, #tpu.memory_space<vmem>>) target_semaphore(%run_scoped3A : memref<!tpu.dma_semaphore, #tpu.memory_space<semaphore_mem>>)
        tpu.wait_dma2 semaphore(%run_scoped3A : memref<!tpu.dma_semaphore, #tpu.memory_space<semaphore_mem>>) src(%arg6 : memref<16xf32, #tpu.memory_space<hbm>>) dst(%arg12 : memref<16xf32, #tpu.memory_space<vmem>>)
        tpu.yield
      }) : () -> ()
      %scan3A = arith.constant 0.000000e+00 : f32
      %scan3A_4 = arith.constant 0.000000e+00 : f32
      %scan3A_5 = arith.constant 0 : i32
      %scan3A_6 = arith.constant 0.000000e+00 : f32
      %scan3A_7 = arith.constant 0.000000e+00 : f32
      %scan3A_8 = arith.constant 0.000000e+00 : f32
      %scan3A_9 = arith.constant 0.000000e+00 : f32
      %scan3A_10 = arith.constant 0 : i32
      %scan3A_11 = arith.constant 64 : i32
      %scan3A_12 = arith.addi %scan3A_10, %scan3A_11 : i32
      %scan3A_13 = arith.constant 1 : i32
      %scan3A_14:7 = scf.for %scan3A_96 = %scan3A_10 to %scan3A_12 step %scan3A_13 iter_args(%scan3A_97 = %scan3A, %scan3A_98 = %scan3A_4, %scan3A_99 = %scan3A_5, %scan3A_100 = %scan3A_6, %scan3A_101 = %scan3A_7, %scan3A_102 = %scan3A_8, %scan3A_103 = %scan3A_9) -> (f32, f32, i32, f32, f32, f32, f32)  : i32 {
        %mul3A_104 = arith.constant 16 : i32
        %mul3A_105 = arith.muli %scan3A_96, %mul3A_104 : i32
        %get3A_106 = arith.constant 0 : i32
        %get3A_107 = arith.index_cast %get3A_106 : i32 to index
        %get3A_108 = arith.index_cast %mul3A_105 : i32 to index
        %get3A_109 = tpu.vector_load %arg8[%get3A_107, %get3A_108] {strides = array<i32>} : memref<2x1088xf32, #tpu.memory_space<vmem>>, vector<16xf32>,
        %mul3A_110 = arith.constant 16 : i32
        %mul3A_111 = arith.muli %scan3A_96, %mul3A_110 : i32
        %get3A_112 = arith.constant 1 : i32
        %get3A_113 = arith.index_cast %get3A_112 : i32 to index
        %get3A_114 = arith.index_cast %mul3A_111 : i32 to index
        %get3A_115 = tpu.vector_load %arg8[%get3A_113, %get3A_114] {strides = array<i32>} : memref<2x1088xf32, #tpu.memory_space<vmem>>, vector<16xf32>,
        %add3A_116 = arith.addf %get3A_109, %get3A_115 : vector<16xf32>
        %mul3A_117 = arith.constant 16 : i32
        %mul3A_118 = arith.muli %scan3A_96, %mul3A_117 : i32
        %get3A_119 = arith.constant 0 : i32
        %get3A_120 = arith.index_cast %get3A_119 : i32 to index
        %get3A_121 = arith.index_cast %mul3A_118 : i32 to index
        %get3A_122 = tpu.vector_load %arg9[%get3A_120, %get3A_121] {strides = array<i32>} : memref<2x1088xf32, #tpu.memory_space<vmem>>, vector<16xf32>,
        %mul3A_123 = arith.constant 16 : i32
        %mul3A_124 = arith.muli %scan3A_96, %mul3A_123 : i32
        %get3A_125 = arith.constant 1 : i32
        %get3A_126 = arith.index_cast %get3A_125 : i32 to index
        %get3A_127 = arith.index_cast %mul3A_124 : i32 to index
        %get3A_128 = tpu.vector_load %arg9[%get3A_126, %get3A_127] {strides = array<i32>} : memref<2x1088xf32, #tpu.memory_space<vmem>>, vector<16xf32>,
        %add3A_129 = arith.addf %get3A_122, %get3A_128 : vector<16xf32>
        %broadcast_in_dim3A_130 = arith.constant true
        %broadcast_in_dim3A_131 = vector.broadcast %broadcast_in_dim3A_130 : i1 to vector<16xi1>
        %masked_cumsum3A = tpu.scan <sum>, %add3A_116 masked %broadcast_in_dim3A_131 : vector<16xf32>, vector<16xi1> -> vector<16xf32>
        %broadcast_in_dim3A_132 = arith.constant true
        %broadcast_in_dim3A_133 = vector.broadcast %broadcast_in_dim3A_132 : i1 to vector<16xi1>
        %masked_cumsum3A_134 = tpu.scan <sum>, %add3A_129 masked %broadcast_in_dim3A_133 : vector<16xf32>, vector<16xi1> -> vector<16xf32>
        %reduce_max3A = arith.constant true
        %reduce_max3A_135 = vector.broadcast %reduce_max3A : i1 to vector<16xi1>
        %reduce_max3A_136 = tpu.scan <max>, %masked_cumsum3A masked %reduce_max3A_135 : vector<16xf32>, vector<16xi1> -> vector<16xf32>
        %reduce_max3A_137 = vector.extract %reduce_max3A_136[15] : f32 from vector<16xf32>
        %add3A_138 = arith.addf %scan3A_97, %reduce_max3A_137 : f32
        %reduce_max3A_139 = arith.constant true
        %reduce_max3A_140 = vector.broadcast %reduce_max3A_139 : i1 to vector<16xi1>
        %reduce_max3A_141 = tpu.scan <max>, %masked_cumsum3A_134 masked %reduce_max3A_140 : vector<16xf32>, vector<16xi1> -> vector<16xf32>
        %reduce_max3A_142 = vector.extract %reduce_max3A_141[15] : f32 from vector<16xf32>
        %add3A_143 = arith.addf %scan3A_98, %reduce_max3A_142 : f32
        %add3A_144 = vector.broadcast %scan3A_97 : f32 to vector<16xf32>
        %add3A_145 = arith.addf %masked_cumsum3A, %add3A_144 : vector<16xf32>
        %ge3A = arith.constant 0x49C00000 : f32
        %ge3A_146 = vector.broadcast %ge3A : f32 to vector<16xf32>
        %ge3A_147 = arith.cmpf oge, %add3A_145, %ge3A_146 : vector<16xf32>
        %lt3A = arith.constant 0x49C00000 : f32
        %lt3A_148 = arith.cmpf olt, %scan3A_97, %lt3A : f32
        %ge3A_149 = arith.constant 0x49C00000 : f32
        %ge3A_150 = arith.cmpf oge, %add3A_138, %ge3A_149 : f32
        %and3A_151 = arith.andi %lt3A_148, %ge3A_150 : i1
        %all_reduce_ffs3A = tpu.all_reduce %ge3A_147 {dim = 0 : i64, kind = #tpu.reduction_kind<find_first_set>} : vector<16xi1> -> vector<16xi32>
        %reduce_max3A_152 = arith.constant true
        %reduce_max3A_153 = vector.broadcast %reduce_max3A_152 : i1 to vector<16xi1>
        %reduce_max3A_154 = arith.constant -2147483648 : i32
        %reduce_max3A_155 = vector.broadcast %reduce_max3A_154 : i32 to vector<16xi32>
        %reduce_max3A_156 = arith.xori %all_reduce_ffs3A, %reduce_max3A_155 : vector<16xi32>
        %reduce_max3A_157 = tpu.scan <max>, %reduce_max3A_156 masked %reduce_max3A_153 : vector<16xi32>, vector<16xi1> -> vector<16xi32>
        %reduce_max3A_158 = arith.xori %reduce_max3A_157, %reduce_max3A_155 : vector<16xi32>
        %reduce_max3A_159 = vector.extract %reduce_max3A_158[15] : i32 from vector<16xi32>
        %iota3A_160 = tpu.iota {dimensions = array<i32: 0>} : vector<16xi32>
        %eq3A_161 = vector.broadcast %reduce_max3A_159 : i32 to vector<16xi32>
        %eq3A_162 = arith.cmpi eq, %iota3A_160, %eq3A_161 : vector<16xi32>
        %sub3A_163 = arith.subf %masked_cumsum3A, %add3A_116 : vector<16xf32>
        %jit3A_164 = arith.constant 0.000000e+00 : f32
        %broadcast_in_dim3A_165 = vector.broadcast %jit3A_164 : f32 to vector<16xf32>
        %select_n3A_166 = arith.select %eq3A_162, %sub3A_163, %broadcast_in_dim3A_165 : vector<16xi1>, vector<16xf32>
        %reduce_sum3A_167 = arith.constant true
        %reduce_sum3A_168 = vector.broadcast %reduce_sum3A_167 : i1 to vector<16xi1>
        %reduce_sum3A_169 = tpu.scan <sum>, %select_n3A_166 masked %reduce_sum3A_168 : vector<16xf32>, vector<16xi1> -> vector<16xf32>
        %reduce_sum3A_170 = vector.extract %reduce_sum3A_169[15] : f32 from vector<16xf32>
        %sub3A_171 = arith.subf %masked_cumsum3A_134, %add3A_129 : vector<16xf32>
        %jit3A_172 = arith.constant 0.000000e+00 : f32
        %broadcast_in_dim3A_173 = vector.broadcast %jit3A_172 : f32 to vector<16xf32>
        %select_n3A_174 = arith.select %eq3A_162, %sub3A_171, %broadcast_in_dim3A_173 : vector<16xi1>, vector<16xf32>
        %reduce_sum3A_175 = arith.constant true
        %reduce_sum3A_176 = vector.broadcast %reduce_sum3A_175 : i1 to vector<16xi1>
        %reduce_sum3A_177 = tpu.scan <sum>, %select_n3A_174 masked %reduce_sum3A_176 : vector<16xf32>, vector<16xi1> -> vector<16xf32>
        %reduce_sum3A_178 = vector.extract %reduce_sum3A_177[15] : f32 from vector<16xf32>
        %jit3A_179 = arith.constant 0.000000e+00 : f32
        %broadcast_in_dim3A_180 = vector.broadcast %jit3A_179 : f32 to vector<16xf32>
        %select_n3A_181 = arith.select %eq3A_162, %add3A_116, %broadcast_in_dim3A_180 : vector<16xi1>, vector<16xf32>
        %reduce_sum3A_182 = arith.constant true
        %reduce_sum3A_183 = vector.broadcast %reduce_sum3A_182 : i1 to vector<16xi1>
        %reduce_sum3A_184 = tpu.scan <sum>, %select_n3A_181 masked %reduce_sum3A_183 : vector<16xf32>, vector<16xi1> -> vector<16xf32>
        %reduce_sum3A_185 = vector.extract %reduce_sum3A_184[15] : f32 from vector<16xf32>
        %jit3A_186 = arith.constant 0.000000e+00 : f32
        %broadcast_in_dim3A_187 = vector.broadcast %jit3A_186 : f32 to vector<16xf32>
        %select_n3A_188 = arith.select %eq3A_162, %add3A_129, %broadcast_in_dim3A_187 : vector<16xi1>, vector<16xf32>
        %reduce_sum3A_189 = arith.constant true
        %reduce_sum3A_190 = vector.broadcast %reduce_sum3A_189 : i1 to vector<16xi1>
        %reduce_sum3A_191 = tpu.scan <sum>, %select_n3A_188 masked %reduce_sum3A_190 : vector<16xf32>, vector<16xi1> -> vector<16xf32>
        %reduce_sum3A_192 = vector.extract %reduce_sum3A_191[15] : f32 from vector<16xf32>
        %mul3A_193 = arith.constant 16 : i32
        %mul3A_194 = arith.muli %scan3A_96, %mul3A_193 : i32
        %add3A_195 = arith.addi %mul3A_194, %reduce_max3A_159 : i32
        %select_n3A_196 = arith.select %and3A_151, %add3A_195, %scan3A_99 : i32
        %add3A_197 = arith.addf %scan3A_97, %reduce_sum3A_170 : f32
        %select_n3A_198 = arith.select %and3A_151, %add3A_197, %scan3A_100 : f32
        %add3A_199 = arith.addf %scan3A_98, %reduce_sum3A_178 : f32
        %select_n3A_200 = arith.select %and3A_151, %add3A_199, %scan3A_101 : f32
        %select_n3A_201 = arith.select %and3A_151, %reduce_sum3A_185, %scan3A_102 : f32
        %select_n3A_202 = arith.select %and3A_151, %reduce_sum3A_192, %scan3A_103 : f32
        scf.yield %add3A_138, %add3A_143, %select_n3A_196, %select_n3A_198, %select_n3A_200, %select_n3A_201, %select_n3A_202 : f32, f32, i32, f32, f32, f32, f32
      }
      %scan3A_15 = arith.constant 64 : i32
      %sub3A = arith.constant 0x49C00000 : f32
      %sub3A_16 = arith.subf %sub3A, %scan3A_14#3 : f32
      %scan3A_17 = arith.constant 0.000000e+00 : f32
      %scan3A_18 = arith.constant 0.000000e+00 : f32
      %scan3A_19 = arith.constant 0 : i32
      %scan3A_20 = arith.constant 0.000000e+00 : f32
      %scan3A_21 = arith.constant 0.000000e+00 : f32
      %scan3A_22 = arith.constant 0.000000e+00 : f32
      %scan3A_23 = arith.constant 0.000000e+00 : f32
      %scan3A_24 = arith.constant 0 : i32
      %scan3A_25 = arith.constant 64 : i32
      %scan3A_26 = arith.addi %scan3A_24, %scan3A_25 : i32
      %scan3A_27 = arith.constant 1 : i32
      %scan3A_28:7 = scf.for %scan3A_96 = %scan3A_24 to %scan3A_26 step %scan3A_27 iter_args(%scan3A_97 = %scan3A_17, %scan3A_98 = %scan3A_18, %scan3A_99 = %scan3A_19, %scan3A_100 = %scan3A_20, %scan3A_101 = %scan3A_21, %scan3A_102 = %scan3A_22, %scan3A_103 = %scan3A_23) -> (f32, f32, i32, f32, f32, f32, f32)  : i32 {
        %mul3A_104 = arith.constant 16 : i32
        %mul3A_105 = arith.muli %scan3A_96, %mul3A_104 : i32
        %get3A_106 = arith.constant 0 : i32
        %get3A_107 = arith.index_cast %get3A_106 : i32 to index
        %get3A_108 = arith.index_cast %mul3A_105 : i32 to index
        %get3A_109 = tpu.vector_load %arg10[%get3A_107, %get3A_108] {strides = array<i32>} : memref<2x1088xf32, #tpu.memory_space<vmem>>, vector<16xf32>,
        %mul3A_110 = arith.constant 16 : i32
        %mul3A_111 = arith.muli %scan3A_96, %mul3A_110 : i32
        %get3A_112 = arith.constant 1 : i32
        %get3A_113 = arith.index_cast %get3A_112 : i32 to index
        %get3A_114 = arith.index_cast %mul3A_111 : i32 to index
        %get3A_115 = tpu.vector_load %arg10[%get3A_113, %get3A_114] {strides = array<i32>} : memref<2x1088xf32, #tpu.memory_space<vmem>>, vector<16xf32>,
        %add3A_116 = arith.addf %get3A_109, %get3A_115 : vector<16xf32>
        %mul3A_117 = arith.constant 16 : i32
        %mul3A_118 = arith.muli %scan3A_96, %mul3A_117 : i32
        %get3A_119 = arith.constant 0 : i32
        %get3A_120 = arith.index_cast %get3A_119 : i32 to index
        %get3A_121 = arith.index_cast %mul3A_118 : i32 to index
        %get3A_122 = tpu.vector_load %arg11[%get3A_120, %get3A_121] {strides = array<i32>} : memref<2x1088xf32, #tpu.memory_space<vmem>>, vector<16xf32>,
        %mul3A_123 = arith.constant 16 : i32
        %mul3A_124 = arith.muli %scan3A_96, %mul3A_123 : i32
        %get3A_125 = arith.constant 1 : i32
        %get3A_126 = arith.index_cast %get3A_125 : i32 to index
        %get3A_127 = arith.index_cast %mul3A_124 : i32 to index
        %get3A_128 = tpu.vector_load %arg11[%get3A_126, %get3A_127] {strides = array<i32>} : memref<2x1088xf32, #tpu.memory_space<vmem>>, vector<16xf32>,
        %add3A_129 = arith.addf %get3A_122, %get3A_128 : vector<16xf32>
        %broadcast_in_dim3A_130 = arith.constant true
        %broadcast_in_dim3A_131 = vector.broadcast %broadcast_in_dim3A_130 : i1 to vector<16xi1>
        %masked_cumsum3A = tpu.scan <sum>, %add3A_116 masked %broadcast_in_dim3A_131 : vector<16xf32>, vector<16xi1> -> vector<16xf32>
        %broadcast_in_dim3A_132 = arith.constant true
        %broadcast_in_dim3A_133 = vector.broadcast %broadcast_in_dim3A_132 : i1 to vector<16xi1>
        %masked_cumsum3A_134 = tpu.scan <sum>, %add3A_129 masked %broadcast_in_dim3A_133 : vector<16xf32>, vector<16xi1> -> vector<16xf32>
        %reduce_max3A = arith.constant true
        %reduce_max3A_135 = vector.broadcast %reduce_max3A : i1 to vector<16xi1>
        %reduce_max3A_136 = tpu.scan <max>, %masked_cumsum3A masked %reduce_max3A_135 : vector<16xf32>, vector<16xi1> -> vector<16xf32>
        %reduce_max3A_137 = vector.extract %reduce_max3A_136[15] : f32 from vector<16xf32>
        %add3A_138 = arith.addf %scan3A_97, %reduce_max3A_137 : f32
        %reduce_max3A_139 = arith.constant true
        %reduce_max3A_140 = vector.broadcast %reduce_max3A_139 : i1 to vector<16xi1>
        %reduce_max3A_141 = tpu.scan <max>, %masked_cumsum3A_134 masked %reduce_max3A_140 : vector<16xf32>, vector<16xi1> -> vector<16xf32>
        %reduce_max3A_142 = vector.extract %reduce_max3A_141[15] : f32 from vector<16xf32>
        %add3A_143 = arith.addf %scan3A_98, %reduce_max3A_142 : f32
        %add3A_144 = vector.broadcast %scan3A_97 : f32 to vector<16xf32>
        %add3A_145 = arith.addf %masked_cumsum3A, %add3A_144 : vector<16xf32>
        %ge3A = vector.broadcast %sub3A_16 : f32 to vector<16xf32>
        %ge3A_146 = arith.cmpf oge, %add3A_145, %ge3A : vector<16xf32>
        %lt3A = arith.cmpf olt, %scan3A_97, %sub3A_16 : f32
        %ge3A_147 = arith.cmpf oge, %add3A_138, %sub3A_16 : f32
        %and3A_148 = arith.andi %lt3A, %ge3A_147 : i1
        %all_reduce_ffs3A = tpu.all_reduce %ge3A_146 {dim = 0 : i64, kind = #tpu.reduction_kind<find_first_set>} : vector<16xi1> -> vector<16xi32>
        %reduce_max3A_149 = arith.constant true
        %reduce_max3A_150 = vector.broadcast %reduce_max3A_149 : i1 to vector<16xi1>
        %reduce_max3A_151 = arith.constant -2147483648 : i32
        %reduce_max3A_152 = vector.broadcast %reduce_max3A_151 : i32 to vector<16xi32>
        %reduce_max3A_153 = arith.xori %all_reduce_ffs3A, %reduce_max3A_152 : vector<16xi32>
        %reduce_max3A_154 = tpu.scan <max>, %reduce_max3A_153 masked %reduce_max3A_150 : vector<16xi32>, vector<16xi1> -> vector<16xi32>
        %reduce_max3A_155 = arith.xori %reduce_max3A_154, %reduce_max3A_152 : vector<16xi32>
        %reduce_max3A_156 = vector.extract %reduce_max3A_155[15] : i32 from vector<16xi32>
        %iota3A_157 = tpu.iota {dimensions = array<i32: 0>} : vector<16xi32>
        %eq3A_158 = vector.broadcast %reduce_max3A_156 : i32 to vector<16xi32>
        %eq3A_159 = arith.cmpi eq, %iota3A_157, %eq3A_158 : vector<16xi32>
        %sub3A_160 = arith.subf %masked_cumsum3A, %add3A_116 : vector<16xf32>
        %jit3A_161 = arith.constant 0.000000e+00 : f32
        %broadcast_in_dim3A_162 = vector.broadcast %jit3A_161 : f32 to vector<16xf32>
        %select_n3A_163 = arith.select %eq3A_159, %sub3A_160, %broadcast_in_dim3A_162 : vector<16xi1>, vector<16xf32>
        %reduce_sum3A_164 = arith.constant true
        %reduce_sum3A_165 = vector.broadcast %reduce_sum3A_164 : i1 to vector<16xi1>
        %reduce_sum3A_166 = tpu.scan <sum>, %select_n3A_163 masked %reduce_sum3A_165 : vector<16xf32>, vector<16xi1> -> vector<16xf32>
        %reduce_sum3A_167 = vector.extract %reduce_sum3A_166[15] : f32 from vector<16xf32>
        %sub3A_168 = arith.subf %masked_cumsum3A_134, %add3A_129 : vector<16xf32>
        %jit3A_169 = arith.constant 0.000000e+00 : f32
        %broadcast_in_dim3A_170 = vector.broadcast %jit3A_169 : f32 to vector<16xf32>
        %select_n3A_171 = arith.select %eq3A_159, %sub3A_168, %broadcast_in_dim3A_170 : vector<16xi1>, vector<16xf32>
        %reduce_sum3A_172 = arith.constant true
        %reduce_sum3A_173 = vector.broadcast %reduce_sum3A_172 : i1 to vector<16xi1>
        %reduce_sum3A_174 = tpu.scan <sum>, %select_n3A_171 masked %reduce_sum3A_173 : vector<16xf32>, vector<16xi1> -> vector<16xf32>
        %reduce_sum3A_175 = vector.extract %reduce_sum3A_174[15] : f32 from vector<16xf32>
        %jit3A_176 = arith.constant 0.000000e+00 : f32
        %broadcast_in_dim3A_177 = vector.broadcast %jit3A_176 : f32 to vector<16xf32>
        %select_n3A_178 = arith.select %eq3A_159, %add3A_116, %broadcast_in_dim3A_177 : vector<16xi1>, vector<16xf32>
        %reduce_sum3A_179 = arith.constant true
        %reduce_sum3A_180 = vector.broadcast %reduce_sum3A_179 : i1 to vector<16xi1>
        %reduce_sum3A_181 = tpu.scan <sum>, %select_n3A_178 masked %reduce_sum3A_180 : vector<16xf32>, vector<16xi1> -> vector<16xf32>
        %reduce_sum3A_182 = vector.extract %reduce_sum3A_181[15] : f32 from vector<16xf32>
        %jit3A_183 = arith.constant 0.000000e+00 : f32
        %broadcast_in_dim3A_184 = vector.broadcast %jit3A_183 : f32 to vector<16xf32>
        %select_n3A_185 = arith.select %eq3A_159, %add3A_129, %broadcast_in_dim3A_184 : vector<16xi1>, vector<16xf32>
        %reduce_sum3A_186 = arith.constant true
        %reduce_sum3A_187 = vector.broadcast %reduce_sum3A_186 : i1 to vector<16xi1>
        %reduce_sum3A_188 = tpu.scan <sum>, %select_n3A_185 masked %reduce_sum3A_187 : vector<16xf32>, vector<16xi1> -> vector<16xf32>
        %reduce_sum3A_189 = vector.extract %reduce_sum3A_188[15] : f32 from vector<16xf32>
        %mul3A_190 = arith.constant 16 : i32
        %mul3A_191 = arith.muli %scan3A_96, %mul3A_190 : i32
        %add3A_192 = arith.addi %mul3A_191, %reduce_max3A_156 : i32
        %select_n3A_193 = arith.select %and3A_148, %add3A_192, %scan3A_99 : i32
        %add3A_194 = arith.addf %scan3A_97, %reduce_sum3A_167 : f32
        %select_n3A_195 = arith.select %and3A_148, %add3A_194, %scan3A_100 : f32
        %add3A_196 = arith.addf %scan3A_98, %reduce_sum3A_175 : f32
        %select_n3A_197 = arith.select %and3A_148, %add3A_196, %scan3A_101 : f32
        %select_n3A_198 = arith.select %and3A_148, %reduce_sum3A_182, %scan3A_102 : f32
        %select_n3A_199 = arith.select %and3A_148, %reduce_sum3A_189, %scan3A_103 : f32
        scf.yield %add3A_138, %add3A_143, %select_n3A_193, %select_n3A_195, %select_n3A_197, %select_n3A_198, %select_n3A_199 : f32, f32, i32, f32, f32, f32, f32
      }
      %scan3A_29 = arith.constant 64 : i32
      %broadcast_in_dim3A = arith.constant 0.000000e+00 : f32
      %broadcast_in_dim3A_30 = vector.broadcast %broadcast_in_dim3A : f32 to vector<16xf32>
      %add3A = vector.broadcast %scan3A_28#5 : f32 to vector<16xf32>
      %add3A_31 = arith.addf %broadcast_in_dim3A_30, %add3A : vector<16xf32>
      %add3A_32 = vector.broadcast %scan3A_28#6 : f32 to vector<16xf32>
      %add3A_33 = arith.addf %broadcast_in_dim3A_30, %add3A_32 : vector<16xf32>
      %gt3A = arith.constant 0.000000e+00 : f32
      %gt3A_34 = vector.broadcast %gt3A : f32 to vector<16xf32>
      %gt3A_35 = arith.cmpf ogt, %add3A_31, %gt3A_34 : vector<16xf32>
      %max3A = arith.constant 1.000000e+00 : f32
      %max3A_36 = vector.broadcast %max3A : f32 to vector<16xf32>
      %max3A_37 = arith.maximumf %add3A_31, %max3A_36 : vector<16xf32>
      %div3A = arith.divf %add3A_33, %max3A_37 : vector<16xf32>
      %jit3A = arith.constant 0.000000e+00 : f32
      %broadcast_in_dim3A_38 = vector.broadcast %jit3A : f32 to vector<16xf32>
      %select_n3A = arith.select %gt3A_35, %div3A, %broadcast_in_dim3A_38 : vector<16xi1>, vector<16xf32>
      %add3A_39 = vector.broadcast %scan3A_14#4 : f32 to vector<16xf32>
      %add3A_40 = arith.addf %broadcast_in_dim3A_30, %add3A_39 : vector<16xf32>
      %add3A_41 = vector.broadcast %scan3A_28#4 : f32 to vector<16xf32>
      %add3A_42 = arith.addf %broadcast_in_dim3A_30, %add3A_41 : vector<16xf32>
      %add3A_43 = arith.addf %add3A_40, %add3A_42 : vector<16xf32>
      %sub3A_44 = arith.subf %sub3A_16, %scan3A_28#3 : f32
      %add3A_45 = vector.broadcast %sub3A_44 : f32 to vector<16xf32>
      %add3A_46 = arith.addf %broadcast_in_dim3A_30, %add3A_45 : vector<16xf32>
      %mul3A = arith.mulf %add3A_46, %select_n3A : vector<16xf32>
      %add3A_47 = arith.addf %add3A_43, %mul3A : vector<16xf32>
      %get3A = arith.constant 0 : index
      %get3A_48 = tpu.vector_load %arg12[%get3A] {strides = array<i32>} : memref<16xf32, #tpu.memory_space<vmem>>, vector<16xf32>,
      %iota3A = tpu.iota {dimensions = array<i32: 0>} : vector<16xi32>
      %eq3A_49 = arith.constant 0 : i32
      %eq3A_50 = vector.broadcast %eq3A_49 : i32 to vector<16xi32>
      %eq3A_51 = arith.cmpi eq, %iota3A, %eq3A_50 : vector<16xi32>
      %jit3A_52 = arith.constant 0.000000e+00 : f32
      %broadcast_in_dim3A_53 = vector.broadcast %jit3A_52 : f32 to vector<16xf32>
      %select_n3A_54 = arith.select %eq3A_51, %get3A_48, %broadcast_in_dim3A_53 : vector<16xi1>, vector<16xf32>
      %reduce_sum3A = arith.constant true
      %reduce_sum3A_55 = vector.broadcast %reduce_sum3A : i1 to vector<16xi1>
      %reduce_sum3A_56 = tpu.scan <sum>, %select_n3A_54 masked %reduce_sum3A_55 : vector<16xf32>, vector<16xi1> -> vector<16xf32>
      %reduce_sum3A_57 = vector.extract %reduce_sum3A_56[15] : f32 from vector<16xf32>
      %iota3A_58 = tpu.iota {dimensions = array<i32: 0>} : vector<16xi32>
      %eq3A_59 = arith.constant 1 : i32
      %eq3A_60 = vector.broadcast %eq3A_59 : i32 to vector<16xi32>
      %eq3A_61 = arith.cmpi eq, %iota3A_58, %eq3A_60 : vector<16xi32>
      %jit3A_62 = arith.constant 0.000000e+00 : f32
      %broadcast_in_dim3A_63 = vector.broadcast %jit3A_62 : f32 to vector<16xf32>
      %select_n3A_64 = arith.select %eq3A_61, %get3A_48, %broadcast_in_dim3A_63 : vector<16xi1>, vector<16xf32>
      %reduce_sum3A_65 = arith.constant true
      %reduce_sum3A_66 = vector.broadcast %reduce_sum3A_65 : i1 to vector<16xi1>
      %reduce_sum3A_67 = tpu.scan <sum>, %select_n3A_64 masked %reduce_sum3A_66 : vector<16xf32>, vector<16xi1> -> vector<16xf32>
      %reduce_sum3A_68 = vector.extract %reduce_sum3A_67[15] : f32 from vector<16xf32>
      %iota3A_69 = tpu.iota {dimensions = array<i32: 0>} : vector<16xi32>
      %eq3A_70 = arith.constant 2 : i32
      %eq3A_71 = vector.broadcast %eq3A_70 : i32 to vector<16xi32>
      %eq3A_72 = arith.cmpi eq, %iota3A_69, %eq3A_71 : vector<16xi32>
      %jit3A_73 = arith.constant 0.000000e+00 : f32
      %broadcast_in_dim3A_74 = vector.broadcast %jit3A_73 : f32 to vector<16xf32>
      %select_n3A_75 = arith.select %eq3A_72, %get3A_48, %broadcast_in_dim3A_74 : vector<16xi1>, vector<16xf32>
      %reduce_sum3A_76 = arith.constant true
      %reduce_sum3A_77 = vector.broadcast %reduce_sum3A_76 : i1 to vector<16xi1>
      %reduce_sum3A_78 = tpu.scan <sum>, %select_n3A_75 masked %reduce_sum3A_77 : vector<16xf32>, vector<16xi1> -> vector<16xf32>
      %reduce_sum3A_79 = vector.extract %reduce_sum3A_78[15] : f32 from vector<16xf32>
      %add3A_80 = vector.broadcast %reduce_sum3A_57 : f32 to vector<16xf32>
      %add3A_81 = arith.addf %broadcast_in_dim3A_30, %add3A_80 : vector<16xf32>
      %add3A_82 = vector.broadcast %reduce_sum3A_68 : f32 to vector<16xf32>
      %add3A_83 = arith.addf %broadcast_in_dim3A_30, %add3A_82 : vector<16xf32>
      %add3A_84 = arith.constant 9.99999997E-7 : f32
      %add3A_85 = vector.broadcast %add3A_84 : f32 to vector<16xf32>
      %add3A_86 = arith.addf %add3A_83, %add3A_85 : vector<16xf32>
      %div3A_87 = arith.divf %add3A_81, %add3A_86 : vector<16xf32>
      %add3A_88 = vector.broadcast %reduce_sum3A_79 : f32 to vector<16xf32>
      %add3A_89 = arith.addf %broadcast_in_dim3A_30, %add3A_88 : vector<16xf32>
      %add3A_90 = arith.constant 9.99999997E-7 : f32
      %add3A_91 = vector.broadcast %add3A_90 : f32 to vector<16xf32>
      %add3A_92 = arith.addf %add3A_89, %add3A_91 : vector<16xf32>
      %div3A_93 = arith.divf %add3A_47, %add3A_92 : vector<16xf32>
      %add3A_94 = arith.addf %div3A_87, %div3A_93 : vector<16xf32>
      %swap3A = arith.constant 0 : index
      %swap3A_95 = tpu.vector_load %arg13[%swap3A] {strides = array<i32>} : memref<16xf32, #tpu.memory_space<vmem>>, vector<16xf32>,
      tpu.vector_store %arg13[%swap3A], %add3A_94 {strides = array<i32>} : memref<16xf32, #tpu.memory_space<vmem>>, vector<16xf32>,
      "tpu.region"() ({
        %run_scoped3A = tpu.sem_alloc : memref<!tpu.dma_semaphore, #tpu.memory_space<semaphore_mem>>
        tpu.enqueue_dma source(%arg13 : memref<16xf32, #tpu.memory_space<vmem>>) target(%arg7 : memref<16xf32, #tpu.memory_space<hbm>>) target_semaphore(%run_scoped3A : memref<!tpu.dma_semaphore, #tpu.memory_space<semaphore_mem>>)
        tpu.wait_dma2 semaphore(%run_scoped3A : memref<!tpu.dma_semaphore, #tpu.memory_space<semaphore_mem>>) src(%arg13 : memref<16xf32, #tpu.memory_space<vmem>>) dst(%arg7 : memref<16xf32, #tpu.memory_space<hbm>>)
        tpu.yield
      }) : () -> ()
    } else {
    }
    return
  }
}

#map = affine_map<(d0, d1) -> (0, 0)>
module attributes {stable_mosaic.version = 14 : i64} {
  func.func @_sc_hist2(%arg0: i32, %arg1: i32, %arg2: memref<4096x512xi32, #tpu.memory_space<hbm>>, %arg3: memref<2x1088xf32, #tpu.memory_space<hbm>>, %arg4: memref<2x1088xf32, #tpu.memory_space<hbm>>, %arg5: memref<2x1088xf32, #tpu.memory_space<hbm>>, %arg6: memref<128x512xi32, #tpu.memory_space<vmem>>, %arg7: memref<2x1088xf32, #tpu.memory_space<vmem>>, %arg8: memref<1088xf32, #tpu.memory_space<vmem>>, %arg9: memref<1088xf32, #tpu.memory_space<vmem>>, %arg10: memref<1088xi32, #tpu.memory_space<vmem>>, %arg11: memref<1088xf32, #tpu.memory_space<vmem_shared>>, %arg12: memref<1088xf32, #tpu.memory_space<vmem_shared>>, %arg13: memref<!tpu.dma_semaphore, #tpu.memory_space<semaphore_mem>>, %arg14: memref<!tpu.dma_semaphore, #tpu.memory_space<semaphore_mem>>) attributes {dimension_semantics = [#tpu.dimension_semantics<core_parallel>, #tpu.dimension_semantics<subcore_parallel>], iteration_bounds = array<i64: 2, 16>, scalar_prefetch = 0 : i64, scratch_operands = 9 : i64, tpu.core_type = #tpu.core_type<sc_vector_subcore>, window_params = [{transform_indices = #map}, {transform_indices = #map}, {transform_indices = #map}, {transform_indices = #map}]} {
    %mul3A = arith.constant 16 : i32
    %mul3A_0 = arith.muli %arg0, %mul3A : i32
    %add3A = arith.addi %mul3A_0, %arg1 : i32
    %mul3A_1 = arith.constant 128 : i32
    %mul3A_2 = arith.muli %add3A, %mul3A_1 : i32
    %dma_start3A = arith.constant 0 : i32
    %dma_start3A_3 = arith.constant 0 : i32
    %dma_start3A_4 = tpu.memref_slice %arg6[%dma_start3A, %dma_start3A_3] : memref<128x512xi32, #tpu.memory_space<vmem>> -> memref<64x512xi32, #tpu.memory_space<vmem>>
    %dma_start3A_5 = arith.constant 0 : i32
    %dma_start3A_6 = tpu.memref_slice %arg2[%mul3A_2, %dma_start3A_5] : memref<4096x512xi32, #tpu.memory_space<hbm>> -> memref<64x512xi32, #tpu.memory_space<hbm>>
    %dma_start3A_7 = arith.constant 0 : i32
    %dma_start3A_8 = arith.constant 0 : i32
    %dma_start3A_9 = tpu.memref_slice %arg6[%dma_start3A_7, %dma_start3A_8] : memref<128x512xi32, #tpu.memory_space<vmem>> -> memref<64x512xi32, #tpu.memory_space<vmem>>
    %dma_start3A_10 = arith.constant 0 : i32
    %dma_start3A_11 = tpu.memref_slice %arg2[%mul3A_2, %dma_start3A_10] : memref<4096x512xi32, #tpu.memory_space<hbm>> -> memref<64x512xi32, #tpu.memory_space<hbm>>
    tpu.enqueue_dma source(%dma_start3A_11 : memref<64x512xi32, #tpu.memory_space<hbm>>) target(%dma_start3A_9 : memref<64x512xi32, #tpu.memory_space<vmem>>) target_semaphore(%arg13 : memref<!tpu.dma_semaphore, #tpu.memory_space<semaphore_mem>>)
    %mul3A_12 = arith.constant 128 : i32
    %mul3A_13 = arith.muli %add3A, %mul3A_12 : i32
    %add3A_14 = arith.constant 64 : i32
    %add3A_15 = arith.addi %mul3A_13, %add3A_14 : i32
    %dma_start3A_16 = arith.constant 64 : i32
    %dma_start3A_17 = arith.constant 0 : i32
    %dma_start3A_18 = tpu.memref_slice %arg6[%dma_start3A_16, %dma_start3A_17] : memref<128x512xi32, #tpu.memory_space<vmem>> -> memref<64x512xi32, #tpu.memory_space<vmem>>
    %dma_start3A_19 = arith.constant 0 : i32
    %dma_start3A_20 = tpu.memref_slice %arg2[%add3A_15, %dma_start3A_19] : memref<4096x512xi32, #tpu.memory_space<hbm>> -> memref<64x512xi32, #tpu.memory_space<hbm>>
    %dma_start3A_21 = arith.constant 64 : i32
    %dma_start3A_22 = arith.constant 0 : i32
    %dma_start3A_23 = tpu.memref_slice %arg6[%dma_start3A_21, %dma_start3A_22] : memref<128x512xi32, #tpu.memory_space<vmem>> -> memref<64x512xi32, #tpu.memory_space<vmem>>
    %dma_start3A_24 = arith.constant 0 : i32
    %dma_start3A_25 = tpu.memref_slice %arg2[%add3A_15, %dma_start3A_24] : memref<4096x512xi32, #tpu.memory_space<hbm>> -> memref<64x512xi32, #tpu.memory_space<hbm>>
    tpu.enqueue_dma source(%dma_start3A_25 : memref<64x512xi32, #tpu.memory_space<hbm>>) target(%dma_start3A_23 : memref<64x512xi32, #tpu.memory_space<vmem>>) target_semaphore(%arg14 : memref<!tpu.dma_semaphore, #tpu.memory_space<semaphore_mem>>)
    "tpu.region"() ({
      %run_scoped3A = tpu.sem_alloc : memref<!tpu.dma_semaphore, #tpu.memory_space<semaphore_mem>>
      tpu.enqueue_dma source(%arg3 : memref<2x1088xf32, #tpu.memory_space<hbm>>) target(%arg7 : memref<2x1088xf32, #tpu.memory_space<vmem>>) target_semaphore(%run_scoped3A : memref<!tpu.dma_semaphore, #tpu.memory_space<semaphore_mem>>)
      tpu.wait_dma2 semaphore(%run_scoped3A : memref<!tpu.dma_semaphore, #tpu.memory_space<semaphore_mem>>) src(%arg3 : memref<2x1088xf32, #tpu.memory_space<hbm>>) dst(%arg7 : memref<2x1088xf32, #tpu.memory_space<vmem>>)
      tpu.yield
    }) : () -> ()
    %scan3A = arith.constant 0 : i32
    %scan3A_26 = arith.constant 68 : i32
    %scan3A_27 = arith.addi %scan3A, %scan3A_26 : i32
    %scan3A_28 = arith.constant 1 : i32
    scf.for %scan3A_83 = %scan3A to %scan3A_27 step %scan3A_28  : i32 {
      %mul3A_84 = arith.constant 1 : i32
      %mul3A_85 = arith.muli %scan3A_83, %mul3A_84 : i32
      %add3A_86 = arith.constant 0 : i32
      %add3A_87 = arith.addi %add3A_86, %mul3A_85 : i32
      %broadcast_in_dim3A_88 = arith.constant 0.000000e+00 : f32
      %broadcast_in_dim3A_89 = vector.broadcast %broadcast_in_dim3A_88 : f32 to vector<16xf32>
      %mul3A_90 = arith.constant 16 : i32
      %mul3A_91 = arith.muli %add3A_87, %mul3A_90 : i32
      %swap3A = arith.index_cast %mul3A_91 : i32 to index
      %swap3A_92 = tpu.vector_load %arg8[%swap3A] {strides = array<i32>} : memref<1088xf32, #tpu.memory_space<vmem>>, vector<16xf32>,
      tpu.vector_store %arg8[%swap3A], %broadcast_in_dim3A_89 {strides = array<i32>} : memref<1088xf32, #tpu.memory_space<vmem>>, vector<16xf32>,
      %mul3A_93 = arith.constant 16 : i32
      %mul3A_94 = arith.muli %add3A_87, %mul3A_93 : i32
      %swap3A_95 = arith.index_cast %mul3A_94 : i32 to index
      %swap3A_96 = tpu.vector_load %arg9[%swap3A_95] {strides = array<i32>} : memref<1088xf32, #tpu.memory_space<vmem>>, vector<16xf32>,
      tpu.vector_store %arg9[%swap3A_95], %broadcast_in_dim3A_89 {strides = array<i32>} : memref<1088xf32, #tpu.memory_space<vmem>>, vector<16xf32>,
      %iota3A = tpu.iota {dimensions = array<i32: 0>} : vector<16xi32>
      %mul3A_97 = arith.constant 16 : i32
      %mul3A_98 = arith.muli %add3A_87, %mul3A_97 : i32
      %add3A_99 = vector.broadcast %mul3A_98 : i32 to vector<16xi32>
      %add3A_100 = arith.addi %iota3A, %add3A_99 : vector<16xi32>
      %mul3A_101 = arith.constant 16 : i32
      %mul3A_102 = arith.muli %add3A_87, %mul3A_101 : i32
      %swap3A_103 = arith.index_cast %mul3A_102 : i32 to index
      %swap3A_104 = tpu.vector_load %arg10[%swap3A_103] {strides = array<i32>} : memref<1088xi32, #tpu.memory_space<vmem>>, vector<16xi32>,
      tpu.vector_store %arg10[%swap3A_103], %add3A_100 {strides = array<i32>} : memref<1088xi32, #tpu.memory_space<vmem>>, vector<16xi32>,
    }
    %scan3A_29 = arith.constant 68 : i32
    %eq3A = arith.constant 0 : i32
    %eq3A_30 = arith.cmpi eq, %arg1, %eq3A : i32
    %convert_element_type3A = arith.extui %eq3A_30 : i1 to i32
    %cond3A = arith.constant 0 : i32
    %cond3A_31 = arith.cmpi ne, %convert_element_type3A, %cond3A : i32
    scf.if %cond3A_31 {
      "tpu.region"() ({
        %run_scoped3A = tpu.sem_alloc : memref<!tpu.dma_semaphore, #tpu.memory_space<semaphore_mem>>
        tpu.enqueue_dma source(%arg8 : memref<1088xf32, #tpu.memory_space<vmem>>) target(%arg11 : memref<1088xf32, #tpu.memory_space<vmem_shared>>) target_semaphore(%run_scoped3A : memref<!tpu.dma_semaphore, #tpu.memory_space<semaphore_mem>>)
        tpu.wait_dma2 semaphore(%run_scoped3A : memref<!tpu.dma_semaphore, #tpu.memory_space<semaphore_mem>>) src(%arg8 : memref<1088xf32, #tpu.memory_space<vmem>>) dst(%arg11 : memref<1088xf32, #tpu.memory_space<vmem_shared>>)
        tpu.yield
      }) : () -> ()
      "tpu.region"() ({
        %run_scoped3A = tpu.sem_alloc : memref<!tpu.dma_semaphore, #tpu.memory_space<semaphore_mem>>
        tpu.enqueue_dma source(%arg9 : memref<1088xf32, #tpu.memory_space<vmem>>) target(%arg12 : memref<1088xf32, #tpu.memory_space<vmem_shared>>) target_semaphore(%run_scoped3A : memref<!tpu.dma_semaphore, #tpu.memory_space<semaphore_mem>>)
        tpu.wait_dma2 semaphore(%run_scoped3A : memref<!tpu.dma_semaphore, #tpu.memory_space<semaphore_mem>>) src(%arg9 : memref<1088xf32, #tpu.memory_space<vmem>>) dst(%arg12 : memref<1088xf32, #tpu.memory_space<vmem_shared>>)
        tpu.yield
      }) : () -> ()
    } else {
    }
    %scan3A_32 = arith.constant 0.000000e+00 : f32
    %scan3A_33 = arith.constant 0 : i32
    %scan3A_34 = arith.constant 0.000000e+00 : f32
    %scan3A_35 = arith.constant 0 : i32
    %scan3A_36 = arith.constant 64 : i32
    %scan3A_37 = arith.addi %scan3A_35, %scan3A_36 : i32
    %scan3A_38 = arith.constant 1 : i32
    %scan3A_39:3 = scf.for %scan3A_83 = %scan3A_35 to %scan3A_37 step %scan3A_38 iter_args(%scan3A_84 = %scan3A_32, %scan3A_85 = %scan3A_33, %scan3A_86 = %scan3A_34) -> (f32, i32, f32)  : i32 {
      %mul3A_87 = arith.constant 16 : i32
      %mul3A_88 = arith.muli %scan3A_83, %mul3A_87 : i32
      %get3A = arith.constant 0 : i32
      %get3A_89 = arith.index_cast %get3A : i32 to index
      %get3A_90 = arith.index_cast %mul3A_88 : i32 to index
      %get3A_91 = tpu.vector_load %arg7[%get3A_89, %get3A_90] {strides = array<i32>} : memref<2x1088xf32, #tpu.memory_space<vmem>>, vector<16xf32>,
      %mul3A_92 = arith.constant 16 : i32
      %mul3A_93 = arith.muli %scan3A_83, %mul3A_92 : i32
      %get3A_94 = arith.constant 1 : i32
      %get3A_95 = arith.index_cast %get3A_94 : i32 to index
      %get3A_96 = arith.index_cast %mul3A_93 : i32 to index
      %get3A_97 = tpu.vector_load %arg7[%get3A_95, %get3A_96] {strides = array<i32>} : memref<2x1088xf32, #tpu.memory_space<vmem>>, vector<16xf32>,
      %add3A_98 = arith.addf %get3A_91, %get3A_97 : vector<16xf32>
      %broadcast_in_dim3A_99 = arith.constant true
      %broadcast_in_dim3A_100 = vector.broadcast %broadcast_in_dim3A_99 : i1 to vector<16xi1>
      %masked_cumsum3A = tpu.scan <sum>, %add3A_98 masked %broadcast_in_dim3A_100 : vector<16xf32>, vector<16xi1> -> vector<16xf32>
      %reduce_max3A = arith.constant true
      %reduce_max3A_101 = vector.broadcast %reduce_max3A : i1 to vector<16xi1>
      %reduce_max3A_102 = tpu.scan <max>, %masked_cumsum3A masked %reduce_max3A_101 : vector<16xf32>, vector<16xi1> -> vector<16xf32>
      %reduce_max3A_103 = vector.extract %reduce_max3A_102[15] : f32 from vector<16xf32>
      %add3A_104 = arith.addf %scan3A_84, %reduce_max3A_103 : f32
      %add3A_105 = vector.broadcast %scan3A_84 : f32 to vector<16xf32>
      %add3A_106 = arith.addf %masked_cumsum3A, %add3A_105 : vector<16xf32>
      %ge3A = arith.constant 0x49C00000 : f32
      %ge3A_107 = vector.broadcast %ge3A : f32 to vector<16xf32>
      %ge3A_108 = arith.cmpf oge, %add3A_106, %ge3A_107 : vector<16xf32>
      %lt3A = arith.constant 0x49C00000 : f32
      %lt3A_109 = arith.cmpf olt, %scan3A_84, %lt3A : f32
      %ge3A_110 = arith.constant 0x49C00000 : f32
      %ge3A_111 = arith.cmpf oge, %add3A_104, %ge3A_110 : f32
      %and3A = arith.andi %lt3A_109, %ge3A_111 : i1
      %all_reduce_ffs3A = tpu.all_reduce %ge3A_108 {dim = 0 : i64, kind = #tpu.reduction_kind<find_first_set>} : vector<16xi1> -> vector<16xi32>
      %reduce_max3A_112 = arith.constant true
      %reduce_max3A_113 = vector.broadcast %reduce_max3A_112 : i1 to vector<16xi1>
      %reduce_max3A_114 = arith.constant -2147483648 : i32
      %reduce_max3A_115 = vector.broadcast %reduce_max3A_114 : i32 to vector<16xi32>
      %reduce_max3A_116 = arith.xori %all_reduce_ffs3A, %reduce_max3A_115 : vector<16xi32>
      %reduce_max3A_117 = tpu.scan <max>, %reduce_max3A_116 masked %reduce_max3A_113 : vector<16xi32>, vector<16xi1> -> vector<16xi32>
      %reduce_max3A_118 = arith.xori %reduce_max3A_117, %reduce_max3A_115 : vector<16xi32>
      %reduce_max3A_119 = vector.extract %reduce_max3A_118[15] : i32 from vector<16xi32>
      %iota3A = tpu.iota {dimensions = array<i32: 0>} : vector<16xi32>
      %eq3A_120 = vector.broadcast %reduce_max3A_119 : i32 to vector<16xi32>
      %eq3A_121 = arith.cmpi eq, %iota3A, %eq3A_120 : vector<16xi32>
      %sub3A = arith.subf %masked_cumsum3A, %add3A_98 : vector<16xf32>
      %jit3A = arith.constant 0.000000e+00 : f32
      %broadcast_in_dim3A_122 = vector.broadcast %jit3A : f32 to vector<16xf32>
      %select_n3A = arith.select %eq3A_121, %sub3A, %broadcast_in_dim3A_122 : vector<16xi1>, vector<16xf32>
      %reduce_sum3A = arith.constant true
      %reduce_sum3A_123 = vector.broadcast %reduce_sum3A : i1 to vector<16xi1>
      %reduce_sum3A_124 = tpu.scan <sum>, %select_n3A masked %reduce_sum3A_123 : vector<16xf32>, vector<16xi1> -> vector<16xf32>
      %reduce_sum3A_125 = vector.extract %reduce_sum3A_124[15] : f32 from vector<16xf32>
      %mul3A_126 = arith.constant 16 : i32
      %mul3A_127 = arith.muli %scan3A_83, %mul3A_126 : i32
      %add3A_128 = arith.addi %mul3A_127, %reduce_max3A_119 : i32
      %select_n3A_129 = arith.select %and3A, %add3A_128, %scan3A_85 : i32
      %add3A_130 = arith.addf %scan3A_84, %reduce_sum3A_125 : f32
      %select_n3A_131 = arith.select %and3A, %add3A_130, %scan3A_86 : f32
      scf.yield %add3A_104, %select_n3A_129, %select_n3A_131 : f32, i32, f32
    }
    %scan3A_40 = arith.constant 64 : i32
    %barrier3A = arith.constant 0 : index
    tpu.barrier barrier_id(%barrier3A)
    %dma_wait3A = arith.constant 0 : i32
    %dma_wait3A_41 = arith.constant 0 : i32
    %dma_wait3A_42 = tpu.memref_slice %arg6[%dma_wait3A, %dma_wait3A_41] : memref<128x512xi32, #tpu.memory_space<vmem>> -> memref<64x512xi32, #tpu.memory_space<vmem>>
    %dma_wait3A_43 = arith.constant 0 : i32
    %dma_wait3A_44 = tpu.memref_slice %arg2[%mul3A_2, %dma_wait3A_43] : memref<4096x512xi32, #tpu.memory_space<hbm>> -> memref<64x512xi32, #tpu.memory_space<hbm>>
    %dma_wait3A_45 = arith.constant 0 : i32
    %dma_wait3A_46 = arith.constant 0 : i32
    %dma_wait3A_47 = tpu.memref_slice %arg6[%dma_wait3A_45, %dma_wait3A_46] : memref<128x512xi32, #tpu.memory_space<vmem>> -> memref<64x512xi32, #tpu.memory_space<vmem>>
    %dma_wait3A_48 = arith.constant 0 : i32
    %dma_wait3A_49 = tpu.memref_slice %arg2[%mul3A_2, %dma_wait3A_48] : memref<4096x512xi32, #tpu.memory_space<hbm>> -> memref<64x512xi32, #tpu.memory_space<hbm>>
    tpu.wait_dma2 semaphore(%arg13 : memref<!tpu.dma_semaphore, #tpu.memory_space<semaphore_mem>>) src(%dma_wait3A_49 : memref<64x512xi32, #tpu.memory_space<hbm>>) dst(%dma_wait3A_47 : memref<64x512xi32, #tpu.memory_space<vmem>>)
    %broadcast_in_dim3A = arith.constant 0.000000e+00 : f32
    %broadcast_in_dim3A_50 = vector.broadcast %broadcast_in_dim3A : f32 to vector<16xf32>
    %broadcast_in_dim3A_51 = arith.constant 1.000000e+00 : f32
    %broadcast_in_dim3A_52 = vector.broadcast %broadcast_in_dim3A_51 : f32 to vector<16xf32>
    %parallel_loop3A = arith.constant 0 : i32
    %parallel_loop3A_53 = arith.constant 2048 : i32
    %parallel_loop3A_54 = arith.constant 1 : i32
    %parallel_loop3A_55 = scf.for %parallel_loop3A_83 = %parallel_loop3A to %parallel_loop3A_53 step %parallel_loop3A_54 iter_args(%parallel_loop3A_84 = %broadcast_in_dim3A_50) -> (vector<16xf32>)  : i32 {
      %parallel_loop3A_85 = arith.constant 5 : i32
      %parallel_loop3A_86 = arith.shrsi %parallel_loop3A_83, %parallel_loop3A_85 : i32
      %parallel_loop3A_87 = arith.constant 31 : i32
      %parallel_loop3A_88 = arith.andi %parallel_loop3A_83, %parallel_loop3A_87 : i32
      %parallel_loop3A_89 = arith.constant 16 : i32
      %parallel_loop3A_90 = arith.muli %parallel_loop3A_88, %parallel_loop3A_89 : i32
      %parallel_loop3A_91 = arith.index_cast %parallel_loop3A_86 : i32 to index
      %parallel_loop3A_92 = arith.index_cast %parallel_loop3A_90 : i32 to index
      %parallel_loop3A_93 = tpu.vector_load %arg6[%parallel_loop3A_91, %parallel_loop3A_92] {strides = array<i32>} : memref<128x512xi32, #tpu.memory_space<vmem>>, vector<16xi32>,
      %parallel_loop3A_94 = arith.constant 21 : i32
      %parallel_loop3A_95 = vector.broadcast %parallel_loop3A_94 : i32 to vector<16xi32>
      %parallel_loop3A_96 = arith.shrsi %parallel_loop3A_93, %parallel_loop3A_95 : vector<16xi32>
      %parallel_loop3A_97 = vector.broadcast %scan3A_39#1 : i32 to vector<16xi32>
      %parallel_loop3A_98 = arith.cmpi eq, %parallel_loop3A_96, %parallel_loop3A_97 : vector<16xi32>
      %parallel_loop3A_99 = arith.constant 0 : i32
      %parallel_loop3A_100 = vector.broadcast %parallel_loop3A_99 : i32 to vector<16xi32>
      %parallel_loop3A_101 = arith.cmpi ne, %parallel_loop3A_93, %parallel_loop3A_100 : vector<16xi32>
      %parallel_loop3A_102 = arith.andi %parallel_loop3A_98, %parallel_loop3A_101 : vector<16xi1>
      %parallel_loop3A_103 = arith.constant 11 : i32
      %parallel_loop3A_104 = vector.broadcast %parallel_loop3A_103 : i32 to vector<16xi32>
      %parallel_loop3A_105 = arith.shrsi %parallel_loop3A_93, %parallel_loop3A_104 : vector<16xi32>
      %parallel_loop3A_106 = arith.constant 1023 : i32
      %parallel_loop3A_107 = vector.broadcast %parallel_loop3A_106 : i32 to vector<16xi32>
      %parallel_loop3A_108 = arith.andi %parallel_loop3A_105, %parallel_loop3A_107 : vector<16xi32>
      %parallel_loop3A_109 = vector.bitcast %parallel_loop3A_93 : vector<16xi32> to vector<16xf32>
      tpu.vector_store_idx %arg8[%parallel_loop3A_108], %broadcast_in_dim3A_52 masked %parallel_loop3A_102 {add = true} : memref<1088xf32, #tpu.memory_space<vmem>>[vector<16xi32>], vector<16xf32>, vector<16xi1>
      tpu.vector_store_idx %arg9[%parallel_loop3A_108], %parallel_loop3A_109 masked %parallel_loop3A_102 {add = true} : memref<1088xf32, #tpu.memory_space<vmem>>[vector<16xi32>], vector<16xf32>, vector<16xi1>
      %parallel_loop3A_110 = arith.constant 0 : i32
      %parallel_loop3A_111 = vector.broadcast %parallel_loop3A_110 : i32 to vector<16xi32>
      %parallel_loop3A_112 = arith.cmpi eq, %parallel_loop3A_93, %parallel_loop3A_111 : vector<16xi32>
      %parallel_loop3A_113 = arith.constant 1.000000e+00 : f32
      %parallel_loop3A_114 = arith.constant 0.000000e+00 : f32
      %parallel_loop3A_115 = vector.broadcast %parallel_loop3A_113 : f32 to vector<16xf32>
      %parallel_loop3A_116 = vector.broadcast %parallel_loop3A_114 : f32 to vector<16xf32>
      %parallel_loop3A_117 = arith.select %parallel_loop3A_112, %parallel_loop3A_115, %parallel_loop3A_116 : vector<16xi1>, vector<16xf32>
      %parallel_loop3A_118 = arith.addf %parallel_loop3A_84, %parallel_loop3A_117 : vector<16xf32>
      scf.yield %parallel_loop3A_118 : vector<16xf32>
    } {sc.loop_unroll_factor = 8 : i64, sc.parallel_access}
    %dma_wait3A_56 = arith.constant 64 : i32
    %dma_wait3A_57 = arith.constant 0 : i32
    %dma_wait3A_58 = tpu.memref_slice %arg6[%dma_wait3A_56, %dma_wait3A_57] : memref<128x512xi32, #tpu.memory_space<vmem>> -> memref<64x512xi32, #tpu.memory_space<vmem>>
    %dma_wait3A_59 = arith.constant 0 : i32
    %dma_wait3A_60 = tpu.memref_slice %arg2[%add3A_15, %dma_wait3A_59] : memref<4096x512xi32, #tpu.memory_space<hbm>> -> memref<64x512xi32, #tpu.memory_space<hbm>>
    %dma_wait3A_61 = arith.constant 64 : i32
    %dma_wait3A_62 = arith.constant 0 : i32
    %dma_wait3A_63 = tpu.memref_slice %arg6[%dma_wait3A_61, %dma_wait3A_62] : memref<128x512xi32, #tpu.memory_space<vmem>> -> memref<64x512xi32, #tpu.memory_space<vmem>>
    %dma_wait3A_64 = arith.constant 0 : i32
    %dma_wait3A_65 = tpu.memref_slice %arg2[%add3A_15, %dma_wait3A_64] : memref<4096x512xi32, #tpu.memory_space<hbm>> -> memref<64x512xi32, #tpu.memory_space<hbm>>
    tpu.wait_dma2 semaphore(%arg14 : memref<!tpu.dma_semaphore, #tpu.memory_space<semaphore_mem>>) src(%dma_wait3A_65 : memref<64x512xi32, #tpu.memory_space<hbm>>) dst(%dma_wait3A_63 : memref<64x512xi32, #tpu.memory_space<vmem>>)
    %broadcast_in_dim3A_66 = arith.constant 1.000000e+00 : f32
    %broadcast_in_dim3A_67 = vector.broadcast %broadcast_in_dim3A_66 : f32 to vector<16xf32>
    %parallel_loop3A_68 = arith.constant 2048 : i32
    %parallel_loop3A_69 = arith.constant 4096 : i32
    %parallel_loop3A_70 = arith.constant 1 : i32
    %parallel_loop3A_71 = scf.for %parallel_loop3A_83 = %parallel_loop3A_68 to %parallel_loop3A_69 step %parallel_loop3A_70 iter_args(%parallel_loop3A_84 = %parallel_loop3A_55) -> (vector<16xf32>)  : i32 {
      %parallel_loop3A_85 = arith.constant 5 : i32
      %parallel_loop3A_86 = arith.shrsi %parallel_loop3A_83, %parallel_loop3A_85 : i32
      %parallel_loop3A_87 = arith.constant 31 : i32
      %parallel_loop3A_88 = arith.andi %parallel_loop3A_83, %parallel_loop3A_87 : i32
      %parallel_loop3A_89 = arith.constant 16 : i32
      %parallel_loop3A_90 = arith.muli %parallel_loop3A_88, %parallel_loop3A_89 : i32
      %parallel_loop3A_91 = arith.index_cast %parallel_loop3A_86 : i32 to index
      %parallel_loop3A_92 = arith.index_cast %parallel_loop3A_90 : i32 to index
      %parallel_loop3A_93 = tpu.vector_load %arg6[%parallel_loop3A_91, %parallel_loop3A_92] {strides = array<i32>} : memref<128x512xi32, #tpu.memory_space<vmem>>, vector<16xi32>,
      %parallel_loop3A_94 = arith.constant 21 : i32
      %parallel_loop3A_95 = vector.broadcast %parallel_loop3A_94 : i32 to vector<16xi32>
      %parallel_loop3A_96 = arith.shrsi %parallel_loop3A_93, %parallel_loop3A_95 : vector<16xi32>
      %parallel_loop3A_97 = vector.broadcast %scan3A_39#1 : i32 to vector<16xi32>
      %parallel_loop3A_98 = arith.cmpi eq, %parallel_loop3A_96, %parallel_loop3A_97 : vector<16xi32>
      %parallel_loop3A_99 = arith.constant 0 : i32
      %parallel_loop3A_100 = vector.broadcast %parallel_loop3A_99 : i32 to vector<16xi32>
      %parallel_loop3A_101 = arith.cmpi ne, %parallel_loop3A_93, %parallel_loop3A_100 : vector<16xi32>
      %parallel_loop3A_102 = arith.andi %parallel_loop3A_98, %parallel_loop3A_101 : vector<16xi1>
      %parallel_loop3A_103 = arith.constant 11 : i32
      %parallel_loop3A_104 = vector.broadcast %parallel_loop3A_103 : i32 to vector<16xi32>
      %parallel_loop3A_105 = arith.shrsi %parallel_loop3A_93, %parallel_loop3A_104 : vector<16xi32>
      %parallel_loop3A_106 = arith.constant 1023 : i32
      %parallel_loop3A_107 = vector.broadcast %parallel_loop3A_106 : i32 to vector<16xi32>
      %parallel_loop3A_108 = arith.andi %parallel_loop3A_105, %parallel_loop3A_107 : vector<16xi32>
      %parallel_loop3A_109 = vector.bitcast %parallel_loop3A_93 : vector<16xi32> to vector<16xf32>
      tpu.vector_store_idx %arg8[%parallel_loop3A_108], %broadcast_in_dim3A_67 masked %parallel_loop3A_102 {add = true} : memref<1088xf32, #tpu.memory_space<vmem>>[vector<16xi32>], vector<16xf32>, vector<16xi1>
      tpu.vector_store_idx %arg9[%parallel_loop3A_108], %parallel_loop3A_109 masked %parallel_loop3A_102 {add = true} : memref<1088xf32, #tpu.memory_space<vmem>>[vector<16xi32>], vector<16xf32>, vector<16xi1>
      %parallel_loop3A_110 = arith.constant 0 : i32
      %parallel_loop3A_111 = vector.broadcast %parallel_loop3A_110 : i32 to vector<16xi32>
      %parallel_loop3A_112 = arith.cmpi eq, %parallel_loop3A_93, %parallel_loop3A_111 : vector<16xi32>
      %parallel_loop3A_113 = arith.constant 1.000000e+00 : f32
      %parallel_loop3A_114 = arith.constant 0.000000e+00 : f32
      %parallel_loop3A_115 = vector.broadcast %parallel_loop3A_113 : f32 to vector<16xf32>
      %parallel_loop3A_116 = vector.broadcast %parallel_loop3A_114 : f32 to vector<16xf32>
      %parallel_loop3A_117 = arith.select %parallel_loop3A_112, %parallel_loop3A_115, %parallel_loop3A_116 : vector<16xi1>, vector<16xf32>
      %parallel_loop3A_118 = arith.addf %parallel_loop3A_84, %parallel_loop3A_117 : vector<16xf32>
      scf.yield %parallel_loop3A_118 : vector<16xf32>
    } {sc.loop_unroll_factor = 8 : i64, sc.parallel_access}
    %eq3A_72 = arith.constant 0 : i32
    %eq3A_73 = arith.cmpi eq, %scan3A_39#1, %eq3A_72 : i32
    %convert_element_type3A_74 = arith.extui %eq3A_73 : i1 to i32
    %cond3A_75 = arith.constant 0 : i32
    %cond3A_76 = arith.cmpi ne, %convert_element_type3A_74, %cond3A_75 : i32
    scf.if %cond3A_76 {
      %get3A = arith.constant 0 : index
      %get3A_83 = tpu.vector_load %arg8[%get3A] {strides = array<i32>} : memref<1088xf32, #tpu.memory_space<vmem>>, vector<16xf32>,
      %iota3A = tpu.iota {dimensions = array<i32: 0>} : vector<16xi32>
      %eq3A_84 = arith.constant 0 : i32
      %eq3A_85 = vector.broadcast %eq3A_84 : i32 to vector<16xi32>
      %eq3A_86 = arith.cmpi eq, %iota3A, %eq3A_85 : vector<16xi32>
      %reduce_sum3A = arith.constant true
      %reduce_sum3A_87 = vector.broadcast %reduce_sum3A : i1 to vector<16xi1>
      %reduce_sum3A_88 = tpu.scan <sum>, %parallel_loop3A_71 masked %reduce_sum3A_87 : vector<16xf32>, vector<16xi1> -> vector<16xf32>
      %reduce_sum3A_89 = vector.extract %reduce_sum3A_88[15] : f32 from vector<16xf32>
      %jit3A = arith.constant 0.000000e+00 : f32
      %broadcast_in_dim3A_90 = vector.broadcast %reduce_sum3A_89 : f32 to vector<16xf32>
      %broadcast_in_dim3A_91 = vector.broadcast %jit3A : f32 to vector<16xf32>
      %select_n3A = arith.select %eq3A_86, %broadcast_in_dim3A_90, %broadcast_in_dim3A_91 : vector<16xi1>, vector<16xf32>
      %add3A_92 = arith.addf %get3A_83, %select_n3A : vector<16xf32>
      %swap3A = arith.constant 0 : index
      %swap3A_93 = tpu.vector_load %arg8[%swap3A] {strides = array<i32>} : memref<1088xf32, #tpu.memory_space<vmem>>, vector<16xf32>,
      tpu.vector_store %arg8[%swap3A], %add3A_92 {strides = array<i32>} : memref<1088xf32, #tpu.memory_space<vmem>>, vector<16xf32>,
    } else {
    }
    "tpu.region"() ({
      %run_scoped3A = tpu.sem_alloc : memref<!tpu.dma_semaphore, #tpu.memory_space<semaphore_mem>>
      %dma_start3A_83 = arith.constant 0 : i32
      %dma_start3A_84 = tpu.memref_slice %arg11[%dma_start3A_83] : memref<1088xf32, #tpu.memory_space<vmem_shared>> -> memref<1088xf32, #tpu.memory_space<vmem_shared>>
      tpu.enqueue_indirect_dma source(%arg8 : memref<1088xf32, #tpu.memory_space<vmem>>) target(%dma_start3A_84 : memref<1088xf32, #tpu.memory_space<vmem_shared>>) offsets(%arg10 : memref<1088xi32, #tpu.memory_space<vmem>>) semaphore(%run_scoped3A : memref<!tpu.dma_semaphore, #tpu.memory_space<semaphore_mem>>) {add = true}
      %dma_wait3A_85 = arith.constant 0 : i32
      %dma_wait3A_86 = tpu.memref_slice %arg11[%dma_wait3A_85] : memref<1088xf32, #tpu.memory_space<vmem_shared>> -> memref<1088xf32, #tpu.memory_space<vmem_shared>>
      tpu.wait_indirect_dma semaphore(%run_scoped3A : memref<!tpu.dma_semaphore, #tpu.memory_space<semaphore_mem>>) src(%arg8 : memref<1088xf32, #tpu.memory_space<vmem>>) dst(%dma_wait3A_86 : memref<1088xf32, #tpu.memory_space<vmem_shared>>)
      tpu.yield
    }) : () -> ()
    "tpu.region"() ({
      %run_scoped3A = tpu.sem_alloc : memref<!tpu.dma_semaphore, #tpu.memory_space<semaphore_mem>>
      %dma_start3A_83 = arith.constant 0 : i32
      %dma_start3A_84 = tpu.memref_slice %arg12[%dma_start3A_83] : memref<1088xf32, #tpu.memory_space<vmem_shared>> -> memref<1088xf32, #tpu.memory_space<vmem_shared>>
      tpu.enqueue_indirect_dma source(%arg9 : memref<1088xf32, #tpu.memory_space<vmem>>) target(%dma_start3A_84 : memref<1088xf32, #tpu.memory_space<vmem_shared>>) offsets(%arg10 : memref<1088xi32, #tpu.memory_space<vmem>>) semaphore(%run_scoped3A : memref<!tpu.dma_semaphore, #tpu.memory_space<semaphore_mem>>) {add = true}
      %dma_wait3A_85 = arith.constant 0 : i32
      %dma_wait3A_86 = tpu.memref_slice %arg12[%dma_wait3A_85] : memref<1088xf32, #tpu.memory_space<vmem_shared>> -> memref<1088xf32, #tpu.memory_space<vmem_shared>>
      tpu.wait_indirect_dma semaphore(%run_scoped3A : memref<!tpu.dma_semaphore, #tpu.memory_space<semaphore_mem>>) src(%arg9 : memref<1088xf32, #tpu.memory_space<vmem>>) dst(%dma_wait3A_86 : memref<1088xf32, #tpu.memory_space<vmem_shared>>)
      tpu.yield
    }) : () -> ()
    %barrier3A_77 = arith.constant 0 : index
    tpu.barrier barrier_id(%barrier3A_77)
    %eq3A_78 = arith.constant 0 : i32
    %eq3A_79 = arith.cmpi eq, %arg1, %eq3A_78 : i32
    %convert_element_type3A_80 = arith.extui %eq3A_79 : i1 to i32
    %cond3A_81 = arith.constant 0 : i32
    %cond3A_82 = arith.cmpi ne, %convert_element_type3A_80, %cond3A_81 : i32
    scf.if %cond3A_82 {
      "tpu.region"() ({
        %run_scoped3A = tpu.sem_alloc : memref<!tpu.dma_semaphore, #tpu.memory_space<semaphore_mem>>
        %dma_start3A_83 = arith.constant 0 : i32
        %dma_start3A_84 = tpu.memref_slice %arg4[%arg0, %dma_start3A_83] : memref<2x1088xf32, #tpu.memory_space<hbm>> -> memref<1x1088xf32, #tpu.memory_space<hbm>>
        %dma_start3A_85 = tpu.memref_squeeze %dma_start3A_84 : memref<1x1088xf32, #tpu.memory_space<hbm>> -> memref<1088xf32, #tpu.memory_space<hbm>>
        tpu.enqueue_dma source(%arg11 : memref<1088xf32, #tpu.memory_space<vmem_shared>>) target(%dma_start3A_85 : memref<1088xf32, #tpu.memory_space<hbm>>) target_semaphore(%run_scoped3A : memref<!tpu.dma_semaphore, #tpu.memory_space<semaphore_mem>>)
        %dma_wait3A_86 = arith.constant 0 : i32
        %dma_wait3A_87 = tpu.memref_slice %arg4[%arg0, %dma_wait3A_86] : memref<2x1088xf32, #tpu.memory_space<hbm>> -> memref<1x1088xf32, #tpu.memory_space<hbm>>
        %dma_wait3A_88 = tpu.memref_squeeze %dma_wait3A_87 : memref<1x1088xf32, #tpu.memory_space<hbm>> -> memref<1088xf32, #tpu.memory_space<hbm>>
        tpu.wait_dma2 semaphore(%run_scoped3A : memref<!tpu.dma_semaphore, #tpu.memory_space<semaphore_mem>>) src(%arg11 : memref<1088xf32, #tpu.memory_space<vmem_shared>>) dst(%dma_wait3A_88 : memref<1088xf32, #tpu.memory_space<hbm>>)
        tpu.yield
      }) : () -> ()
      "tpu.region"() ({
        %run_scoped3A = tpu.sem_alloc : memref<!tpu.dma_semaphore, #tpu.memory_space<semaphore_mem>>
        %dma_start3A_83 = arith.constant 0 : i32
        %dma_start3A_84 = tpu.memref_slice %arg5[%arg0, %dma_start3A_83] : memref<2x1088xf32, #tpu.memory_space<hbm>> -> memref<1x1088xf32, #tpu.memory_space<hbm>>
        %dma_start3A_85 = tpu.memref_squeeze %dma_start3A_84 : memref<1x1088xf32, #tpu.memory_space<hbm>> -> memref<1088xf32, #tpu.memory_space<hbm>>
        tpu.enqueue_dma source(%arg12 : memref<1088xf32, #tpu.memory_space<vmem_shared>>) target(%dma_start3A_85 : memref<1088xf32, #tpu.memory_space<hbm>>) target_semaphore(%run_scoped3A : memref<!tpu.dma_semaphore, #tpu.memory_space<semaphore_mem>>)
        %dma_wait3A_86 = arith.constant 0 : i32
        %dma_wait3A_87 = tpu.memref_slice %arg5[%arg0, %dma_wait3A_86] : memref<2x1088xf32, #tpu.memory_space<hbm>> -> memref<1x1088xf32, #tpu.memory_space<hbm>>
        %dma_wait3A_88 = tpu.memref_squeeze %dma_wait3A_87 : memref<1x1088xf32, #tpu.memory_space<hbm>> -> memref<1088xf32, #tpu.memory_space<hbm>>
        tpu.wait_dma2 semaphore(%run_scoped3A : memref<!tpu.dma_semaphore, #tpu.memory_space<semaphore_mem>>) src(%arg12 : memref<1088xf32, #tpu.memory_space<vmem_shared>>) dst(%dma_wait3A_88 : memref<1088xf32, #tpu.memory_space<hbm>>)
        tpu.yield
      }) : () -> ()
    } else {
    }
    return
  }
}

#map = affine_map<(d0, d1) -> (0, 0)>
module attributes {stable_mosaic.version = 14 : i64} {
  func.func @_sc_hist1(%arg0: i32, %arg1: i32, %arg2: memref<4096x512xi32, #tpu.memory_space<hbm>>, %arg3: memref<2x1088xf32, #tpu.memory_space<hbm>>, %arg4: memref<2x1088xf32, #tpu.memory_space<hbm>>, %arg5: memref<128x512xi32, #tpu.memory_space<vmem>>, %arg6: memref<1088xf32, #tpu.memory_space<vmem>>, %arg7: memref<1088xf32, #tpu.memory_space<vmem>>, %arg8: memref<1088xi32, #tpu.memory_space<vmem>>, %arg9: memref<1088xf32, #tpu.memory_space<vmem_shared>>, %arg10: memref<1088xf32, #tpu.memory_space<vmem_shared>>, %arg11: memref<!tpu.dma_semaphore, #tpu.memory_space<semaphore_mem>>, %arg12: memref<!tpu.dma_semaphore, #tpu.memory_space<semaphore_mem>>) attributes {dimension_semantics = [#tpu.dimension_semantics<core_parallel>, #tpu.dimension_semantics<subcore_parallel>], iteration_bounds = array<i64: 2, 16>, scalar_prefetch = 0 : i64, scratch_operands = 8 : i64, tpu.core_type = #tpu.core_type<sc_vector_subcore>, window_params = [{transform_indices = #map}, {transform_indices = #map}, {transform_indices = #map}]} {
    %mul3A = arith.constant 16 : i32
    %mul3A_0 = arith.muli %arg0, %mul3A : i32
    %add3A = arith.addi %mul3A_0, %arg1 : i32
    %mul3A_1 = arith.constant 128 : i32
    %mul3A_2 = arith.muli %add3A, %mul3A_1 : i32
    %dma_start3A = arith.constant 0 : i32
    %dma_start3A_3 = arith.constant 0 : i32
    %dma_start3A_4 = tpu.memref_slice %arg5[%dma_start3A, %dma_start3A_3] : memref<128x512xi32, #tpu.memory_space<vmem>> -> memref<64x512xi32, #tpu.memory_space<vmem>>
    %dma_start3A_5 = arith.constant 0 : i32
    %dma_start3A_6 = tpu.memref_slice %arg2[%mul3A_2, %dma_start3A_5] : memref<4096x512xi32, #tpu.memory_space<hbm>> -> memref<64x512xi32, #tpu.memory_space<hbm>>
    %dma_start3A_7 = arith.constant 0 : i32
    %dma_start3A_8 = arith.constant 0 : i32
    %dma_start3A_9 = tpu.memref_slice %arg5[%dma_start3A_7, %dma_start3A_8] : memref<128x512xi32, #tpu.memory_space<vmem>> -> memref<64x512xi32, #tpu.memory_space<vmem>>
    %dma_start3A_10 = arith.constant 0 : i32
    %dma_start3A_11 = tpu.memref_slice %arg2[%mul3A_2, %dma_start3A_10] : memref<4096x512xi32, #tpu.memory_space<hbm>> -> memref<64x512xi32, #tpu.memory_space<hbm>>
    tpu.enqueue_dma source(%dma_start3A_11 : memref<64x512xi32, #tpu.memory_space<hbm>>) target(%dma_start3A_9 : memref<64x512xi32, #tpu.memory_space<vmem>>) target_semaphore(%arg11 : memref<!tpu.dma_semaphore, #tpu.memory_space<semaphore_mem>>)
    %mul3A_12 = arith.constant 128 : i32
    %mul3A_13 = arith.muli %add3A, %mul3A_12 : i32
    %add3A_14 = arith.constant 64 : i32
    %add3A_15 = arith.addi %mul3A_13, %add3A_14 : i32
    %dma_start3A_16 = arith.constant 64 : i32
    %dma_start3A_17 = arith.constant 0 : i32
    %dma_start3A_18 = tpu.memref_slice %arg5[%dma_start3A_16, %dma_start3A_17] : memref<128x512xi32, #tpu.memory_space<vmem>> -> memref<64x512xi32, #tpu.memory_space<vmem>>
    %dma_start3A_19 = arith.constant 0 : i32
    %dma_start3A_20 = tpu.memref_slice %arg2[%add3A_15, %dma_start3A_19] : memref<4096x512xi32, #tpu.memory_space<hbm>> -> memref<64x512xi32, #tpu.memory_space<hbm>>
    %dma_start3A_21 = arith.constant 64 : i32
    %dma_start3A_22 = arith.constant 0 : i32
    %dma_start3A_23 = tpu.memref_slice %arg5[%dma_start3A_21, %dma_start3A_22] : memref<128x512xi32, #tpu.memory_space<vmem>> -> memref<64x512xi32, #tpu.memory_space<vmem>>
    %dma_start3A_24 = arith.constant 0 : i32
    %dma_start3A_25 = tpu.memref_slice %arg2[%add3A_15, %dma_start3A_24] : memref<4096x512xi32, #tpu.memory_space<hbm>> -> memref<64x512xi32, #tpu.memory_space<hbm>>
    tpu.enqueue_dma source(%dma_start3A_25 : memref<64x512xi32, #tpu.memory_space<hbm>>) target(%dma_start3A_23 : memref<64x512xi32, #tpu.memory_space<vmem>>) target_semaphore(%arg12 : memref<!tpu.dma_semaphore, #tpu.memory_space<semaphore_mem>>)
    %scan3A = arith.constant 0 : i32
    %scan3A_26 = arith.constant 68 : i32
    %scan3A_27 = arith.addi %scan3A, %scan3A_26 : i32
    %scan3A_28 = arith.constant 1 : i32
    scf.for %scan3A_80 = %scan3A to %scan3A_27 step %scan3A_28  : i32 {
      %mul3A_81 = arith.constant 1 : i32
      %mul3A_82 = arith.muli %scan3A_80, %mul3A_81 : i32
      %add3A_83 = arith.constant 0 : i32
      %add3A_84 = arith.addi %add3A_83, %mul3A_82 : i32
      %broadcast_in_dim3A_85 = arith.constant 0.000000e+00 : f32
      %broadcast_in_dim3A_86 = vector.broadcast %broadcast_in_dim3A_85 : f32 to vector<16xf32>
      %mul3A_87 = arith.constant 16 : i32
      %mul3A_88 = arith.muli %add3A_84, %mul3A_87 : i32
      %swap3A_89 = arith.index_cast %mul3A_88 : i32 to index
      %swap3A_90 = tpu.vector_load %arg6[%swap3A_89] {strides = array<i32>} : memref<1088xf32, #tpu.memory_space<vmem>>, vector<16xf32>,
      tpu.vector_store %arg6[%swap3A_89], %broadcast_in_dim3A_86 {strides = array<i32>} : memref<1088xf32, #tpu.memory_space<vmem>>, vector<16xf32>,
      %mul3A_91 = arith.constant 16 : i32
      %mul3A_92 = arith.muli %add3A_84, %mul3A_91 : i32
      %swap3A_93 = arith.index_cast %mul3A_92 : i32 to index
      %swap3A_94 = tpu.vector_load %arg7[%swap3A_93] {strides = array<i32>} : memref<1088xf32, #tpu.memory_space<vmem>>, vector<16xf32>,
      tpu.vector_store %arg7[%swap3A_93], %broadcast_in_dim3A_86 {strides = array<i32>} : memref<1088xf32, #tpu.memory_space<vmem>>, vector<16xf32>,
      %iota3A_95 = tpu.iota {dimensions = array<i32: 0>} : vector<16xi32>
      %mul3A_96 = arith.constant 16 : i32
      %mul3A_97 = arith.muli %add3A_84, %mul3A_96 : i32
      %add3A_98 = vector.broadcast %mul3A_97 : i32 to vector<16xi32>
      %add3A_99 = arith.addi %iota3A_95, %add3A_98 : vector<16xi32>
      %mul3A_100 = arith.constant 16 : i32
      %mul3A_101 = arith.muli %add3A_84, %mul3A_100 : i32
      %swap3A_102 = arith.index_cast %mul3A_101 : i32 to index
      %swap3A_103 = tpu.vector_load %arg8[%swap3A_102] {strides = array<i32>} : memref<1088xi32, #tpu.memory_space<vmem>>, vector<16xi32>,
      tpu.vector_store %arg8[%swap3A_102], %add3A_99 {strides = array<i32>} : memref<1088xi32, #tpu.memory_space<vmem>>, vector<16xi32>,
    }
    %scan3A_29 = arith.constant 68 : i32
    %eq3A = arith.constant 0 : i32
    %eq3A_30 = arith.cmpi eq, %arg1, %eq3A : i32
    %convert_element_type3A = arith.extui %eq3A_30 : i1 to i32
    %cond3A = arith.constant 0 : i32
    %cond3A_31 = arith.cmpi ne, %convert_element_type3A, %cond3A : i32
    scf.if %cond3A_31 {
      "tpu.region"() ({
        %run_scoped3A = tpu.sem_alloc : memref<!tpu.dma_semaphore, #tpu.memory_space<semaphore_mem>>
        tpu.enqueue_dma source(%arg6 : memref<1088xf32, #tpu.memory_space<vmem>>) target(%arg9 : memref<1088xf32, #tpu.memory_space<vmem_shared>>) target_semaphore(%run_scoped3A : memref<!tpu.dma_semaphore, #tpu.memory_space<semaphore_mem>>)
        tpu.wait_dma2 semaphore(%run_scoped3A : memref<!tpu.dma_semaphore, #tpu.memory_space<semaphore_mem>>) src(%arg6 : memref<1088xf32, #tpu.memory_space<vmem>>) dst(%arg9 : memref<1088xf32, #tpu.memory_space<vmem_shared>>)
        tpu.yield
      }) : () -> ()
      "tpu.region"() ({
        %run_scoped3A = tpu.sem_alloc : memref<!tpu.dma_semaphore, #tpu.memory_space<semaphore_mem>>
        tpu.enqueue_dma source(%arg7 : memref<1088xf32, #tpu.memory_space<vmem>>) target(%arg10 : memref<1088xf32, #tpu.memory_space<vmem_shared>>) target_semaphore(%run_scoped3A : memref<!tpu.dma_semaphore, #tpu.memory_space<semaphore_mem>>)
        tpu.wait_dma2 semaphore(%run_scoped3A : memref<!tpu.dma_semaphore, #tpu.memory_space<semaphore_mem>>) src(%arg7 : memref<1088xf32, #tpu.memory_space<vmem>>) dst(%arg10 : memref<1088xf32, #tpu.memory_space<vmem_shared>>)
        tpu.yield
      }) : () -> ()
    } else {
    }
    %barrier3A = arith.constant 0 : index
    tpu.barrier barrier_id(%barrier3A)
    %dma_wait3A = arith.constant 0 : i32
    %dma_wait3A_32 = arith.constant 0 : i32
    %dma_wait3A_33 = tpu.memref_slice %arg5[%dma_wait3A, %dma_wait3A_32] : memref<128x512xi32, #tpu.memory_space<vmem>> -> memref<64x512xi32, #tpu.memory_space<vmem>>
    %dma_wait3A_34 = arith.constant 0 : i32
    %dma_wait3A_35 = tpu.memref_slice %arg2[%mul3A_2, %dma_wait3A_34] : memref<4096x512xi32, #tpu.memory_space<hbm>> -> memref<64x512xi32, #tpu.memory_space<hbm>>
    %dma_wait3A_36 = arith.constant 0 : i32
    %dma_wait3A_37 = arith.constant 0 : i32
    %dma_wait3A_38 = tpu.memref_slice %arg5[%dma_wait3A_36, %dma_wait3A_37] : memref<128x512xi32, #tpu.memory_space<vmem>> -> memref<64x512xi32, #tpu.memory_space<vmem>>
    %dma_wait3A_39 = arith.constant 0 : i32
    %dma_wait3A_40 = tpu.memref_slice %arg2[%mul3A_2, %dma_wait3A_39] : memref<4096x512xi32, #tpu.memory_space<hbm>> -> memref<64x512xi32, #tpu.memory_space<hbm>>
    tpu.wait_dma2 semaphore(%arg11 : memref<!tpu.dma_semaphore, #tpu.memory_space<semaphore_mem>>) src(%dma_wait3A_40 : memref<64x512xi32, #tpu.memory_space<hbm>>) dst(%dma_wait3A_38 : memref<64x512xi32, #tpu.memory_space<vmem>>)
    %broadcast_in_dim3A = arith.constant 0.000000e+00 : f32
    %broadcast_in_dim3A_41 = vector.broadcast %broadcast_in_dim3A : f32 to vector<16xf32>
    %broadcast_in_dim3A_42 = arith.constant 1.000000e+00 : f32
    %broadcast_in_dim3A_43 = vector.broadcast %broadcast_in_dim3A_42 : f32 to vector<16xf32>
    %parallel_loop3A = arith.constant 0 : i32
    %parallel_loop3A_44 = arith.constant 2048 : i32
    %parallel_loop3A_45 = arith.constant 1 : i32
    %parallel_loop3A_46 = scf.for %parallel_loop3A_80 = %parallel_loop3A to %parallel_loop3A_44 step %parallel_loop3A_45 iter_args(%parallel_loop3A_81 = %broadcast_in_dim3A_41) -> (vector<16xf32>)  : i32 {
      %parallel_loop3A_82 = arith.constant 5 : i32
      %parallel_loop3A_83 = arith.shrsi %parallel_loop3A_80, %parallel_loop3A_82 : i32
      %parallel_loop3A_84 = arith.constant 31 : i32
      %parallel_loop3A_85 = arith.andi %parallel_loop3A_80, %parallel_loop3A_84 : i32
      %parallel_loop3A_86 = arith.constant 16 : i32
      %parallel_loop3A_87 = arith.muli %parallel_loop3A_85, %parallel_loop3A_86 : i32
      %parallel_loop3A_88 = arith.index_cast %parallel_loop3A_83 : i32 to index
      %parallel_loop3A_89 = arith.index_cast %parallel_loop3A_87 : i32 to index
      %parallel_loop3A_90 = tpu.vector_load %arg5[%parallel_loop3A_88, %parallel_loop3A_89] {strides = array<i32>} : memref<128x512xi32, #tpu.memory_space<vmem>>, vector<16xi32>,
      %parallel_loop3A_91 = arith.constant true
      %parallel_loop3A_92 = vector.broadcast %parallel_loop3A_91 : i1 to vector<16xi1>
      %parallel_loop3A_93 = arith.constant 0 : i32
      %parallel_loop3A_94 = vector.broadcast %parallel_loop3A_93 : i32 to vector<16xi32>
      %parallel_loop3A_95 = arith.cmpi ne, %parallel_loop3A_90, %parallel_loop3A_94 : vector<16xi32>
      %parallel_loop3A_96 = arith.andi %parallel_loop3A_92, %parallel_loop3A_95 : vector<16xi1>
      %parallel_loop3A_97 = arith.constant 21 : i32
      %parallel_loop3A_98 = vector.broadcast %parallel_loop3A_97 : i32 to vector<16xi32>
      %parallel_loop3A_99 = arith.shrsi %parallel_loop3A_90, %parallel_loop3A_98 : vector<16xi32>
      %parallel_loop3A_100 = vector.bitcast %parallel_loop3A_90 : vector<16xi32> to vector<16xf32>
      tpu.vector_store_idx %arg6[%parallel_loop3A_99], %broadcast_in_dim3A_43 masked %parallel_loop3A_96 {add = true} : memref<1088xf32, #tpu.memory_space<vmem>>[vector<16xi32>], vector<16xf32>, vector<16xi1>
      tpu.vector_store_idx %arg7[%parallel_loop3A_99], %parallel_loop3A_100 masked %parallel_loop3A_96 {add = true} : memref<1088xf32, #tpu.memory_space<vmem>>[vector<16xi32>], vector<16xf32>, vector<16xi1>
      %parallel_loop3A_101 = arith.constant 0 : i32
      %parallel_loop3A_102 = vector.broadcast %parallel_loop3A_101 : i32 to vector<16xi32>
      %parallel_loop3A_103 = arith.cmpi eq, %parallel_loop3A_90, %parallel_loop3A_102 : vector<16xi32>
      %parallel_loop3A_104 = arith.constant 1.000000e+00 : f32
      %parallel_loop3A_105 = arith.constant 0.000000e+00 : f32
      %parallel_loop3A_106 = vector.broadcast %parallel_loop3A_104 : f32 to vector<16xf32>
      %parallel_loop3A_107 = vector.broadcast %parallel_loop3A_105 : f32 to vector<16xf32>
      %parallel_loop3A_108 = arith.select %parallel_loop3A_103, %parallel_loop3A_106, %parallel_loop3A_107 : vector<16xi1>, vector<16xf32>
      %parallel_loop3A_109 = arith.addf %parallel_loop3A_81, %parallel_loop3A_108 : vector<16xf32>
      scf.yield %parallel_loop3A_109 : vector<16xf32>
    } {sc.loop_unroll_factor = 8 : i64, sc.parallel_access}
    %dma_wait3A_47 = arith.constant 64 : i32
    %dma_wait3A_48 = arith.constant 0 : i32
    %dma_wait3A_49 = tpu.memref_slice %arg5[%dma_wait3A_47, %dma_wait3A_48] : memref<128x512xi32, #tpu.memory_space<vmem>> -> memref<64x512xi32, #tpu.memory_space<vmem>>
    %dma_wait3A_50 = arith.constant 0 : i32
    %dma_wait3A_51 = tpu.memref_slice %arg2[%add3A_15, %dma_wait3A_50] : memref<4096x512xi32, #tpu.memory_space<hbm>> -> memref<64x512xi32, #tpu.memory_space<hbm>>
    %dma_wait3A_52 = arith.constant 64 : i32
    %dma_wait3A_53 = arith.constant 0 : i32
    %dma_wait3A_54 = tpu.memref_slice %arg5[%dma_wait3A_52, %dma_wait3A_53] : memref<128x512xi32, #tpu.memory_space<vmem>> -> memref<64x512xi32, #tpu.memory_space<vmem>>
    %dma_wait3A_55 = arith.constant 0 : i32
    %dma_wait3A_56 = tpu.memref_slice %arg2[%add3A_15, %dma_wait3A_55] : memref<4096x512xi32, #tpu.memory_space<hbm>> -> memref<64x512xi32, #tpu.memory_space<hbm>>
    tpu.wait_dma2 semaphore(%arg12 : memref<!tpu.dma_semaphore, #tpu.memory_space<semaphore_mem>>) src(%dma_wait3A_56 : memref<64x512xi32, #tpu.memory_space<hbm>>) dst(%dma_wait3A_54 : memref<64x512xi32, #tpu.memory_space<vmem>>)
    %broadcast_in_dim3A_57 = arith.constant 1.000000e+00 : f32
    %broadcast_in_dim3A_58 = vector.broadcast %broadcast_in_dim3A_57 : f32 to vector<16xf32>
    %parallel_loop3A_59 = arith.constant 2048 : i32
    %parallel_loop3A_60 = arith.constant 4096 : i32
    %parallel_loop3A_61 = arith.constant 1 : i32
    %parallel_loop3A_62 = scf.for %parallel_loop3A_80 = %parallel_loop3A_59 to %parallel_loop3A_60 step %parallel_loop3A_61 iter_args(%parallel_loop3A_81 = %parallel_loop3A_46) -> (vector<16xf32>)  : i32 {
      %parallel_loop3A_82 = arith.constant 5 : i32
      %parallel_loop3A_83 = arith.shrsi %parallel_loop3A_80, %parallel_loop3A_82 : i32
      %parallel_loop3A_84 = arith.constant 31 : i32
      %parallel_loop3A_85 = arith.andi %parallel_loop3A_80, %parallel_loop3A_84 : i32
      %parallel_loop3A_86 = arith.constant 16 : i32
      %parallel_loop3A_87 = arith.muli %parallel_loop3A_85, %parallel_loop3A_86 : i32
      %parallel_loop3A_88 = arith.index_cast %parallel_loop3A_83 : i32 to index
      %parallel_loop3A_89 = arith.index_cast %parallel_loop3A_87 : i32 to index
      %parallel_loop3A_90 = tpu.vector_load %arg5[%parallel_loop3A_88, %parallel_loop3A_89] {strides = array<i32>} : memref<128x512xi32, #tpu.memory_space<vmem>>, vector<16xi32>,
      %parallel_loop3A_91 = arith.constant true
      %parallel_loop3A_92 = vector.broadcast %parallel_loop3A_91 : i1 to vector<16xi1>
      %parallel_loop3A_93 = arith.constant 0 : i32
      %parallel_loop3A_94 = vector.broadcast %parallel_loop3A_93 : i32 to vector<16xi32>
      %parallel_loop3A_95 = arith.cmpi ne, %parallel_loop3A_90, %parallel_loop3A_94 : vector<16xi32>
      %parallel_loop3A_96 = arith.andi %parallel_loop3A_92, %parallel_loop3A_95 : vector<16xi1>
      %parallel_loop3A_97 = arith.constant 21 : i32
      %parallel_loop3A_98 = vector.broadcast %parallel_loop3A_97 : i32 to vector<16xi32>
      %parallel_loop3A_99 = arith.shrsi %parallel_loop3A_90, %parallel_loop3A_98 : vector<16xi32>
      %parallel_loop3A_100 = vector.bitcast %parallel_loop3A_90 : vector<16xi32> to vector<16xf32>
      tpu.vector_store_idx %arg6[%parallel_loop3A_99], %broadcast_in_dim3A_58 masked %parallel_loop3A_96 {add = true} : memref<1088xf32, #tpu.memory_space<vmem>>[vector<16xi32>], vector<16xf32>, vector<16xi1>
      tpu.vector_store_idx %arg7[%parallel_loop3A_99], %parallel_loop3A_100 masked %parallel_loop3A_96 {add = true} : memref<1088xf32, #tpu.memory_space<vmem>>[vector<16xi32>], vector<16xf32>, vector<16xi1>
      %parallel_loop3A_101 = arith.constant 0 : i32
      %parallel_loop3A_102 = vector.broadcast %parallel_loop3A_101 : i32 to vector<16xi32>
      %parallel_loop3A_103 = arith.cmpi eq, %parallel_loop3A_90, %parallel_loop3A_102 : vector<16xi32>
      %parallel_loop3A_104 = arith.constant 1.000000e+00 : f32
      %parallel_loop3A_105 = arith.constant 0.000000e+00 : f32
      %parallel_loop3A_106 = vector.broadcast %parallel_loop3A_104 : f32 to vector<16xf32>
      %parallel_loop3A_107 = vector.broadcast %parallel_loop3A_105 : f32 to vector<16xf32>
      %parallel_loop3A_108 = arith.select %parallel_loop3A_103, %parallel_loop3A_106, %parallel_loop3A_107 : vector<16xi1>, vector<16xf32>
      %parallel_loop3A_109 = arith.addf %parallel_loop3A_81, %parallel_loop3A_108 : vector<16xf32>
      scf.yield %parallel_loop3A_109 : vector<16xf32>
    } {sc.loop_unroll_factor = 8 : i64, sc.parallel_access}
    %get3A = arith.constant 0 : index
    %get3A_63 = tpu.vector_load %arg6[%get3A] {strides = array<i32>} : memref<1088xf32, #tpu.memory_space<vmem>>, vector<16xf32>,
    %iota3A = tpu.iota {dimensions = array<i32: 0>} : vector<16xi32>
    %eq3A_64 = arith.constant 0 : i32
    %eq3A_65 = vector.broadcast %eq3A_64 : i32 to vector<16xi32>
    %eq3A_66 = arith.cmpi eq, %iota3A, %eq3A_65 : vector<16xi32>
    %reduce_sum3A = arith.constant true
    %reduce_sum3A_67 = vector.broadcast %reduce_sum3A : i1 to vector<16xi1>
    %reduce_sum3A_68 = tpu.scan <sum>, %parallel_loop3A_62 masked %reduce_sum3A_67 : vector<16xf32>, vector<16xi1> -> vector<16xf32>
    %reduce_sum3A_69 = vector.extract %reduce_sum3A_68[15] : f32 from vector<16xf32>
    %jit3A = arith.constant 0.000000e+00 : f32
    %broadcast_in_dim3A_70 = vector.broadcast %reduce_sum3A_69 : f32 to vector<16xf32>
    %broadcast_in_dim3A_71 = vector.broadcast %jit3A : f32 to vector<16xf32>
    %select_n3A = arith.select %eq3A_66, %broadcast_in_dim3A_70, %broadcast_in_dim3A_71 : vector<16xi1>, vector<16xf32>
    %add3A_72 = arith.addf %get3A_63, %select_n3A : vector<16xf32>
    %swap3A = arith.constant 0 : index
    %swap3A_73 = tpu.vector_load %arg6[%swap3A] {strides = array<i32>} : memref<1088xf32, #tpu.memory_space<vmem>>, vector<16xf32>,
    tpu.vector_store %arg6[%swap3A], %add3A_72 {strides = array<i32>} : memref<1088xf32, #tpu.memory_space<vmem>>, vector<16xf32>,
    "tpu.region"() ({
      %run_scoped3A = tpu.sem_alloc : memref<!tpu.dma_semaphore, #tpu.memory_space<semaphore_mem>>
      %dma_start3A_80 = arith.constant 0 : i32
      %dma_start3A_81 = tpu.memref_slice %arg9[%dma_start3A_80] : memref<1088xf32, #tpu.memory_space<vmem_shared>> -> memref<1088xf32, #tpu.memory_space<vmem_shared>>
      tpu.enqueue_indirect_dma source(%arg6 : memref<1088xf32, #tpu.memory_space<vmem>>) target(%dma_start3A_81 : memref<1088xf32, #tpu.memory_space<vmem_shared>>) offsets(%arg8 : memref<1088xi32, #tpu.memory_space<vmem>>) semaphore(%run_scoped3A : memref<!tpu.dma_semaphore, #tpu.memory_space<semaphore_mem>>) {add = true}
      %dma_wait3A_82 = arith.constant 0 : i32
      %dma_wait3A_83 = tpu.memref_slice %arg9[%dma_wait3A_82] : memref<1088xf32, #tpu.memory_space<vmem_shared>> -> memref<1088xf32, #tpu.memory_space<vmem_shared>>
      tpu.wait_indirect_dma semaphore(%run_scoped3A : memref<!tpu.dma_semaphore, #tpu.memory_space<semaphore_mem>>) src(%arg6 : memref<1088xf32, #tpu.memory_space<vmem>>) dst(%dma_wait3A_83 : memref<1088xf32, #tpu.memory_space<vmem_shared>>)
      tpu.yield
    }) : () -> ()
    "tpu.region"() ({
      %run_scoped3A = tpu.sem_alloc : memref<!tpu.dma_semaphore, #tpu.memory_space<semaphore_mem>>
      %dma_start3A_80 = arith.constant 0 : i32
      %dma_start3A_81 = tpu.memref_slice %arg10[%dma_start3A_80] : memref<1088xf32, #tpu.memory_space<vmem_shared>> -> memref<1088xf32, #tpu.memory_space<vmem_shared>>
      tpu.enqueue_indirect_dma source(%arg7 : memref<1088xf32, #tpu.memory_space<vmem>>) target(%dma_start3A_81 : memref<1088xf32, #tpu.memory_space<vmem_shared>>) offsets(%arg8 : memref<1088xi32, #tpu.memory_space<vmem>>) semaphore(%run_scoped3A : memref<!tpu.dma_semaphore, #tpu.memory_space<semaphore_mem>>) {add = true}
      %dma_wait3A_82 = arith.constant 0 : i32
      %dma_wait3A_83 = tpu.memref_slice %arg10[%dma_wait3A_82] : memref<1088xf32, #tpu.memory_space<vmem_shared>> -> memref<1088xf32, #tpu.memory_space<vmem_shared>>
      tpu.wait_indirect_dma semaphore(%run_scoped3A : memref<!tpu.dma_semaphore, #tpu.memory_space<semaphore_mem>>) src(%arg7 : memref<1088xf32, #tpu.memory_space<vmem>>) dst(%dma_wait3A_83 : memref<1088xf32, #tpu.memory_space<vmem_shared>>)
      tpu.yield
    }) : () -> ()
    %barrier3A_74 = arith.constant 0 : index
    tpu.barrier barrier_id(%barrier3A_74)
    %eq3A_75 = arith.constant 0 : i32
    %eq3A_76 = arith.cmpi eq, %arg1, %eq3A_75 : i32
    %convert_element_type3A_77 = arith.extui %eq3A_76 : i1 to i32
    %cond3A_78 = arith.constant 0 : i32
    %cond3A_79 = arith.cmpi ne, %convert_element_type3A_77, %cond3A_78 : i32
    scf.if %cond3A_79 {
      "tpu.region"() ({
        %run_scoped3A = tpu.sem_alloc : memref<!tpu.dma_semaphore, #tpu.memory_space<semaphore_mem>>
        %dma_start3A_80 = arith.constant 0 : i32
        %dma_start3A_81 = tpu.memref_slice %arg3[%arg0, %dma_start3A_80] : memref<2x1088xf32, #tpu.memory_space<hbm>> -> memref<1x1088xf32, #tpu.memory_space<hbm>>
        %dma_start3A_82 = tpu.memref_squeeze %dma_start3A_81 : memref<1x1088xf32, #tpu.memory_space<hbm>> -> memref<1088xf32, #tpu.memory_space<hbm>>
        tpu.enqueue_dma source(%arg9 : memref<1088xf32, #tpu.memory_space<vmem_shared>>) target(%dma_start3A_82 : memref<1088xf32, #tpu.memory_space<hbm>>) target_semaphore(%run_scoped3A : memref<!tpu.dma_semaphore, #tpu.memory_space<semaphore_mem>>)
        %dma_wait3A_83 = arith.constant 0 : i32
        %dma_wait3A_84 = tpu.memref_slice %arg3[%arg0, %dma_wait3A_83] : memref<2x1088xf32, #tpu.memory_space<hbm>> -> memref<1x1088xf32, #tpu.memory_space<hbm>>
        %dma_wait3A_85 = tpu.memref_squeeze %dma_wait3A_84 : memref<1x1088xf32, #tpu.memory_space<hbm>> -> memref<1088xf32, #tpu.memory_space<hbm>>
        tpu.wait_dma2 semaphore(%run_scoped3A : memref<!tpu.dma_semaphore, #tpu.memory_space<semaphore_mem>>) src(%arg9 : memref<1088xf32, #tpu.memory_space<vmem_shared>>) dst(%dma_wait3A_85 : memref<1088xf32, #tpu.memory_space<hbm>>)
        tpu.yield
      }) : () -> ()
      "tpu.region"() ({
        %run_scoped3A = tpu.sem_alloc : memref<!tpu.dma_semaphore, #tpu.memory_space<semaphore_mem>>
        %dma_start3A_80 = arith.constant 0 : i32
        %dma_start3A_81 = tpu.memref_slice %arg4[%arg0, %dma_start3A_80] : memref<2x1088xf32, #tpu.memory_space<hbm>> -> memref<1x1088xf32, #tpu.memory_space<hbm>>
        %dma_start3A_82 = tpu.memref_squeeze %dma_start3A_81 : memref<1x1088xf32, #tpu.memory_space<hbm>> -> memref<1088xf32, #tpu.memory_space<hbm>>
        tpu.enqueue_dma source(%arg10 : memref<1088xf32, #tpu.memory_space<vmem_shared>>) target(%dma_start3A_82 : memref<1088xf32, #tpu.memory_space<hbm>>) target_semaphore(%run_scoped3A : memref<!tpu.dma_semaphore, #tpu.memory_space<semaphore_mem>>)
        %dma_wait3A_83 = arith.constant 0 : i32
        %dma_wait3A_84 = tpu.memref_slice %arg4[%arg0, %dma_wait3A_83] : memref<2x1088xf32, #tpu.memory_space<hbm>> -> memref<1x1088xf32, #tpu.memory_space<hbm>>
        %dma_wait3A_85 = tpu.memref_squeeze %dma_wait3A_84 : memref<1x1088xf32, #tpu.memory_space<hbm>> -> memref<1088xf32, #tpu.memory_space<hbm>>
        tpu.wait_dma2 semaphore(%run_scoped3A : memref<!tpu.dma_semaphore, #tpu.memory_space<semaphore_mem>>) src(%arg10 : memref<1088xf32, #tpu.memory_space<vmem_shared>>) dst(%dma_wait3A_85 : memref<1088xf32, #tpu.memory_space<hbm>>)
        tpu.yield
      }) : () -> ()
    } else {
    }
    return
  }
}

module attributes {stable_mosaic.version = 14 : i64} {
  func.func @_tc_body(%arg0: i32, %arg1: memref<512x512xf32, #tpu.memory_space<vmem>>, %arg2: memref<512x512xi32, #tpu.memory_space<vmem>>, %arg3: memref<512x512xi32, #tpu.memory_space<vmem>>, %arg4: memref<1x16xf32, #tpu.memory_space<smem>>, %arg5: memref<3xf32, #tpu.memory_space<smem>>) attributes {dimension_semantics = [#tpu.dimension_semantics<arbitrary>], iteration_bounds = array<i64: 8>, scalar_prefetch = 0 : i64, scratch_operands = 1 : i64, tpu.core_type = #tpu.core_type<tc>, window_params = [{transform_indices = @transform_0, window_bounds = array<i64: 512, 512>}, {transform_indices = @transform_1, window_bounds = array<i64: 512, 512>}, {transform_indices = @transform_2, window_bounds = array<i64: 512, 512>}, {transform_indices = @transform_3, window_bounds = array<i64: 1, 16>}]} {
    %get3A = arith.constant 0 : index
    %get3A_0 = arith.constant 0 : index
    %get3A_1 = vector.load %arg1[%get3A, %get3A_0] : memref<512x512xf32, #tpu.memory_space<vmem>>, vector<512x512xf32>
    %get3A_2 = arith.constant 0 : index
    %get3A_3 = arith.constant 0 : index
    %get3A_4 = vector.load %arg2[%get3A_2, %get3A_3] : memref<512x512xi32, #tpu.memory_space<vmem>>, vector<512x512xi32>
    %eq3A = arith.constant 1 : i32
    %eq3A_5 = vector.broadcast %eq3A : i32 to vector<512x512xi32>
    %eq3A_6 = arith.cmpi eq, %get3A_4, %eq3A_5 : vector<512x512xi32>
    %convert_element_type3A = arith.extui %eq3A_6 : vector<512x512xi1> to vector<512x512xi32>
    %convert_element_type3A_7 = arith.sitofp %convert_element_type3A : vector<512x512xi32> to vector<512x512xf32>
    %sub3A = arith.constant 1.000000e+00 : f32
    %sub3A_8 = vector.broadcast %sub3A : f32 to vector<512x512xf32>
    %sub3A_9 = arith.subf %sub3A_8, %convert_element_type3A_7 : vector<512x512xf32>
    %abs3A = math.absf %get3A_1 : vector<512x512xf32>
    %neg3A = arith.constant 0.000000e+00 : f32
    %neg3A_10 = vector.broadcast %neg3A : f32 to vector<512x512xf32>
    %neg3A_11 = arith.subf %neg3A_10, %abs3A : vector<512x512xf32>
    %exp3A = math.exp %neg3A_11 : vector<512x512xf32>
    %log1p3A = math.log1p %exp3A : vector<512x512xf32>
    %min3A = arith.constant 0.000000e+00 : f32
    %min3A_12 = vector.broadcast %min3A : f32 to vector<512x512xf32>
    %min3A_13 = arith.minimumf %get3A_1, %min3A_12 : vector<512x512xf32>
    %sub3A_14 = arith.subf %min3A_13, %log1p3A : vector<512x512xf32>
    %neg3A_15 = arith.constant 0.000000e+00 : f32
    %neg3A_16 = vector.broadcast %neg3A_15 : f32 to vector<512x512xf32>
    %neg3A_17 = arith.subf %neg3A_16, %get3A_1 : vector<512x512xf32>
    %min3A_18 = arith.constant 0.000000e+00 : f32
    %min3A_19 = vector.broadcast %min3A_18 : f32 to vector<512x512xf32>
    %min3A_20 = arith.minimumf %neg3A_17, %min3A_19 : vector<512x512xf32>
    %sub3A_21 = arith.subf %min3A_20, %log1p3A : vector<512x512xf32>
    %add3A = arith.constant 1.000000e+00 : f32
    %add3A_22 = vector.broadcast %add3A : f32 to vector<512x512xf32>
    %add3A_23 = arith.addf %add3A_22, %exp3A : vector<512x512xf32>
    %div3A = arith.constant 1.000000e+00 : f32
    %div3A_24 = vector.broadcast %div3A : f32 to vector<512x512xf32>
    %div3A_25 = arith.divf %div3A_24, %add3A_23 : vector<512x512xf32>
    %ge3A = arith.constant 0.000000e+00 : f32
    %ge3A_26 = vector.broadcast %ge3A : f32 to vector<512x512xf32>
    %ge3A_27 = arith.cmpf oge, %get3A_1, %ge3A_26 : vector<512x512xf32>
    %mul3A = arith.mulf %exp3A, %div3A_25 : vector<512x512xf32>
    %select_n3A = arith.select %ge3A_27, %div3A_25, %mul3A : vector<512x512xi1>, vector<512x512xf32>
    %jit3A = arith.constant 9.99999997E-7 : f32
    %jit3A_28 = arith.constant 0.999998986 : f32
    %max3A = vector.broadcast %jit3A : f32 to vector<512x512xf32>
    %max3A_29 = arith.maximumf %max3A, %select_n3A : vector<512x512xf32>
    %min3A_30 = vector.broadcast %jit3A_28 : f32 to vector<512x512xf32>
    %min3A_31 = arith.minimumf %min3A_30, %max3A_29 : vector<512x512xf32>
    %sub3A_32 = arith.constant 1.000000e+00 : f32
    %sub3A_33 = vector.broadcast %sub3A_32 : f32 to vector<512x512xf32>
    %sub3A_34 = arith.subf %sub3A_33, %min3A_31 : vector<512x512xf32>
    %sqrt3A = math.sqrt %sub3A_34 : vector<512x512xf32>
    %sqrt3A_35 = math.sqrt %sqrt3A : vector<512x512xf32>
    %neg3A_36 = arith.constant 0.000000e+00 : f32
    %neg3A_37 = vector.broadcast %neg3A_36 : f32 to vector<512x512xf32>
    %neg3A_38 = arith.subf %neg3A_37, %sqrt3A_35 : vector<512x512xf32>
    %mul3A_39 = arith.mulf %neg3A_38, %sub3A_14 : vector<512x512xf32>
    %mul3A_40 = arith.mulf %mul3A_39, %convert_element_type3A_7 : vector<512x512xf32>
    %mul3A_41 = arith.mulf %min3A_31, %min3A_31 : vector<512x512xf32>
    %neg3A_42 = arith.constant 0.000000e+00 : f32
    %neg3A_43 = vector.broadcast %neg3A_42 : f32 to vector<512x512xf32>
    %neg3A_44 = arith.subf %neg3A_43, %mul3A_41 : vector<512x512xf32>
    %mul3A_45 = arith.mulf %neg3A_44, %sub3A_21 : vector<512x512xf32>
    %mul3A_46 = arith.mulf %mul3A_45, %sub3A_9 : vector<512x512xf32>
    %abs3A_47 = math.absf %mul3A_46 : vector<512x512xf32>
    %bitcast_convert_type3A = tpu.bitcast %abs3A_47 : vector<512x512xf32> -> vector<512x512xi32>
    %swap3A = arith.constant 0 : index
    %swap3A_48 = arith.constant 0 : index
    %swap3A_49 = vector.load %arg3[%swap3A, %swap3A_48] : memref<512x512xi32, #tpu.memory_space<vmem>>, vector<512x512xi32>
    tpu.vector_store %arg3[%swap3A, %swap3A_48], %bitcast_convert_type3A {strides = array<i32>} : memref<512x512xi32, #tpu.memory_space<vmem>>, vector<512x512xi32>,
    %reduce_sum3A = vector.shape_cast %mul3A_40 : vector<512x512xf32> to vector<1x512x512xf32>
    %reduce_sum3A_50 = arith.constant dense<0.000000e+00> : vector<1xf32>
    %reduce_sum3A_51 = vector.multi_reduction <add>, %reduce_sum3A, %reduce_sum3A_50 [1, 2] : vector<1x512x512xf32> to vector<1xf32>
    %reduce_sum3A_52 = vector.shape_cast %reduce_sum3A_51 : vector<1xf32> to vector<1x1x1xf32>
    %reduce_sum3A_53 = vector.extract %reduce_sum3A_52[0, 0, 0] : f32 from vector<1x1x1xf32>
    %reduce_sum3A_54 = vector.shape_cast %convert_element_type3A_7 : vector<512x512xf32> to vector<1x512x512xf32>
    %reduce_sum3A_55 = arith.constant dense<0.000000e+00> : vector<1xf32>
    %reduce_sum3A_56 = vector.multi_reduction <add>, %reduce_sum3A_54, %reduce_sum3A_55 [1, 2] : vector<1x512x512xf32> to vector<1xf32>
    %reduce_sum3A_57 = vector.shape_cast %reduce_sum3A_56 : vector<1xf32> to vector<1x1x1xf32>
    %reduce_sum3A_58 = vector.extract %reduce_sum3A_57[0, 0, 0] : f32 from vector<1x1x1xf32>
    %sub3A_59 = arith.constant 2.621440e+05 : f32
    %sub3A_60 = arith.subf %sub3A_59, %reduce_sum3A_58 : f32
    %eq3A_61 = arith.constant 0 : i32
    %eq3A_62 = arith.cmpi eq, %arg0, %eq3A_61 : i32
    %convert_element_type3A_63 = arith.extui %eq3A_62 : i1 to i32
    %cond3A = arith.constant 0 : i32
    %cond3A_64 = arith.cmpi ne, %convert_element_type3A_63, %cond3A : i32
    scf.if %cond3A_64 {
      %swap3A_74 = arith.constant 0 : index
      %swap3A_75 = memref.load %arg5[%swap3A_74] : memref<3xf32, #tpu.memory_space<smem>>
      memref.store %reduce_sum3A_53, %arg5[%swap3A_74] : memref<3xf32, #tpu.memory_space<smem>>
      %swap3A_76 = arith.constant 1 : index
      %swap3A_77 = memref.load %arg5[%swap3A_76] : memref<3xf32, #tpu.memory_space<smem>>
      memref.store %reduce_sum3A_58, %arg5[%swap3A_76] : memref<3xf32, #tpu.memory_space<smem>>
      %swap3A_78 = arith.constant 2 : index
      %swap3A_79 = memref.load %arg5[%swap3A_78] : memref<3xf32, #tpu.memory_space<smem>>
      memref.store %sub3A_60, %arg5[%swap3A_78] : memref<3xf32, #tpu.memory_space<smem>>
    } else {
    }
    %gt3A = arith.constant 0 : i32
    %gt3A_65 = arith.cmpi sgt, %arg0, %gt3A : i32
    %convert_element_type3A_66 = arith.extui %gt3A_65 : i1 to i32
    %cond3A_67 = arith.constant 0 : i32
    %cond3A_68 = arith.cmpi ne, %convert_element_type3A_66, %cond3A_67 : i32
    scf.if %cond3A_68 {
      %get3A_74 = arith.constant 0 : index
      %get3A_75 = memref.load %arg5[%get3A_74] : memref<3xf32, #tpu.memory_space<smem>>
      %add3A_76 = arith.addf %get3A_75, %reduce_sum3A_53 : f32
      %swap3A_77 = arith.constant 0 : index
      %swap3A_78 = memref.load %arg5[%swap3A_77] : memref<3xf32, #tpu.memory_space<smem>>
      memref.store %add3A_76, %arg5[%swap3A_77] : memref<3xf32, #tpu.memory_space<smem>>
      %get3A_79 = arith.constant 1 : index
      %get3A_80 = memref.load %arg5[%get3A_79] : memref<3xf32, #tpu.memory_space<smem>>
      %add3A_81 = arith.addf %get3A_80, %reduce_sum3A_58 : f32
      %swap3A_82 = arith.constant 1 : index
      %swap3A_83 = memref.load %arg5[%swap3A_82] : memref<3xf32, #tpu.memory_space<smem>>
      memref.store %add3A_81, %arg5[%swap3A_82] : memref<3xf32, #tpu.memory_space<smem>>
      %get3A_84 = arith.constant 2 : index
      %get3A_85 = memref.load %arg5[%get3A_84] : memref<3xf32, #tpu.memory_space<smem>>
      %add3A_86 = arith.addf %get3A_85, %sub3A_60 : f32
      %swap3A_87 = arith.constant 2 : index
      %swap3A_88 = memref.load %arg5[%swap3A_87] : memref<3xf32, #tpu.memory_space<smem>>
      memref.store %add3A_86, %arg5[%swap3A_87] : memref<3xf32, #tpu.memory_space<smem>>
    } else {
    }
    %eq3A_69 = arith.constant 7 : i32
    %eq3A_70 = arith.cmpi eq, %arg0, %eq3A_69 : i32
    %convert_element_type3A_71 = arith.extui %eq3A_70 : i1 to i32
    %cond3A_72 = arith.constant 0 : i32
    %cond3A_73 = arith.cmpi ne, %convert_element_type3A_71, %cond3A_72 : i32
    scf.if %cond3A_73 {
      %get3A_74 = arith.constant 0 : index
      %get3A_75 = memref.load %arg5[%get3A_74] : memref<3xf32, #tpu.memory_space<smem>>
      %swap3A_76 = arith.constant 0 : index
      %swap3A_77 = arith.constant 0 : index
      %swap3A_78 = memref.load %arg4[%swap3A_76, %swap3A_77] : memref<1x16xf32, #tpu.memory_space<smem>>
      memref.store %get3A_75, %arg4[%swap3A_76, %swap3A_77] : memref<1x16xf32, #tpu.memory_space<smem>>
      %get3A_79 = arith.constant 1 : index
      %get3A_80 = memref.load %arg5[%get3A_79] : memref<3xf32, #tpu.memory_space<smem>>
      %swap3A_81 = arith.constant 0 : index
      %swap3A_82 = arith.constant 1 : index
      %swap3A_83 = memref.load %arg4[%swap3A_81, %swap3A_82] : memref<1x16xf32, #tpu.memory_space<smem>>
      memref.store %get3A_80, %arg4[%swap3A_81, %swap3A_82] : memref<1x16xf32, #tpu.memory_space<smem>>
      %get3A_84 = arith.constant 2 : index
      %get3A_85 = memref.load %arg5[%get3A_84] : memref<3xf32, #tpu.memory_space<smem>>
      %swap3A_86 = arith.constant 0 : index
      %swap3A_87 = arith.constant 2 : index
      %swap3A_88 = memref.load %arg4[%swap3A_86, %swap3A_87] : memref<1x16xf32, #tpu.memory_space<smem>>
      memref.store %get3A_85, %arg4[%swap3A_86, %swap3A_87] : memref<1x16xf32, #tpu.memory_space<smem>>
      %swap3A_89 = arith.constant 0.000000e+00 : f32
      %swap3A_90 = arith.constant 0 : index
      %swap3A_91 = arith.constant 3 : index
      %swap3A_92 = memref.load %arg4[%swap3A_90, %swap3A_91] : memref<1x16xf32, #tpu.memory_space<smem>>
      memref.store %swap3A_89, %arg4[%swap3A_90, %swap3A_91] : memref<1x16xf32, #tpu.memory_space<smem>>
      %swap3A_93 = arith.constant 0.000000e+00 : f32
      %swap3A_94 = arith.constant 0 : index
      %swap3A_95 = arith.constant 4 : index
      %swap3A_96 = memref.load %arg4[%swap3A_94, %swap3A_95] : memref<1x16xf32, #tpu.memory_space<smem>>
      memref.store %swap3A_93, %arg4[%swap3A_94, %swap3A_95] : memref<1x16xf32, #tpu.memory_space<smem>>
      %swap3A_97 = arith.constant 0.000000e+00 : f32
      %swap3A_98 = arith.constant 0 : index
      %swap3A_99 = arith.constant 5 : index
      %swap3A_100 = memref.load %arg4[%swap3A_98, %swap3A_99] : memref<1x16xf32, #tpu.memory_space<smem>>
      memref.store %swap3A_97, %arg4[%swap3A_98, %swap3A_99] : memref<1x16xf32, #tpu.memory_space<smem>>
      %swap3A_101 = arith.constant 0.000000e+00 : f32
      %swap3A_102 = arith.constant 0 : index
      %swap3A_103 = arith.constant 6 : index
      %swap3A_104 = memref.load %arg4[%swap3A_102, %swap3A_103] : memref<1x16xf32, #tpu.memory_space<smem>>
      memref.store %swap3A_101, %arg4[%swap3A_102, %swap3A_103] : memref<1x16xf32, #tpu.memory_space<smem>>
      %swap3A_105 = arith.constant 0.000000e+00 : f32
      %swap3A_106 = arith.constant 0 : index
      %swap3A_107 = arith.constant 7 : index
      %swap3A_108 = memref.load %arg4[%swap3A_106, %swap3A_107] : memref<1x16xf32, #tpu.memory_space<smem>>
      memref.store %swap3A_105, %arg4[%swap3A_106, %swap3A_107] : memref<1x16xf32, #tpu.memory_space<smem>>
      %swap3A_109 = arith.constant 0.000000e+00 : f32
      %swap3A_110 = arith.constant 0 : index
      %swap3A_111 = arith.constant 8 : index
      %swap3A_112 = memref.load %arg4[%swap3A_110, %swap3A_111] : memref<1x16xf32, #tpu.memory_space<smem>>
      memref.store %swap3A_109, %arg4[%swap3A_110, %swap3A_111] : memref<1x16xf32, #tpu.memory_space<smem>>
      %swap3A_113 = arith.constant 0.000000e+00 : f32
      %swap3A_114 = arith.constant 0 : index
      %swap3A_115 = arith.constant 9 : index
      %swap3A_116 = memref.load %arg4[%swap3A_114, %swap3A_115] : memref<1x16xf32, #tpu.memory_space<smem>>
      memref.store %swap3A_113, %arg4[%swap3A_114, %swap3A_115] : memref<1x16xf32, #tpu.memory_space<smem>>
      %swap3A_117 = arith.constant 0.000000e+00 : f32
      %swap3A_118 = arith.constant 0 : index
      %swap3A_119 = arith.constant 10 : index
      %swap3A_120 = memref.load %arg4[%swap3A_118, %swap3A_119] : memref<1x16xf32, #tpu.memory_space<smem>>
      memref.store %swap3A_117, %arg4[%swap3A_118, %swap3A_119] : memref<1x16xf32, #tpu.memory_space<smem>>
      %swap3A_121 = arith.constant 0.000000e+00 : f32
      %swap3A_122 = arith.constant 0 : index
      %swap3A_123 = arith.constant 11 : index
      %swap3A_124 = memref.load %arg4[%swap3A_122, %swap3A_123] : memref<1x16xf32, #tpu.memory_space<smem>>
      memref.store %swap3A_121, %arg4[%swap3A_122, %swap3A_123] : memref<1x16xf32, #tpu.memory_space<smem>>
      %swap3A_125 = arith.constant 0.000000e+00 : f32
      %swap3A_126 = arith.constant 0 : index
      %swap3A_127 = arith.constant 12 : index
      %swap3A_128 = memref.load %arg4[%swap3A_126, %swap3A_127] : memref<1x16xf32, #tpu.memory_space<smem>>
      memref.store %swap3A_125, %arg4[%swap3A_126, %swap3A_127] : memref<1x16xf32, #tpu.memory_space<smem>>
      %swap3A_129 = arith.constant 0.000000e+00 : f32
      %swap3A_130 = arith.constant 0 : index
      %swap3A_131 = arith.constant 13 : index
      %swap3A_132 = memref.load %arg4[%swap3A_130, %swap3A_131] : memref<1x16xf32, #tpu.memory_space<smem>>
      memref.store %swap3A_129, %arg4[%swap3A_130, %swap3A_131] : memref<1x16xf32, #tpu.memory_space<smem>>
      %swap3A_133 = arith.constant 0.000000e+00 : f32
      %swap3A_134 = arith.constant 0 : index
      %swap3A_135 = arith.constant 14 : index
      %swap3A_136 = memref.load %arg4[%swap3A_134, %swap3A_135] : memref<1x16xf32, #tpu.memory_space<smem>>
      memref.store %swap3A_133, %arg4[%swap3A_134, %swap3A_135] : memref<1x16xf32, #tpu.memory_space<smem>>
      %swap3A_137 = arith.constant 0.000000e+00 : f32
      %swap3A_138 = arith.constant 0 : index
      %swap3A_139 = arith.constant 15 : index
      %swap3A_140 = memref.load %arg4[%swap3A_138, %swap3A_139] : memref<1x16xf32, #tpu.memory_space<smem>>
      memref.store %swap3A_137, %arg4[%swap3A_138, %swap3A_139] : memref<1x16xf32, #tpu.memory_space<smem>>
    } else {
    }
    return
  }
  func.func @transform_0(%arg0: i32) -> (i32, i32) {
    %c0_i32 = arith.constant 0 : i32
    %c0_i32_0 = arith.constant 0 : i32
    return %arg0, %c0_i32 : i32, i32
  }
  func.func @transform_1(%arg0: i32) -> (i32, i32) {
    %c0_i32 = arith.constant 0 : i32
    %c0_i32_0 = arith.constant 0 : i32
    return %arg0, %c0_i32 : i32, i32
  }
  func.func @transform_2(%arg0: i32) -> (i32, i32) {
    %c0_i32 = arith.constant 0 : i32
    %c0_i32_0 = arith.constant 0 : i32
    return %arg0, %c0_i32 : i32, i32
  }
  func.func @transform_3(%arg0: i32) -> (i32, i32) {
    %c0_i32 = arith.constant 0 : i32
    %c0_i32_0 = arith.constant 0 : i32
    %c0_i32_1 = arith.constant 0 : i32
    return %c0_i32, %c0_i32_0 : i32, i32
  }
}

</mosaic_0001>

<sc_bundles>
// kernel: kernel.12.cloned.1.call-start
scs
__scs_entry_jumppad:
0x0: {  	(pc) =	sbr.rel $0x88, $3  }
0x1: {  	(tag) =	ssettag $0x0;
	lr =	simm.s32 $0x1  }
0x2: {  	[smem:$0x3F9F] =	sst lr;
	_ =	strace $0xD0000000  }
0x3: {  	_ = 	snop  }
0x4: {  	_ = 	snop  }
0x5: {  	_ = 	snop  }
0x6: {  	_ = 	snop  }
0x7: {  	_ = 	snop  }
__scs_overlays_trampoline_lowered:
0x8: {  	[smem:$0x3FAE] =	sst s0  }
0x9: {  	[smem:$0x3FAF] =	sst s1  }
0xa: {  	[smem:$0x3FB0] =	sst s2  }
0xb: {  	[smem:$0x3FB1] =	sst s3  }
0xc: {  	[smem:$0x3FB2] =	sst s4  }
0xd: {  	[smem:$0x3FB3] =	sst s5  }
0xe: {  	[smem:$0x3FB4] =	sst s6  }
0xf: {  	[smem:$0x3FB5] =	sst s7  }
0x10: {  	[smem:$0x3FB6] =	sst s8  }
0x11: {  	[smem:$0x3FB7] =	sst s9;
	s0 =	simm.s32 @!p0 $0x0  }
0x12: {  	s1 =	sld [smem:$0x3F9D];
	s0 =	simm.s32 @p0 $0x1  }
0x13: {  	[smem:$0x3FB8] =	sst s0;
	s0 =	simm.s32 @!p1 $0x0  }
0x14: {  	s2 =	sld [smem:$0x3F9C];
	s0 =	simm.s32 @p1 $0x1  }
0x15: {  	[smem:$0x3FB9] =	sst s0;
	s0 =	simm.s32 @!p2 $0x0  }
0x16: {  	s3 =	sld [smem:$0x3FDB];
	s0 =	simm.s32 @p2 $0x1  }
0x17: {  	s4 =	simm.s32 $0x1BF5;
	[smem:$0x3FBB] =	sst s0  }
0x18: {  	s0 =	sld [smem:$0x3F9E];
	_ =	swait.ge [sflag:s4], $0x0  }
0x19: {  	s7 =	sld [smem:$0x3F9F]  }
0x1a: {  	s8 =	sadd.s32 $0xFFFFE003, lr  }
0x1b: {  	s9 =	sadd.s32 $0xFFFFFEF7, lr;
	s5 =	simm.s32 $0xFFFFFFFF;
	p2 =	slt.u32 s8, $0xFFFFF086  }
0x1c: {  	p1 =	slt.u32 s9, $0xF7A;
	s5 =	simm.s32 @!p2 $0x0  }
0x1d: {  	s5 =	simm.s32 @p1 $0x1;
	p0 =	seq.s32 s7, s2  }
0x1e: {  	s7 =	smul.u32 @!p0 $0xF7A, s2;
	p2 =	seq.s32 @!p0 s5, $0x0  }
0x1f: {  	s9 =	smul.u32 $0xF7A, s1;
	s8 =	simm.s32 @!p0 $0x1BF5;
	p2 =	por !p2, p0  }
0x20: {  	[sflag:s8] =	ssyncset.s32 @!p0 $0xFFFFF086;
	s6 =	sadd.s32 @!p0 s3, s7;
	s7 =	simm.s32 @!p0 $0x108  }
0x21: {  	s3 =	sadd.s32 s3, s9;
	s6 =	sadd.s32 @!p0 $0x88, s6;
	s7 =	simm.s32 @p2 $0x1082  }
0x22: {  	[simem:s7], [sflag:s8] =	dma.local @!p0 [hbm:s6], $0xF7A  }
0x23: {  	s9 =	sor.u32 $0xD0000000, s2;
	s6 =	simm.s32 $0x108;
	_ =	swait.ge @!p0 [sflag:s8], $0x0  }
0x24: {  	s3 =	sadd.s32 $0x88, s3;
	s6 =	simm.s32 @!p1 $0x1082;
	[sflag:s4] =	ssyncset.s32 $0xFFFFF086  }
0x25: {  	[simem:s6], [sflag:s4] =	dma.local [hbm:s3], $0xF7A  }
0x26: {  	[smem:$0x3F9F] =	sst s1;
	(tag) =	ssettag s2;
	_ =	strace s9  }
0x27: {  	s1 =	sld [smem:$0x3FAF]  }
0x28: {  	s2 =	sld [smem:$0x3FB0]  }
0x29: {  	s4 =	sld [smem:$0x3FB2]  }
0x2a: {  	p0 =	seq.s32 s5, $0x0;
	s5 =	sld [smem:$0x3FB3]  }
0x2b: {  	s6 =	sld [smem:$0x3FB4]  }
0x2c: {  	s7 =	sld [smem:$0x3FB5]  }
0x2d: {  	s3 =	simm.s32 $0x108;
	s8 =	sld [smem:$0x3FB6]  }
0x2e: {  	s3 =	simm.s32 @!p0 $0x1082;
	s9 =	sld [smem:$0x3FB7]  }
0x2f: {  	lr =	sadd.s32 s0, s3;
	s0 =	sld [smem:$0x3FAE]  }
0x30: {  	s3 =	sld [smem:$0x3FB1]  }
0x31: {  	[smem:$0x3FBA] =	sst s10  }
0x32: {  	s10 =	sld [smem:$0x3FB8];
	_ =	sdelay $0x3  }
0x33: {  	p0 =	seq.s32 s10, $0x1;
	s10 =	sld [smem:$0x3FBA];
	_ =	sdelay $0x3  }
0x34: {  	[smem:$0x3FBA] =	sst s10  }
0x35: {  	s10 =	sld [smem:$0x3FB9];
	_ =	sdelay $0x3  }
0x36: {  	p1 =	seq.s32 s10, $0x1;
	s10 =	sld [smem:$0x3FBA];
	_ =	sdelay $0x3  }
0x37: {  	[smem:$0x3FBA] =	sst s10  }
0x38: {  	s10 =	sld [smem:$0x3FBB]  }
0x39: {  	_ = 	snop;
	(pc) =	sbr.ind lr, $3  }
0x3a: {  	_ = 	snop  }
0x3b: {  	_ = 	snop  }
0x3c: {  	p2 =	seq.s32 s10, $0x1;
	s10 =	sld [smem:$0x3FBA]  }
0x3d: {  	_ =	shalt  }
0x3e: {  	_ =	shalt  }
0x3f: {  	_ =	shalt  }
0x40: {  	_ =	shalt  }
0x41: {  	_ =	shalt  }
0x42: {  	_ =	shalt  }
0x43: {  	_ =	shalt  }
0x44: {  	_ =	shalt  }
0x45: {  	_ =	shalt  }
0x46: {  	_ =	shalt  }
0x47: {  	_ =	shalt  }
0x48: {  	_ =	shalt  }
0x49: {  	_ =	shalt  }
0x4a: {  	_ =	shalt  }
0x4b: {  	_ =	shalt  }
0x4c: {  	_ =	shalt  }
0x4d: {  	_ =	shalt  }
0x4e: {  	_ =	shalt  }
0x4f: {  	_ =	shalt  }
0x50: {  	_ =	shalt  }
0x51: {  	_ =	shalt  }
0x52: {  	_ =	shalt  }
0x53: {  	_ =	shalt  }
0x54: {  	_ =	shalt  }
0x55: {  	_ =	shalt  }
0x56: {  	_ =	shalt  }
0x57: {  	_ =	shalt  }
0x58: {  	_ =	shalt  }
0x59: {  	_ =	shalt  }
0x5a: {  	_ =	shalt  }
0x5b: {  	_ =	shalt  }
0x5c: {  	_ =	shalt  }
0x5d: {  	_ =	shalt  }
0x5e: {  	_ =	shalt  }
0x5f: {  	_ =	shalt  }
0x60: {  	_ =	shalt  }
0x61: {  	_ =	shalt  }
0x62: {  	_ =	shalt  }
0x63: {  	_ =	shalt  }
0x64: {  	_ =	shalt  }
0x65: {  	_ =	shalt  }
0x66: {  	_ =	shalt  }
0x67: {  	_ =	shalt  }
0x68: {  	_ =	shalt  }
0x69: {  	_ =	shalt  }
0x6a: {  	_ =	shalt  }
0x6b: {  	_ =	shalt  }
0x6c: {  	_ =	shalt  }
0x6d: {  	_ =	shalt  }
0x6e: {  	_ =	shalt  }
0x6f: {  	_ =	shalt  }
0x70: {  	_ =	shalt  }
0x71: {  	_ =	shalt  }
0x72: {  	_ =	shalt  }
0x73: {  	_ =	shalt  }
0x74: {  	_ =	shalt  }
0x75: {  	_ =	shalt  }
0x76: {  	_ =	shalt  }
0x77: {  	_ =	shalt  }
0x78: {  	_ =	shalt  }
0x79: {  	_ =	shalt  }
0x7a: {  	_ =	shalt  }
0x7b: {  	_ =	shalt  }
0x7c: {  	_ =	shalt  }
0x7d: {  	_ =	shalt  }
0x7e: {  	_ =	shalt  }
0x7f: {  	_ =	shalt  }
0x80: {  	_ =	shalt  }
0x81: {  	_ =	shalt  }
0x82: {  	_ =	shalt  }
0x83: {  	_ =	shalt  }
0x84: {  	_ =	shalt  }
0x85: {  	_ =	shalt  }
0x86: {  	_ =	shalt  }
0x87: {  	_ =	shalt  }
.Lfunc_end0:
.L_simem_size_0:
called_computation.2_lowered:
.L_overlay_start_0:
0x88: {  	s2 =	sld [smem:$0x3FD9]  }
0x89: {  	s3 =	sld [smem:$0x3FFE];
	_ =	sdelay $0x1  }
0x8a: {  	s1 =	srdreg.scid  }
0x8b: {  	s0 =	sand.u32 $0x1, s1  }
0x8c: {  	s17 =	sshll.u32 s0, $0xA;
	s2 =	sadd.s32 s3, s2  }
0x8d: {  	s2 =	sadd.s32 s2, s17  }
0x8e: {  	[smem:$0x3FC6] =	sst s2  }
0x8f: {  	_ = 	snop  }
0x90: {  	s2 =	sld [smem:$0x3FD0];
	(tm) =	ssettm $0x1  }
0x91: {  	s18 =	sld [smem:$0x3FFB];
	_ =	sdelay $0x3  }
0x92: {  	_ =	strace s18  }
0x93: {  	s3 =	sld [smem:$0x3FFC];
	_ =	sdelay $0x3  }
0x94: {  	_ =	strace s3  }
0x95: {  	s3 =	sld [smem:$0x3FFD];
	_ =	sdelay $0x3  }
0x96: {  	_ =	strace s3  }
0x97: {  	_ =	strace $0x8FFFFFFF  }
0x98: {  	s19 =	sld [smem:$0x3FDB];
	_ =	sdelay $0x1  }
0x99: {  	s4 =	simm.s32 $_scs_section_size  }
0x9a: {  	s5 =	simm.s32 $_size__tile_overlayer_lowered;
	s6 =	simm.s32 $_tile_overlayer_lowered  }
0x9b: {  	s22 =	simm.s32 $0x1BFF;
	s21 =	sshll.u32 s6, $0x1;
	s3 =	sadd.s32 s4, s19  }
0x9c: {  	s7 =	simm.s32 $0x0;
	s20 =	sshll.u32 s5, $0x1;
	s5 =	sadd.s32 s21, s3  }
0x9d: {  	[timem:s7], [sflag:s22] =	dma.local [hbm:s5], s20  }
0x9e: {  	_ =	swait.ge [sflag:s22], s20  }
0x9f: {  	s4 =	ssub.s32 $0x0, s20;
	[sflag:s22] =	ssyncset.done $0x0  }
0xa0: {  	[sflag:s22] =	ssyncadd.s32 s4;
	_ =	sdelay $0x1  }
0xa1: {  	s23 =	simm.s32 $0x1B8B  }
0xa2: {  	_ =	swait.ge [sflag:s23], $0x1  }
0xa3: {  	[sflag:s23] =	ssyncset.done $0x0  }
0xa4: {  	s25 =	simm.s32 $0x1B8E;
	s24 =	sld [smem:$0x3FFE];
	[sflag:s23] =	ssyncadd.s32 $0xFFFFFFFF  }
0xa5: {  	s26 =	simm.s32 $execute0_lowered;
	[smem:$0x3FD2] =	sst s25  }
0xa6: {  	s5 =	sshll.u32 s26, $0x1;
	_ =	strace $0x8000004C;
	[dreg:$0x1] =	wrdreg $0xFFFFFFFF  }
0xa7: {  	s28 =	simm.s32 $_size_execute0_lowered;
	s3 =	sadd.s32 s3, s5;
	[dreg:$0x0] =	wrdreg $0x0  }
0xa8: {  	s5 =	sshll.u32 s28, $0x1;
	[dreg:$0x2] =	wrdreg s3  }
0xa9: {  	[dreg:$0x3] =	wrdreg s5  }
0xaa: {  	[dreg:$0x4] =	wrdreg $0xC0  }
0xab: {  	_ =	task [dreg:s7], $0x5FFFF  }
0xac: {  	[dreg:$0x1] =	wrdreg $0xFFFFFFFF  }
0xad: {  	[dreg:$0x0] =	wrdreg $0x60  }
0xae: {  	[dreg:$0x2] =	wrdreg s24  }
0xaf: {  	[dreg:$0x3] =	wrdreg s2  }
0xb0: {  	[dreg:$0x4] =	wrdreg $0x9  }
0xb1: {  	_ =	task.clear_ibuf [dreg:s7], $0x5FFFF;
	_ =	strace $0x9000004C  }
0xb2: {  	s29 =	simm.s32 $0x9;
	_ =	strace $0x8000004E  }
0xb3: {  	_ =	swait.ge [sflag:s29], $0x1  }
0xb4: {  	[sflag:s29] =	ssyncadd.s32 $0xFFFFFFFF  }
0xb5: {  	_ =	strace $0x9000004E  }
0xb6: {  	_ =	sfence  }
0xb7: {  	s30 =	sld [smem:$0x0];
	_ =	sdelay $0x2  }
0xb8: {  	s31 =	sshll.u32 s1, $0xD;
	s1 =	sshrl.u32 s1, $0x2  }
0xb9: {  	s3 =	sand.u32 $0x4000, s31;
	s1 =	sadd.s32 s1, s30  }
0xba: {  	s0 =	sor.u32 s3, s0;
	s1 =	sshll.u32 s1, $0x11  }
0xbb: {  	s0 =	sor.u32 s1, s0  }
0xbc: {  	s0 =	sadd.s32 $0x8F2B, s0  }
0xbd: {  	[sflag:s0] =	ssyncadd.remote.s32 $0x1  }
0xbe: {  	_ =	sfence.sel $0xFFFF  }
0xbf: {  	[dreg:$0x0] =	wrdreg $0xFFFFFFFF;
	(pc) =	sbr.abs _section_cstart, $3  }
0xc0: {  	[dreg:$0x1] =	wrdreg $0xFFFFFFFF  }
0xc1: {  	_ =	task.clear_ibuf [dreg:s7], $0x2FFFF;
	_ =	strace $0x9FFFFFFF  }
0xc2: {  	(tm) =	ssettm $0x7FFFFFFF  }
0xc3: {  	_ =	shalt  }
tec
execute0_lowered:
.L_overlay_start_1:
0x0: {  	(tag) =	ssettag $0x1  }
0x1: {  	s1 =	srdreg.scid  }
0x2: {  	s2 =	stileid.u32;
	s1 =	sand.u32 $0x1, s1  }
0x3: {  	s2 =	sor.u32 s2, s1  }
0x4: {  	p0 =	sne.s32 s2, $0x0  }
.Ltmp0:
0x5: {  	_ = 	snop;
	(pc) =	sbr.rel @p0 .LBB2_7-.Ltmp0, $2  }
0x6: {  	_ =	sdelay $0x2  }
0x7: {  	s0 =	rddreg [dreg:$0x0];
	_ =	strace $0x8000004D  }
0x8: {  	s2 =	sadd.s32 $0x41E00, s0  }
0x9: {  	s26 =	sadd.s32 $0x42000, s0;
	[dreg:$0x3] =	wrdreg s2  }
0xa: {  	s28 =	sadd.s32 $0x42200, s0;
	[dreg:$0x4] =	wrdreg s26  }
0xb: {  	s1 =	ssub.s32 $0x2, s1;
	s29 =	sadd.s32 $0x42400, s0;
	[dreg:$0x5] =	wrdreg s28  }
0xc: {  	s30 =	sadd.s32 $0x41C00, s0;
	[dreg:$0x6] =	wrdreg s29;
	s31 =	sshrl.u32 s1, $0x1  }
0xd: {  	v0 =	vlaneseq.u32;
	s3 =	simm.s32 $0x0;
	[dreg:$0x7] =	wrdreg s30;
	s0 =	ssub.s32 s1, s31  }
0xe: {  	vm0 =	vmmov $0x1;
	vm1 =	vcmask $0x308;
	vm2 =	vcmask $0x70C;
	s2 =	simm.s32 $0x1;
	s1 =	simm.s32 $0x0;
	[dreg:$0x8] =	wrdreg s0  }
.LBB2_2:
0xf: {  	[dreg:$0x9] =	wrdreg s3  }
0x10: {  	s0 =	rddreg [dreg:$0x3]  }
0x11: {  	[tilespmem:s1], [sflag:$0x1] =	stream.linear.gather [hbm4b:s0+s1], $0x900, $0x38;
	[tilespmem:$0x2500] =	vst v63  }
0x12: {  	_ =	swait.ge [sflag:s2], $0x900  }
0x13: {  	[sflag:s2] =	ssyncset.done $0x0  }
0x14: {  	s10 =	simm.s32 $0x900;
	s9 =	rddreg [dreg:$0x4];
	[sflag:s2] =	ssyncadd.s32 $0xFFFFF700  }
0x15: {  	[tilespmem:s10], [sflag:$0x1] =	stream.linear.gather [hbm4b:s9+s1], $0x900, $0x38;
	[tilespmem:$0x2500] =	vst v63  }
0x16: {  	_ =	swait.ge [sflag:s2], $0x900  }
0x17: {  	[sflag:s2] =	ssyncset.done $0x0  }
0x18: {  	s12 =	simm.s32 $0x1200;
	s11 =	rddreg [dreg:$0x5];
	[sflag:s2] =	ssyncadd.s32 $0xFFFFF700  }
0x19: {  	[tilespmem:s12], [sflag:$0x1] =	stream.linear.gather [hbm4b:s11+s1], $0x900, $0x38;
	[tilespmem:$0x2500] =	vst v63  }
0x1a: {  	_ =	swait.ge [sflag:s2], $0x900  }
0x1b: {  	[sflag:s2] =	ssyncset.done $0x0  }
0x1c: {  	s14 =	simm.s32 $0x1B00;
	s13 =	rddreg [dreg:$0x6];
	[sflag:s2] =	ssyncadd.s32 $0xFFFFF700  }
0x1d: {  	[tilespmem:s14], [sflag:$0x1] =	stream.linear.gather [hbm4b:s13+s1], $0x900, $0x38;
	[tilespmem:$0x2500] =	vst v63  }
0x1e: {  	_ =	swait.ge [sflag:s2], $0x900  }
0x1f: {  	[sflag:s2] =	ssyncset.done $0x0  }
0x20: {  	s16 =	simm.s32 $0x2400;
	s15 =	rddreg [dreg:$0x7];
	[sflag:s2] =	ssyncadd.s32 $0xFFFFF700  }
0x21: {  	[tilespmem:s16], [sflag:$0x1] =	stream.linear.gather [hbm4b:s15+s1], $0x80, $0x38;
	[tilespmem:$0x2500] =	vst v63  }
0x22: {  	s18 =	simm.s32 $0x0;
	_ =	swait.ge [sflag:s2], $0x80  }
0x23: {  	s17 =	sand.u32 $0x70, s1;
	s1 =	sand.u32 $0x700, s18;
	[sflag:s2] =	ssyncset.done $0x0  }
0x24: {  	s0 =	sor.u32 s17, s1;
	[sflag:s2] =	ssyncadd.s32 $0xFFFFFF80  }
0x25: {  	v1 =	vld [tilespmem:s0+$0x900]  }
0x26: {  	v2 =	vld [tilespmem:s0+$0x980]  }
0x27: {  	v3 =	vld [tilespmem:s0+$0x0]  }
0x28: {  	v4 =	vld [tilespmem:s0+$0x80]  }
0x29: {  	s19 =	simm.s32 $0x10;
	s20 =	simm.s32 $0x20  }
0x2a: {  	s1 =	sand.u32 $0x70, s19;
	s0 =	sand.u32 $0x700, s20  }
0x2b: {  	s0 =	sor.u32 s1, s0  }
0x2c: {  	v8 =	vadd.f32 v2, v1;
	v1 =	vld [tilespmem:s0+$0x900]  }
0x2d: {  	v2 =	vld [tilespmem:s0+$0x980];
	v11 =	vadd.f32 v4, v3  }
0x2e: {  	(xrf2) =	vadd.scan.msk.f32 $0xffff, v8  }
0x2f: {  	v3 =	vld [tilespmem:s0+$0x0];
	(xrf2) =	vadd.scan.msk.f32 $0xffff, v11  }
0x30: {  	v4 =	vld [tilespmem:s0+$0x80];
	_ =	sdelay $0x1  }
0x31: {  	v1 =	vadd.f32 v2, v1  }
0x32: {  	s21 =	simm.s32 $0x20;
	s22 =	simm.s32 $0x40  }
0x33: {  	s1 =	sand.u32 $0x700, s22;
	s0 =	sand.u32 $0x70, s21;
	(xrf2) =	vadd.scan.msk.f32 $0xffff, v1  }
0x34: {  	s0 =	sor.u32 s0, s1;
	v2 =	vadd.f32 v4, v3  }
0x35: {  	v5 =	vld [tilespmem:s0+$0x0]  }
0x36: {  	v3 =	vld [tilespmem:s0+$0x900];
	(xrf2) =	vadd.scan.msk.f32 $0xffff, v2  }
0x37: {  	v4 =	vld [tilespmem:s0+$0x980];
	v15, _, _ =	vpop (xrf2)  }
0x38: {  	v6 =	vld [tilespmem:s0+$0x80];
	(xrf0) =	vmax.scan.msk.f32 $0xffff, v15;
	v16, _, _ =	vpop (xrf2)  }
0x39: {  	(xrf0) =	vmax.scan.msk.f32 $0xffff, v16;
	_ =	sdelay $0x2  }
0x3a: {  	v3 =	vadd.f32 v4, v3  }
0x3b: {  	v4 =	vadd.f32 v6, v5;
	v5, _, _ =	vpop (xrf2)  }
0x3c: {  	(xrf2) =	vadd.scan.msk.f32 $0xffff, v3;
	v7, _, _ =	vpop (xrf0)  }
0x3d: {  	s23 =	simm.s32 $0x30;
	s24 =	simm.s32 $0x60;
	(xrf2) =	vadd.scan.msk.f32 $0xffff, v4;
	(v2sf) =	vpush v7, $0xF;
	v7, _, _ =	vpop (xrf0)  }
0x3e: {  	s1 =	sand.u32 $0x700, s24;
	s0 =	sand.u32 $0x70, s23;
	v6, _, _ =	vpop (xrf2);
	(xrf0) =	vmax.scan.msk.f32 $0xffff, v5;
	(v2sf) =	vpush v7, $0xF  }
0x3f: {  	s0 =	sor.u32 s0, s1;
	(xrf0) =	vmax.scan.msk.f32 $0xffff, v6  }
0x40: {  	v9 =	vld [tilespmem:s0+$0x980]  }
0x41: {  	v7 =	vld [tilespmem:s0+$0x900]  }
0x42: {  	v10 =	vld [tilespmem:s0+$0x0]  }
0x43: {  	v12 =	vld [tilespmem:s0+$0x80]  }
0x44: {  	s25 =	simm.s32 $0x40;
	s26 =	simm.s32 $0x80;
	s18 =	simm.f32 $0.0e+00;
	v13, _, _ =	vpop (xrf0)  }
0x45: {  	s1 =	sand.u32 $0x700, s26;
	v14 =	vadd.f32 s18, v16;
	s0 =	sand.u32 $0x70, s25;
	v17, _, _ =	vpop (xrf0)  }
0x46: {  	s0 =	sor.u32 s0, s1;
	(v2sf) =	vpush v13, $0xF;
	v7 =	vadd.f32 v9, v7;
	v9, _, _ =	vpop (xrf2)  }
0x47: {  	vm3 =	vge.f32 v14, $1.572864000e+06;
	v14 =	vld [tilespmem:s0+$0x900];
	(v2sf) =	vpush v17, $0xF;
	(xrf0) =	vmax.scan.msk.f32 $0xffff, v9  }
0x48: {  	v10 =	vadd.f32 v12, v10;
	v12 =	vld [tilespmem:s0+$0x980];
	v17 =	vmctz.xlane vm3;
	v13, _, _ =	vpop (xrf2);
	(xrf2) =	vadd.scan.msk.f32 $0xffff, v7  }
0x49: {  	v18 =	vld [tilespmem:s0+$0x0];
	(xrf0) =	vmax.scan.msk.f32 $0xffff, v13  }
0x4a: {  	v19 =	vld [tilespmem:s0+$0x80];
	v17 =	vxor.u32 $0x80000000, v17;
	(xrf2) =	vadd.scan.msk.f32 $0xffff, v10  }
0x4b: {  	(xrf0) =	vmax.scan.msk.u32 $0xffff, v17  }
0x4c: {  	s31 =	spop (v2sf)  }
0x4d: {  	v12 =	vadd.f32 v12, v14;
	s3 =	spop (v2sf)  }
0x4e: {  	s23 =	sadd.f32 s3, s18  }
0x4f: {  	v14 =	vadd.f32 v19, v18;
	(xrf2) =	vadd.scan.msk.f32 $0xffff, v12;
	v17, _, _ =	vpop (xrf0)  }
0x50: {  	(v2sf) =	vpush v17, $0xF;
	v17, _, _ =	vpop (xrf0);
	v18 =	vadd.f32 s23, v6  }
0x51: {  	(v2sf) =	vpush v17, $0xF;
	v17, _, _ =	vpop (xrf0)  }
0x52: {  	s4 =	simm.s32 $0x50;
	s5 =	simm.s32 $0xA0;
	(v2sf) =	vpush v17, $0xF  }
0x53: {  	s2 =	sand.u32 $0x700, s5;
	s1 =	sand.u32 $0x70, s4;
	(xrf2) =	vadd.scan.msk.f32 $0xffff, v14;
	v19, _, _ =	vpop (xrf2)  }
0x54: {  	s2 =	sor.u32 s1, s2;
	(xrf0) =	vmax.scan.msk.f32 $0xffff, v19;
	vm3 =	vge.f32 v18, $1.572864000e+06;
	v18, _, _ =	vpop (xrf2)  }
0x55: {  	v20 =	vld [tilespmem:s2+$0x900];
	s6 =	spop (v2sf);
	v17 =	vmctz.xlane vm3;
	(xrf0) =	vmax.scan.msk.f32 $0xffff, v18  }
0x56: {  	v21 =	vld [tilespmem:s2+$0x980];
	s7 =	spop (v2sf)  }
0x57: {  	s25 =	sadd.f32 s7, s23;
	v17 =	vxor.u32 $0x80000000, v17  }
0x58: {  	v22 =	vld [tilespmem:s2+$0x0];
	(xrf0) =	vmax.scan.msk.u32 $0xffff, v17  }
0x59: {  	v24 =	vld [tilespmem:s2+$0x80];
	v25, _, _ =	vpop (xrf2);
	v17 =	vadd.f32 s25, v13  }
0x5a: {  	v23, _, _ =	vpop (xrf0)  }
0x5b: {  	(v2sf) =	vpush v23, $0xF;
	vm3 =	vge.f32 v17, $1.572864000e+06;
	v17 =	vadd.f32 v21, v20;
	v54, _, _ =	vpop (xrf0)  }
0x5c: {  	(xrf0) =	vmax.scan.msk.f32 $0xffff, v25;
	(v2sf) =	vpush v54, $0xF  }
0x5d: {  	v52, _, _ =	vpop (xrf2);
	(xrf2) =	vadd.scan.msk.f32 $0xffff, v17  }
0x5e: {  	s8 =	simm.s32 $0x60;
	s9 =	simm.s32 $0xC0;
	v22 =	vadd.f32 v24, v22;
	v53 =	vmctz.xlane vm3;
	(xrf0) =	vmax.scan.msk.f32 $0xffff, v52;
	v55, _, _ =	vpop (xrf0)  }
0x5f: {  	s2 =	sand.u32 $0x70, s8;
	s3 =	sand.u32 $0x700, s9;
	s4 =	spop (v2sf);
	(v2sf) =	vpush v55, $0xF  }
0x60: {  	s2 =	sor.u32 s2, s3;
	v21 =	vxor.u32 $0x80000000, v53;
	(xrf2) =	vadd.scan.msk.f32 $0xffff, v22;
	s5 =	spop (v2sf)  }
0x61: {  	v56 =	vld [tilespmem:s2+$0x900];
	(xrf0) =	vmax.scan.msk.u32 $0xffff, v21;
	s10 =	spop (v2sf)  }
0x62: {  	s11 =	simm.s32 $0x70;
	v58 =	vld [tilespmem:s2+$0x980];
	v57, _, _ =	vpop (xrf0);
	s3 =	sxor.u32 $0x80000000, s10  }
0x63: {  	s12 =	simm.s32 $0xE0;
	s14 =	simm.s32 $0x80;
	p0 =	slt.f32 s18, $1.572864000e+06;
	v11 =	vsub.f32 v16, v11;
	v16 =	vld [tilespmem:s2+$0x0];
	(v2sf) =	vpush v57, $0xF;
	v60 =	vmov s3  }
0x64: {  	v8 =	vsub.f32 v15, v8;
	s0 =	sand.u32 $0x70, s11;
	s1 =	sand.u32 $0x700, s12;
	p1 =	sge.f32 s23, $1.572864000e+06;
	v15 =	vld [tilespmem:s2+$0x80];
	vm3 =	veq.s32 v60, v0;
	v59, _, _ =	vpop (xrf0)  }
0x65: {  	p0 =	por p0, p0;
	s0 =	sor.u32 s0, s1;
	s20 =	sadd.f32 s31, s18;
	v11 =	vnsel vm3, $0x0, v11;
	(v2sf) =	vpush v59, $0xF  }
0x66: {  	p2 =	slt.f32 s23, $1.572864000e+06;
	p0 =	por !p0, !p1;
	s29 =	sadd.f32 s5, s25;
	(xrf2) =	vadd.scan.msk.f32 $0xffff, v11  }
0x67: {  	s1 =	sand.u32 $0x70, s14;
	s14 =	simm.f32 $0.0e+00;
	p0 =	por p0, p0;
	v21 =	vadd.f32 v58, v56;
	v8 =	vnsel vm3, $0x0, v8;
	v61, _, _ =	vpop (xrf0)  }
0x68: {  	p2 =	por p2, p2;
	s19 =	sadd.f32 s6, s20;
	p0 =	por p0, p0;
	(v2sf) =	vpush v61, $0xF;
	v62, _, _ =	vpop (xrf2);
	(xrf2) =	vadd.scan.msk.f32 $0xffff, v8;
	v8 =	vadd.f32 s29, v18  }
0x69: {  	v16 =	vadd.f32 v15, v16;
	p0 =	por p0, p0;
	p6 =	sge.f32 s25, $1.572864000e+06;
	p3 =	slt.f32 s25, $1.572864000e+06;
	(xrf0) =	vmax.scan.msk.f32 $0xffff, v62  }
0x6a: {  	p0 =	por p0, p0;
	s21 =	sadd.f32 s4, s19;
	(xrf2) =	vadd.scan.msk.f32 $0xffff, v21;
	vm3 =	vge.f32 v8, $1.572864000e+06;
	s13 =	spop (v2sf)  }
0x6b: {  	p1 =	por !p2, !p6;
	p4 =	sge.f32 s29, $1.572864000e+06;
	v63, _, _ =	vpop (xrf2);
	(xrf2) =	vadd.scan.msk.f32 $0xffff, v16;
	v8 =	vmctz.xlane vm3;
	s15 =	spop (v2sf)  }
0x6c: {  	p3 =	por p3, p3;
	p1 =	por p1, p1;
	(xrf0) =	vmax.scan.msk.f32 $0xffff, v63;
	s28 =	sadd.f32 s15, s29  }
0x6d: {  	v1 =	vsub.f32 v5, v1;
	v5 =	vld [tilespmem:s0+$0x900];
	s5 =	simm.s32 $0x90;
	p5 =	slt.f32 s29, $1.572864000e+06;
	p2 =	por !p3, !p4;
	v11 =	vsub.f32 v9, v3;
	v3 =	vxor.u32 $0x80000000, v8  }
0x6e: {  	v13 =	vsub.f32 v13, v4;
	v4 =	vsub.f32 v25, v12;
	v12 =	vld [tilespmem:s0+$0x80];
	p4 =	por p1, p1;
	(xrf0) =	vmax.scan.msk.u32 $0xffff, v3;
	s16 =	spop (v2sf);
	p6 =	sge.f32 s28, $1.572864000e+06  }
0x6f: {  	p5 =	por p5, p5;
	v9 =	vsub.f32 v19, v7;
	p2 =	por p2, p2;
	v8 =	vsub.f32 v18, v10;
	v10 =	vld [tilespmem:s0+$0x0];
	s17 =	sxor.u32 $0x80000000, s16  }
0x70: {  	v15 =	vld [tilespmem:s0+$0x980];
	v7 =	vsub.f32 v52, v14;
	p3 =	por p4, p4;
	s0 =	simm.s32 @!p0 $0x0;
	v3 =	vsub.f32 v62, v17;
	v17, _, _ =	vpop (xrf2);
	v14 =	vmov s17;
	p6 =	por !p5, !p6  }
0x71: {  	v2 =	vsub.f32 v6, v2;
	s22 =	sadd.f32 s13, s21;
	s0 =	simm.s32 @p0 $0x1;
	v18, _, _ =	vpop (xrf0);
	(v2sf) =	vpush v17, $0xF;
	p0 =	por p6, p6  }
0x72: {  	[smem:$0x7FC] =	sst s0;
	s24 =	spop (v2sf);
	v19 =	vadd.f32 s28, v52;
	(v2sf) =	vpush v18, $0xF;
	v18, _, _ =	vpop (xrf0);
	vm3 =	veq.s32 v14, v0;
	s0 =	simm.s32 @!p0 $0x0  }
0x73: {  	v6 =	vsub.f32 v63, v22;
	p1 =	slt.f32 s28, $1.572864000e+06;
	s24 =	sadd.f32 s24, s22;
	v2 =	vnsel vm3, $0x0, v2;
	v17 =	vnsel vm3, $0x0, v1;
	v14, _, _ =	vpop (xrf2);
	s0 =	simm.s32 @p0 $0x1  }
0x74: {  	vm3 =	vge.f32 v19, $1.572864000e+06;
	s26 =	spop (v2sf);
	(xrf2) =	vadd.scan.msk.f32 $0xffff, v2;
	v2 =	vadd.f32 v12, v10;
	v10, _, _ =	vpop (xrf0);
	(v2sf) =	vpush v14, $0xF;
	[smem:$0x7FD] =	sst s0;
	s0 =	simm.s32 $0x100  }
0x75: {  	p4 =	por p2, p2;
	v1 =	vadd.f32 v15, v5;
	v15 =	vmctz.xlane vm3;
	v14, _, _ =	vpop (xrf2);
	s30 =	sadd.f32 s26, s28;
	(xrf2) =	vadd.scan.msk.f32 $0xffff, v17;
	(v2sf) =	vpush v18, $0xF;
	s31 =	sand.u32 $0x700, s0  }
0x76: {  	s17 =	simm.f32 $0.0e+00;
	p2 =	por p1, p1;
	v5 =	vsub.f32 v14, v21;
	(xrf0) =	vmax.scan.msk.f32 $0xffff, v14;
	v12, _, _ =	vpop (xrf2);
	(v2sf) =	vpush v10, $0xF;
	s2 =	sor.u32 s1, s31  }
0x77: {  	s4 =	spop (v2sf);
	s26 =	simm.f32 $0.0e+00;
	v15 =	vxor.u32 $0x80000000, v15;
	(xrf2) =	vadd.scan.msk.f32 $0xffff, v1;
	p5 =	slt.f32 s30, $1.572864000e+06;
	v10 =	vsub.f32 v12, v16;
	v16 =	vadd.f32 s30, v63;
	v14 =	vld [tilespmem:s2+$0x900]  }
.LBB2_3:
0x78: {  	p1 =	sge.f32 s30, $1.572864000e+06;
	s6 =	sxor.u32 $0x80000000, s4  }
0x79: {  	s9 =	smov.u32 s5;
	s1 =	sadd.s32 $0x10, s5;
	s7 =	sld [smem:$0x7FC]  }
0x7a: {  	s3 =	smov.u32 s19;
	s19 =	smov.u32 s21;
	s11 =	sld [smem:$0x7FD]  }
0x7b: {  	s21 =	smov.u32 s22;
	s10 =	smov.u32 s25;
	s25 =	smov.u32 s29  }
0x7c: {  	s29 =	smov.u32 s28;
	s28 =	smov.u32 s30;
	s0 =	sadd.s32 $0x20, s0  }
0x7d: {  	(xrf0) =	vmax.scan.msk.f32 $0xffff, v12;
	p1 =	por !p2, !p1;
	p6 =	seq.s32 s7, $0x1;
	p2 =	seq.s32 s11, $0x1  }
0x7e: {  	(xrf2) =	vadd.scan.msk.f32 $0xffff, v2;
	p0 =	por p6, p6;
	p6 =	por p3, p3;
	p3 =	por p4, p4  }
0x7f: {  	v17 =	vld [tilespmem:s2+$0x980];
	p4 =	por p2, p2;
	p2 =	por p1, p1;
	s7 =	simm.s32 @!p6 $0x0  }
0x80: {  	v18 =	vld [tilespmem:s2+$0x0];
	vm3 =	vge.f32 v16, $1.572864000e+06;
	v16 =	vmov s6;
	s7 =	simm.s32 @p6 $0x1;
	p6 =	sne.s32 s5, $0x3F0;
	s5 =	simm.s32 @!p2 $0x0  }
0x81: {  	v20 =	vld [tilespmem:s2+$0x80];
	s22 =	smov.u32 s24;
	v22 =	vmctz.xlane vm3;
	vm3 =	veq.s32 v16, v0;
	v21, _, _ =	vpop (xrf0);
	(xrf0) =	vmax.scan.msk.u32 $0xffff, v15;
	[smem:$0x7FC] =	sst s7;
	s5 =	simm.s32 @p2 $0x1  }
0x82: {  	s31 =	sand.u32 $0x700, s0;
	v23 =	vnsel vm3, $0x0, v13;
	v16 =	vnsel vm3, $0x0, v11;
	v11 =	vmov v9;
	[smem:$0x7FD] =	sst s5;
	s12 =	spop (v2sf)  }
0x83: {  	v9 =	vmov v4;
	v4 =	vmov v3;
	v3 =	vmov v5;
	p0 =	por !p0, !p0;
	v19, _, _ =	vpop (xrf2);
	s13 =	spop (v2sf);
	s5 =	sadd.f32 s12, s14  }
0x84: {  	v13 =	vmov v8;
	v8 =	vmov v7;
	v5, _, _ =	vpop (xrf0);
	p2 =	por p5, p5;
	(v2sf) =	vpush v19, $0xF;
	s14 =	smov.u32 s23;
	s24 =	sadd.f32 s13, s24  }
.Ltmp1:
0x85: {  	v7 =	vmov v6;
	v14 =	vadd.f32 v17, v14;
	v19, _, _ =	vpop (xrf2);
	(v2sf) =	vpush v21, $0xF;
	s23 =	smov.u32 s10;
	s15 =	spop (v2sf);
	(pc) =	sbr.rel @p6 .LBB2_3-.Ltmp1, $4  }
0x86: {  	v6 =	vmov v10;
	v17 =	vadd.f32 v20, v18;
	(xrf2) =	vadd.scan.msk.f32 $0xffff, v23;
	v10, _, _ =	vpop (xrf2);
	(v2sf) =	vpush v19, $0xF;
	s18 =	smov.u32 @p0 s5;
	s16 =	spop (v2sf);
	s6 =	sadd.f32 s15, s26  }
0x87: {  	(xrf0) =	vmax.scan.msk.f32 $0xffff, v10;
	(v2sf) =	vpush v5, $0xF;
	v5 =	vsub.f32 v10, v1;
	v10, _, _ =	vpop (xrf0);
	s26 =	sand.u32 $0x70, s9;
	s5 =	smov.u32 s1;
	s30 =	sadd.f32 s16, s30  }
0x88: {  	v15 =	vxor.u32 $0x80000000, v22;
	(xrf2) =	vadd.scan.msk.f32 $0xffff, v16;
	v18, _, _ =	vpop (xrf2);
	v1 =	vmov v14;
	(v2sf) =	vpush v10, $0xF;
	s2 =	sor.u32 s26, s31;
	s26 =	smov.u32 s20;
	s4 =	spop (v2sf)  }
0x89: {  	(xrf2) =	vadd.scan.msk.f32 $0xffff, v1;
	v10 =	vsub.f32 v18, v2;
	v2 =	vmovc v17;
	s20 =	smov.u32 s3;
	s17 =	smov.u32 @p0 s6;
	v14 =	vld [tilespmem:s2+$0x900];
	v16 =	vadd.f32 s30, v12;
	p5 =	slt.f32 s30, $1.572864000e+06;
	v12 =	vmov v18  }
0x8a: {  	_ = 	snop  }
0x8b: {  	s0 =	sxor.u32 $0x80000000, s4;
	(xrf2) =	vadd.scan.msk.f32 $0xffff, v2  }
0x8c: {  	v17 =	vmov s0  }
0x8d: {  	vm3 =	veq.s32 v17, v0  }
0x8e: {  	v13 =	vnsel vm3, $0x0, v13  }
0x8f: {  	v11 =	vnsel vm3, $0x0, v11;
	(xrf2) =	vadd.scan.msk.f32 $0xffff, v13  }
0x90: {  	(xrf0) =	vmax.scan.msk.f32 $0xffff, v12  }
0x91: {  	(xrf2) =	vadd.scan.msk.f32 $0xffff, v11;
	v17, _, _ =	vpop (xrf2)  }
0x92: {  	(xrf0) =	vmax.scan.msk.u32 $0xffff, v15;
	vm3 =	vge.f32 v16, $1.572864000e+06;
	v11, _, _ =	vpop (xrf2)  }
0x93: {  	v16 =	vmctz.xlane vm3;
	v13, _, _ =	vpop (xrf2)  }
0x94: {  	v15, _, _ =	vpop (xrf0);
	(xrf0) =	vmax.scan.msk.f32 $0xffff, v13  }
0x95: {  	(v2sf) =	vpush v17, $0xF;
	v17, _, _ =	vpop (xrf2)  }
0x96: {  	(v2sf) =	vpush v15, $0xF;
	v15 =	vxor.u32 $0x80000000, v16;
	(xrf0) =	vmax.scan.msk.f32 $0xffff, v17  }
0x97: {  	v16, _, _ =	vpop (xrf0);
	(v2sf) =	vpush v11, $0xF;
	(xrf0) =	vmax.scan.msk.u32 $0xffff, v15  }
0x98: {  	v11, _, _ =	vpop (xrf0);
	(v2sf) =	vpush v16, $0xF  }
0x99: {  	(v2sf) =	vpush v11, $0xF;
	v11, _, _ =	vpop (xrf2)  }
0x9a: {  	(v2sf) =	vpush v11, $0xF;
	v16, _, _ =	vpop (xrf0)  }
0x9b: {  	v11, _, _ =	vpop (xrf2);
	(v2sf) =	vpush v16, $0xF  }
0x9c: {  	v19, _, _ =	vpop (xrf0);
	(v2sf) =	vpush v11, $0xF  }
0x9d: {  	v18 =	vld [tilespmem:s2+$0x0];
	v11, _, _ =	vpop (xrf0);
	(v2sf) =	vpush v19, $0xF  }
0x9e: {  	v15 =	vld [tilespmem:s2+$0x980];
	(v2sf) =	vpush v11, $0xF  }
0x9f: {  	s16 =	spop (v2sf);
	v16 =	vld [tilespmem:s2+$0x80]  }
0xa0: {  	s6 =	spop (v2sf)  }
0xa1: {  	s11 =	spop (v2sf)  }
0xa2: {  	s7 =	spop (v2sf)  }
0xa3: {  	s8 =	spop (v2sf);
	v11 =	vadd.f32 v15, v14  }
0xa4: {  	v14 =	vadd.f32 v16, v18;
	s9 =	spop (v2sf)  }
0xa5: {  	(xrf2) =	vadd.scan.msk.f32 $0xffff, v11;
	s1 =	spop (v2sf)  }
0xa6: {  	s2 =	sxor.u32 $0x80000000, s8;
	(xrf2) =	vadd.scan.msk.f32 $0xffff, v14;
	s12 =	spop (v2sf)  }
0xa7: {  	v15 =	vmov s2;
	s10 =	spop (v2sf)  }
0xa8: {  	vm3 =	veq.s32 v15, v0;
	s3 =	spop (v2sf)  }
0xa9: {  	v8 =	vnsel vm3, $0x0, v8;
	s8 =	spop (v2sf)  }
0xaa: {  	s4 =	sadd.f32 s7, s30;
	v9 =	vnsel vm3, $0x0, v9;
	(xrf2) =	vadd.scan.msk.f32 $0xffff, v8;
	s15 =	sxor.u32 $0x80000000, s3;
	s13 =	spop (v2sf)  }
0xab: {  	(xrf2) =	vadd.scan.msk.f32 $0xffff, v9;
	v9 =	vmov s15;
	[dreg:$0xa] =	wrdreg s13;
	s13 =	spop (v2sf)  }
0xac: {  	[dreg:$0xb] =	wrdreg s1;
	v8 =	vadd.f32 s4, v12;
	vm4 =	veq.s32 v9, v0;
	s31 =	spop (v2sf)  }
0xad: {  	s5 =	sadd.f32 s10, s4;
	v7 =	vnsel vm4, $0x0, v7;
	s1 =	spop (v2sf)  }
0xae: {  	vm3 =	vge.f32 v8, $1.572864000e+06;
	v4 =	vnsel vm4, $0x0, v4;
	(xrf2) =	vadd.scan.msk.f32 $0xffff, v7;
	s2 =	sxor.u32 $0x80000000, s1  }
0xaf: {  	[dreg:$0xc] =	wrdreg s6;
	v15 =	vadd.f32 s5, v17;
	v9 =	vmctz.xlane vm3;
	v12, _, _ =	vpop (xrf2);
	(xrf2) =	vadd.scan.msk.f32 $0xffff, v4;
	v7 =	vmov s2  }
0xb0: {  	(xrf0) =	vmax.scan.msk.f32 $0xffff, v12;
	v8, _, _ =	vpop (xrf2);
	s6 =	sadd.f32 s31, s5;
	vm3 =	veq.s32 v7, v0  }
0xb1: {  	vm4 =	vge.f32 v15, $1.572864000e+06;
	v9 =	vxor.u32 $0x80000000, v9;
	(xrf0) =	vmax.scan.msk.f32 $0xffff, v8;
	v3 =	vnsel vm3, $0x0, v3  }
0xb2: {  	(xrf0) =	vmax.scan.msk.u32 $0xffff, v9;
	v7 =	vadd.f32 s6, v8;
	v4 =	vnsel vm3, $0x0, v6;
	v6 =	vmctz.xlane vm4  }
0xb3: {  	(xrf2) =	vadd.scan.msk.f32 $0xffff, v4  }
0xb4: {  	vm3 =	vge.f32 v7, $1.572864000e+06;
	(xrf2) =	vadd.scan.msk.f32 $0xffff, v3;
	v4 =	vxor.u32 $0x80000000, v6;
	v3, _, _ =	vpop (xrf2)  }
0xb5: {  	(v2sf) =	vpush v3, $0xF;
	v3 =	vmctz.xlane vm3  }
0xb6: {  	v6, _, _ =	vpop (xrf0);
	(xrf0) =	vmax.scan.msk.u32 $0xffff, v4  }
0xb7: {  	(v2sf) =	vpush v6, $0xF;
	v4, _, _ =	vpop (xrf2);
	v3 =	vxor.u32 $0x80000000, v3  }
0xb8: {  	v6, _, _ =	vpop (xrf0);
	(v2sf) =	vpush v4, $0xF  }
0xb9: {  	v4, _, _ =	vpop (xrf0);
	(v2sf) =	vpush v6, $0xF;
	(xrf0) =	vmax.scan.msk.u32 $0xffff, v3  }
0xba: {  	(v2sf) =	vpush v4, $0xF;
	v3, _, _ =	vpop (xrf2)  }
0xbb: {  	(v2sf) =	vpush v3, $0xF;
	v3, _, _ =	vpop (xrf2)  }
0xbc: {  	(v2sf) =	vpush v3, $0xF;
	v3, _, _ =	vpop (xrf0)  }
0xbd: {  	(v2sf) =	vpush v3, $0xF;
	v3, _, _ =	vpop (xrf2)  }
0xbe: {  	(v2sf) =	vpush v3, $0xF;
	v3, _, _ =	vpop (xrf2)  }
0xbf: {  	(v2sf) =	vpush v3, $0xF;
	v3, _, _ =	vpop (xrf0)  }
0xc0: {  	(v2sf) =	vpush v3, $0xF;
	_ =	sdelay $0x4  }
0xc1: {  	s31 =	spop (v2sf)  }
0xc2: {  	s2 =	spop (v2sf)  }
0xc3: {  	s15 =	spop (v2sf)  }
0xc4: {  	p6 =	por p4, p4;
	p4 =	sge.f32 s30, $1.572864000e+06;
	s10 =	spop (v2sf)  }
0xc5: {  	s14 =	sadd.f32 s16, s14;
	s3 =	spop (v2sf)  }
0xc6: {  	p1 =	por p3, p3;
	s16 =	sld [smem:$0x7FC];
	s1 =	spop (v2sf)  }
0xc7: {  	p1 =	por p1, p1;
	s2 =	spop (v2sf)  }
0xc8: {  	p2 =	por !p2, !p4;
	s7 =	sxor.u32 $0x80000000, s3;
	s0 =	spop (v2sf)  }
0xc9: {  	p2 =	por p2, p2;
	p0 =	seq.s32 s16, $0x1;
	v3 =	vmov s7;
	s7 =	spop (v2sf)  }
0xca: {  	p0 =	por p0, p0;
	s0 =	sxor.u32 $0x80000000, s0;
	s3 =	spop (v2sf)  }
0xcb: {  	s16 =	simm.s32 $0x20;
	p3 =	por !p0, !p0;
	vm3 =	veq.s32 v3, v0;
	v4 =	vmov s0;
	s0 =	spop (v2sf)  }
0xcc: {  	v1 =	vsub.f32 v13, v1;
	v2 =	vsub.f32 v17, v2;
	p0 =	por !p1, !p1;
	p1 =	slt.f32 s4, $1.572864000e+06;
	v3 =	vnsel vm3, $0x0, v10;
	s0 =	sxor.u32 $0x80000000, s0  }
0xcd: {  	s18 =	smov.u32 @p3 s14;
	p4 =	sge.f32 s5, $1.572864000e+06;
	(xrf2) =	vadd.scan.msk.f32 $0xffff, v3;
	v3 =	vnsel vm3, $0x0, v5;
	vm3 =	veq.s32 v4, v0;
	v4 =	vmov s0;
	s0 =	simm.s32 @!p3 $0x0  }
0xce: {  	s14 =	simm.s32 $0x10;
	p1 =	por p1, p1;
	v5 =	vsub.f32 v8, v14;
	(xrf2) =	vadd.scan.msk.f32 $0xffff, v3;
	v2 =	vnsel vm3, $0x0, v2;
	s0 =	simm.s32 @p3 $0x1  }
0xcf: {  	p4 =	por !p1, !p4;
	v1 =	vnsel vm3, $0x0, v1;
	(xrf2) =	vadd.scan.msk.f32 $0xffff, v2;
	vm3 =	veq.s32 v4, v0;
	[smem:$0x7F9] =	sst s0;
	s0 =	simm.s32 @!p0 $0x0  }
0xd0: {  	s9 =	sadd.f32 s9, s23;
	p4 =	por p4, p4;
	(xrf2) =	vadd.scan.msk.f32 $0xffff, v1;
	v1 =	vnsel vm3, $0x0, v5;
	s0 =	simm.s32 @p0 $0x1  }
0xd1: {  	s23 =	simm.s32 $0x0;
	p4 =	por p4, p4;
	(xrf2) =	vadd.scan.msk.f32 $0xffff, v1;
	[smem:$0x7FA] =	sst s0  }
0xd2: {  	s0 =	sadd.f32 s8, s25;
	s25 =	sand.u32 $0x70, s23;
	s8 =	sand.u32 $0x700, s23  }
0xd3: {  	p4 =	por p4, p4;
	p3 =	por p6, p6;
	s8 =	sor.u32 s25, s8  }
0xd4: {  	s18 =	smov.u32 @p0 s9;
	p4 =	por p4, p4;
	p0 =	por p3, p3;
	v1 =	vld [tilespmem:s8+$0x1200]  }
0xd5: {  	p4 =	por p4, p4;
	s10 =	sadd.f32 s10, s6;
	p0 =	por !p0, !p0;
	v2 =	vld [tilespmem:s8+$0x1280]  }
0xd6: {  	p3 =	sge.f32 s4, $1.572864000e+06;
	s18 =	smov.u32 @p0 s0;
	s0 =	sadd.f32 s31, s29  }
0xd7: {  	p6 =	por p5, p5;
	s9 =	simm.s32 @!p0 $0x0;
	v3, _, _ =	vpop (xrf2);
	s31 =	sld [smem:$0x7FD]  }
0xd8: {  	p1 =	sge.f32 s10, $1.572864000e+06;
	s9 =	simm.s32 @p0 $0x1;
	p0 =	por !p6, !p3;
	(v2sf) =	vpush v3, $0xF;
	v3 =	vsub.f32 v12, v11;
	v4, _, _ =	vpop (xrf2)  }
0xd9: {  	p5 =	slt.f32 s5, $1.572864000e+06;
	[smem:$0x7FB] =	sst s9;
	s9 =	simm.s32 @!p0 $0x0;
	(v2sf) =	vpush v4, $0xF;
	v4, _, _ =	vpop (xrf2)  }
0xda: {  	s1 =	sadd.f32 s1, s28;
	s9 =	simm.s32 @p0 $0x1;
	p6 =	seq.s32 s31, $0x1;
	v3 =	vnsel vm3, $0x0, v3;
	(v2sf) =	vpush v4, $0xF;
	v4, _, _ =	vpop (xrf2);
	v6 =	vadd.f32 v2, v1  }
0xdb: {  	p5 =	por p5, p5;
	[smem:$0x7F8] =	sst s9;
	p0 =	por p6, p6;
	(xrf2) =	vadd.scan.msk.f32 $0xffff, v3;
	(v2sf) =	vpush v4, $0xF;
	v1, _, _ =	vpop (xrf2)  }
0xdc: {  	p6 =	slt.f32 s6, $1.572864000e+06;
	p3 =	por p0, p0;
	p0 =	sge.f32 s6, $1.572864000e+06;
	(xrf2) =	vadd.scan.msk.f32 $0xffff, v6;
	(v2sf) =	vpush v1, $0xF  }
0xdd: {  	s9 =	sand.u32 $0x700, s16;
	s23 =	sld [smem:$0x7F8];
	p3 =	por p3, p3  }
0xde: {  	p6 =	por p6, p6;
	p3 =	por p3, p3;
	p0 =	por !p5, !p0  }
0xdf: {  	p5 =	por !p6, !p1;
	p1 =	por p2, p2;
	p3 =	por !p3, !p3  }
0xe0: {  	v2 =	vld [tilespmem:s8+$0x1B80];
	p6 =	seq.s32 s23, $0x1;
	s18 =	smov.u32 @p3 s0;
	s0 =	sand.u32 $0x70, s14  }
0xe1: {  	p2 =	por p6, p6;
	p1 =	por p1, p1;
	v1 =	vld [tilespmem:s8+$0x1B00];
	s0 =	sor.u32 s0, s9  }
0xe2: {  	p0 =	por p0, p0;
	p2 =	por p2, p2;
	p1 =	por p1, p1;
	v3 =	vld [tilespmem:s0+$0x1200]  }
0xe3: {  	p0 =	por p0, p0;
	p2 =	por p2, p2;
	p1 =	por p1, p1;
	v4 =	vld [tilespmem:s0+$0x1280]  }
0xe4: {  	p0 =	por p0, p0;
	p6 =	por p2, p2;
	p2 =	por !p1, !p1  }
0xe5: {  	p1 =	por p5, p5;
	p0 =	por p0, p0;
	s18 =	smov.u32 @p2 s1;
	v5, _, _ =	vpop (xrf2)  }
0xe6: {  	p5 =	por p6, p6;
	s1 =	sadd.f32 s7, s30;
	p6 =	por p1, p1;
	v9, _, _ =	vpop (xrf2)  }
0xe7: {  	p1 =	por !p4, !p4;
	p5 =	por !p5, !p5;
	v7 =	vadd.f32 v2, v1;
	s25 =	spop (v2sf);
	(xrf0) =	vmax.scan.msk.f32 $0xffff, v9  }
0xe8: {  	s18 =	smov.u32 @p5 s1;
	v8 =	vadd.f32 v4, v3;
	s1 =	sadd.f32 s25, s4;
	s7 =	spop (v2sf)  }
0xe9: {  	p0 =	por p0, p0;
	p6 =	por p6, p6;
	(xrf2) =	vadd.scan.msk.f32 $0xffff, v7;
	s28 =	spop (v2sf)  }
0xea: {  	(xrf2) =	vadd.scan.msk.f32 $0xffff, v8;
	s18 =	smov.u32 @p1 s1;
	s1 =	sadd.f32 s28, s5;
	s4 =	spop (v2sf)  }
0xeb: {  	p4 =	por p6, p6;
	p6 =	por !p0, !p0;
	s29 =	spop (v2sf)  }
0xec: {  	p4 =	por p4, p4;
	s18 =	smov.u32 @p6 s1;
	s1 =	sadd.f32 s29, s6  }
0xed: {  	p0 =	por !p4, !p4;
	(v2sf) =	vpush v5, $0xF;
	v1, _, _ =	vpop (xrf0)  }
0xee: {  	s31 =	simm.s32 $0x40;
	(v2sf) =	vpush v1, $0xF;
	s18 =	smov.u32 @p0 s1  }
0xef: {  	s23 =	simm.f32 $0.0e+00;
	s30 =	simm.s32 $0x20;
	v2 =	vld [tilespmem:s0+$0x1B00];
	s18 =	ssub.f32 $1.572864000e+06, s18  }
0xf0: {  	s8 =	sand.u32 $0x700, s31;
	v3 =	vadd.f32 s23, v9;
	s5 =	sand.u32 $0x70, s30;
	v1 =	vld [tilespmem:s0+$0x1B80]  }
0xf1: {  	s9 =	sor.u32 s5, s8;
	v4 =	vmov s18  }
0xf2: {  	v5 =	vld [tilespmem:s9+$0x1200];
	vm3 =	vge.f32 v3, v4  }
0xf3: {  	v10 =	vld [tilespmem:s9+$0x1280];
	v11, _, _ =	vpop (xrf2);
	v3 =	vmctz.xlane vm3  }
0xf4: {  	(xrf0) =	vmax.scan.msk.f32 $0xffff, v11;
	v12, _, _ =	vpop (xrf2)  }
0xf5: {  	(xrf0) =	vmax.scan.msk.f32 $0xffff, v12;
	v13 =	vadd.f32 v1, v2;
	v1 =	vxor.u32 $0x80000000, v3  }
0xf6: {  	v2 =	vld [tilespmem:s9+$0x1B00];
	(xrf0) =	vmax.scan.msk.u32 $0xffff, v1  }
0xf7: {  	v3 =	vld [tilespmem:s9+$0x1B80]  }
0xf8: {  	v1 =	vadd.f32 v10, v5  }
0xf9: {  	(xrf2) =	vadd.scan.msk.f32 $0xffff, v13  }
0xfa: {  	v5, _, _ =	vpop (xrf0);
	(xrf2) =	vadd.scan.msk.f32 $0xffff, v1  }
0xfb: {  	(v2sf) =	vpush v5, $0xF;
	v5, _, _ =	vpop (xrf0)  }
0xfc: {  	s0 =	spop (v2sf);
	(v2sf) =	vpush v5, $0xF;
	v2 =	vadd.f32 v3, v2;
	v3, _, _ =	vpop (xrf0)  }
0xfd: {  	s10 =	spop (v2sf);
	(v2sf) =	vpush v3, $0xF  }
0xfe: {  	s25 =	sadd.f32 s10, s23  }
0xff: {  	s16 =	simm.s32 $0x60;
	s14 =	simm.s32 $0x30;
	(xrf2) =	vadd.scan.msk.f32 $0xffff, v2  }
0x100: {  	s5 =	sand.u32 $0x700, s16;
	s1 =	sand.u32 $0x70, s14;
	v3 =	vadd.f32 s25, v12  }
0x101: {  	s1 =	sor.u32 s1, s5  }
0x102: {  	v15 =	vld [tilespmem:s1+$0x1280];
	vm3 =	vge.f32 v3, v4  }
0x103: {  	v10, _, _ =	vpop (xrf2);
	v3 =	vld [tilespmem:s1+$0x1200];
	v5 =	vmctz.xlane vm3  }
0x104: {  	(xrf0) =	vmax.scan.msk.f32 $0xffff, v10;
	v14, _, _ =	vpop (xrf2)  }
0x105: {  	(xrf0) =	vmax.scan.msk.f32 $0xffff, v14;
	v5 =	vxor.u32 $0x80000000, v5  }
0x106: {  	s2 =	sadd.f32 s2, s22;
	(xrf0) =	vmax.scan.msk.u32 $0xffff, v5  }
0x107: {  	s3 =	sadd.f32 s3, s24;
	v17 =	vld [tilespmem:s1+$0x1B00]  }
0x108: {  	s6 =	sadd.f32 s12, s20;
	v3 =	vadd.f32 v15, v3;
	v15 =	vld [tilespmem:s1+$0x1B80]  }
0x109: {  	s20 =	sld [smem:$0x7F9];
	v16, _, _ =	vpop (xrf2)  }
0x10a: {  	s31 =	sld [smem:$0x7FA];
	s28 =	spop (v2sf);
	v5, _, _ =	vpop (xrf0);
	(xrf0) =	vmax.scan.msk.f32 $0xffff, v16  }
0x10b: {  	s5 =	sadd.f32 s11, s26;
	s29 =	spop (v2sf);
	(v2sf) =	vpush v5, $0xF;
	(xrf2) =	vadd.scan.msk.f32 $0xffff, v3;
	v5, _, _ =	vpop (xrf0)  }
0x10c: {  	s14 =	sld [smem:$0x7FB];
	p4 =	seq.s32 s20, $0x1;
	(v2sf) =	vpush v5, $0xF;
	v5, _, _ =	vpop (xrf0);
	s30 =	spop (v2sf)  }
0x10d: {  	s17 =	smov.u32 @p4 s5;
	s5 =	sadd.f32 s13, s19;
	(v2sf) =	vpush v5, $0xF;
	v5 =	vadd.f32 v15, v17;
	s13 =	sxor.u32 $0x80000000, s30  }
0x10e: {  	v9 =	vsub.f32 v9, v6;
	s16 =	rddreg [dreg:$0xa];
	p4 =	seq.s32 s31, $0x1;
	v15 =	vmov s13  }
0x10f: {  	s17 =	smov.u32 @p4 s6;
	p4 =	seq.s32 s14, $0x1;
	s9 =	sadd.f32 s15, s21;
	(xrf2) =	vadd.scan.msk.f32 $0xffff, v5;
	vm3 =	veq.s32 v15, v0  }
0x110: {  	s17 =	smov.u32 @p4 s5;
	s19 =	sadd.f32 s29, s25;
	v17, _, _ =	vpop (xrf0);
	v9 =	vnsel vm3, $0x0, v9  }
0x111: {  	v11 =	vsub.f32 v11, v7;
	s26 =	rddreg [dreg:$0xc];
	s17 =	smov.u32 @p3 s9;
	(v2sf) =	vpush v17, $0xF;
	(xrf2) =	vadd.scan.msk.f32 $0xffff, v9  }
0x112: {  	s21 =	simm.s32 $0x40;
	s17 =	smov.u32 @p2 s2;
	s2 =	simm.s32 $0x80;
	v9 =	vadd.f32 s19, v14  }
0x113: {  	s22 =	sand.u32 $0x70, s21;
	s1 =	sadd.f32 s26, s24;
	s24 =	sand.u32 $0x700, s2;
	v11 =	vnsel vm3, $0x0, v11  }
0x114: {  	s15 =	rddreg [dreg:$0xb];
	s26 =	sor.u32 s22, s24;
	(xrf2) =	vadd.scan.msk.f32 $0xffff, v11;
	vm4 =	vge.f32 v9, v4  }
0x115: {  	s21 =	sadd.f32 s28, s23;
	v18 =	vld [tilespmem:s26+$0x1280];
	v15, _, _ =	vpop (xrf2);
	v9 =	vmctz.xlane vm4  }
0x116: {  	s12 =	simm.f32 $0.0e+00;
	s5 =	sadd.f32 s15, s1;
	v17 =	vld [tilespmem:s26+$0x1200];
	v6 =	vnsel vm3, $0x0, v6;
	(xrf0) =	vmax.scan.msk.f32 $0xffff, v15  }
0x117: {  	s11 =	simm.f32 $0.0e+00;
	p3 =	slt.f32 s23, s18;
	s1 =	sadd.f32 s7, s1;
	v19 =	vld [tilespmem:s26+$0x1B00];
	(xrf2) =	vadd.scan.msk.f32 $0xffff, v6  }
0x118: {  	s17 =	smov.u32 @p5 s3;
	p4 =	sge.f32 s25, s18;
	v21 =	vld [tilespmem:s26+$0x1B80];
	s20 =	sadd.f32 s16, s5;
	v7 =	vnsel vm3, $0x0, v7  }
0x119: {  	v20 =	vsub.f32 v12, v8;
	p5 =	slt.f32 s25, s18;
	s17 =	smov.u32 @p1 s1;
	s1 =	sadd.f32 s4, s5;
	v6 =	vxor.u32 $0x80000000, v9;
	v9, _, _ =	vpop (xrf2);
	(xrf2) =	vadd.scan.msk.f32 $0xffff, v7  }
0x11a: {  	s3 =	simm.s32 $0x50;
	v22 =	vsub.f32 v10, v13;
	v12 =	vsub.f32 v14, v1;
	s0 =	sadd.f32 s0, s20;
	s28 =	spop (v2sf);
	(xrf0) =	vmax.scan.msk.u32 $0xffff, v6  }
0x11b: {  	s17 =	smov.u32 @p6 s1;
	p6 =	sge.f32 s19, s18;
	s29 =	spop (v2sf);
	(xrf0) =	vmax.scan.msk.f32 $0xffff, v9;
	v10 =	vsub.f32 v9, v5;
	v9 =	vadd.f32 v18, v17;
	v14, _, _ =	vpop (xrf2)  }
0x11c: {  	s1 =	simm.f32 $0.0e+00;
	s17 =	smov.u32 @p0 s0;
	s20 =	sadd.f32 s29, s19;
	(v2sf) =	vpush v14, $0xF  }
0x11d: {  	p0 =	por !p3, !p4;
	p4 =	slt.f32 s19, s18;
	v11 =	vsub.f32 v16, v2;
	v7 =	vadd.f32 v21, v19;
	v16, _, _ =	vpop (xrf0);
	s30 =	spop (v2sf);
	(xrf2) =	vadd.scan.msk.f32 $0xffff, v9  }
0x11e: {  	p2 =	por !p5, !p6;
	s13 =	simm.f32 $0.0e+00;
	v14, _, _ =	vpop (xrf2);
	s0 =	sxor.u32 $0x80000000, s30;
	v17 =	vadd.f32 s20, v15;
	(v2sf) =	vpush v16, $0xF  }
0x11f: {  	p0 =	por p0, p0;
	s22 =	sadd.f32 s28, s21;
	p1 =	sge.f32 s20, s18;
	(v2sf) =	vpush v14, $0xF;
	v14 =	vmov s0  }
0x120: {  	p6 =	por p2, p2;
	p5 =	por p0, p0;
	v6 =	vsub.f32 v15, v3;
	(xrf2) =	vadd.scan.msk.f32 $0xffff, v7;
	v16, _, _ =	vpop (xrf0);
	s31 =	spop (v2sf);
	vm3 =	vge.f32 v17, v4;
	vm4 =	veq.s32 v14, v0  }
0x121: {  	p2 =	por p5, p5;
	v18, _, _ =	vpop (xrf2);
	p0 =	por !p4, !p1;
	s24 =	sadd.f32 s31, s22;
	(v2sf) =	vpush v16, $0xF;
	v19 =	vnsel vm4, $0x0, v20;
	v15 =	vnsel vm4, $0x0, v22  }
0x122: {  	p1 =	por p6, p6;
	s0 =	simm.f32 $0.0e+00;
	p0 =	por p0, p0;
	v16, _, _ =	vpop (xrf0);
	v14 =	vnsel vm4, $0x0, v8;
	v8 =	vnsel vm4, $0x0, v13;
	(v2sf) =	vpush v18, $0xF;
	(xrf2) =	vadd.scan.msk.f32 $0xffff, v19  }
.LBB2_5:
0x123: {  	p3 =	sne.s32 s3, $0x3F0;
	(v2sf) =	vpush v16, $0xF;
	v13, _, _ =	vpop (xrf2);
	v17 =	vmov v6;
	v18 =	vmov v11  }
0x124: {  	s2 =	sadd.s32 $0x20, s2;
	v11 =	vmovc v10;
	v19 =	vmovc v1;
	v1 =	vmov v3;
	v3 =	vmov v9;
	v20 =	vmov v2;
	s4 =	smov.u32 s3;
	s3 =	sadd.s32 $0x10, s3  }
0x125: {  	v2 =	vmov v5;
	v5 =	vmov v7;
	s4 =	sand.u32 $0x70, s4;
	s5 =	sand.u32 $0x700, s2;
	(v2sf) =	vpush v13, $0xF  }
0x126: {  	v7 =	vmctz.xlane vm3;
	s4 =	sor.u32 s4, s5;
	(xrf2) =	vadd.scan.msk.f32 $0xffff, v15  }
0x127: {  	v9 =	vld [tilespmem:s4+$0x1200];
	v13, _, _ =	vpop (xrf2)  }
0x128: {  	v7 =	vxor.u32 $0x80000000, v7;
	v15 =	vld [tilespmem:s4+$0x1280];
	v6 =	vsub.f32 v13, v3;
	(xrf0) =	vmax.scan.msk.f32 $0xffff, v13  }
0x129: {  	v16 =	vld [tilespmem:s4+$0x1B00];
	(xrf2) =	vadd.scan.msk.f32 $0xffff, v14  }
0x12a: {  	v14 =	vld [tilespmem:s4+$0x1B80];
	v21, _, _ =	vpop (xrf2)  }
0x12b: {  	v10 =	vsub.f32 v21, v5;
	(xrf0) =	vmax.scan.msk.u32 $0xffff, v7;
	s4 =	spop (v2sf)  }
0x12c: {  	(xrf2) =	vadd.scan.msk.f32 $0xffff, v8;
	s4 =	sadd.f32 s4, s12;
	s12 =	smov.u32 s25;
	s25 =	smov.u32 s19  }
0x12d: {  	p5 =	slt.f32 s20, s18;
	s19 =	smov.u32 s20;
	v9 =	vadd.f32 v15, v9;
	s5 =	spop (v2sf);
	v7, _, _ =	vpop (xrf2)  }
0x12e: {  	p4 =	por !p2, !p2;
	v8, _, _ =	vpop (xrf0);
	(xrf0) =	vmax.scan.msk.f32 $0xffff, v21;
	s20 =	sadd.f32 s5, s20;
	(v2sf) =	vpush v7, $0xF;
	s5 =	spop (v2sf)  }
0x12f: {  	s23 =	smov.u32 @p4 s4;
	v7 =	vadd.f32 v14, v16;
	(xrf2) =	vadd.scan.msk.f32 $0xffff, v9;
	s4 =	sadd.f32 s5, s11;
	s11 =	smov.u32 s21  }
0x130: {  	s21 =	smov.u32 s22;
	(v2sf) =	vpush v8, $0xF;
	p2 =	sge.f32 s20, s18;
	s5 =	spop (v2sf);
	v8, _, _ =	vpop (xrf2)  }
.Ltmp2:
0x131: {  	v14, _, _ =	vpop (xrf0);
	s5 =	sxor.u32 $0x80000000, s5;
	(v2sf) =	vpush v8, $0xF;
	s1 =	smov.u32 @p4 s4;
	(pc) =	sbr.rel @p3 .LBB2_5-.Ltmp2, $4  }
0x132: {  	s22 =	smov.u32 s24;
	(xrf2) =	vadd.scan.msk.f32 $0xffff, v7;
	p5 =	por !p5, !p2;
	v8 =	vmov s5;
	s4 =	spop (v2sf)  }
0x133: {  	v13 =	vadd.f32 s20, v13;
	p2 =	por p1, p1;
	s5 =	spop (v2sf);
	(v2sf) =	vpush v14, $0xF;
	vm4 =	veq.s32 v8, v0;
	v21, _, _ =	vpop (xrf2);
	s13 =	smov.u32 @p4 s4  }
0x134: {  	p1 =	por p0, p0;
	v16, _, _ =	vpop (xrf0);
	s24 =	sadd.f32 s5, s24;
	v22 =	vnsel vm4, $0x0, v12;
	v15 =	vnsel vm4, $0x0, v18;
	v14 =	vnsel vm4, $0x0, v19;
	s4 =	spop (v2sf)  }
0x135: {  	vm3 =	vge.f32 v13, v4;
	p0 =	por p5, p5;
	v8 =	vnsel vm4, $0x0, v20;
	v12 =	vmovc v17;
	(xrf2) =	vadd.scan.msk.f32 $0xffff, v22;
	(v2sf) =	vpush v21, $0xF;
	s0 =	smov.u32 @p4 s4  }
0x136: {  	_ =	sdelay $0x8  }
0x137: {  	s3 =	spop (v2sf)  }
0x138: {  	s2 =	spop (v2sf)  }
0x139: {  	s4 =	spop (v2sf)  }
0x13a: {  	(xrf2) =	vadd.scan.msk.f32 $0xffff, v15;
	s5 =	spop (v2sf)  }
0x13b: {  	v13, _, _ =	vpop (xrf2);
	v17 =	vmctz.xlane vm3;
	(xrf2) =	vadd.scan.msk.f32 $0xffff, v14;
	s5 =	sxor.u32 $0x80000000, s5  }
0x13c: {  	(xrf2) =	vadd.scan.msk.f32 $0xffff, v8;
	v40, _, _ =	vpop (xrf2);
	v41 =	vmov s5  }
0x13d: {  	v17 =	vxor.u32 $0x80000000, v17;
	(xrf0) =	vmax.scan.msk.f32 $0xffff, v40;
	s2 =	sadd.f32 s2, s20;
	vm3 =	veq.s32 v41, v0  }
0x13e: {  	(xrf0) =	vmax.scan.msk.u32 $0xffff, v17;
	v42 =	vnsel vm3, $0x0, v12  }
0x13f: {  	v43 =	vadd.f32 s2, v40;
	v11 =	vnsel vm3, $0x0, v11;
	(xrf2) =	vadd.scan.msk.f32 $0xffff, v42  }
0x140: {  	v44, _, _ =	vpop (xrf2);
	(xrf2) =	vadd.scan.msk.f32 $0xffff, v11  }
0x141: {  	(v2sf) =	vpush v16, $0xF;
	(xrf0) =	vmax.scan.msk.f32 $0xffff, v44;
	vm4 =	vge.f32 v43, v4  }
0x142: {  	(v2sf) =	vpush v13, $0xF;
	v45, _, _ =	vpop (xrf2);
	v46 =	vmctz.xlane vm4  }
0x143: {  	v47, _, _ =	vpop (xrf0);
	(v2sf) =	vpush v45, $0xF  }
0x144: {  	v48, _, _ =	vpop (xrf2);
	(v2sf) =	vpush v47, $0xF;
	v11 =	vxor.u32 $0x80000000, v46  }
0x145: {  	v49, _, _ =	vpop (xrf0);
	(v2sf) =	vpush v48, $0xF;
	(xrf0) =	vmax.scan.msk.u32 $0xffff, v11  }
0x146: {  	v50, _, _ =	vpop (xrf2);
	(v2sf) =	vpush v49, $0xF  }
0x147: {  	v51, _, _ =	vpop (xrf0);
	(v2sf) =	vpush v50, $0xF  }
0x148: {  	v52, _, _ =	vpop (xrf2);
	(v2sf) =	vpush v51, $0xF  }
0x149: {  	(v2sf) =	vpush v52, $0xF;
	v53, _, _ =	vpop (xrf2)  }
0x14a: {  	(v2sf) =	vpush v53, $0xF;
	v54, _, _ =	vpop (xrf2)  }
0x14b: {  	v55, _, _ =	vpop (xrf0);
	(v2sf) =	vpush v54, $0xF  }
0x14c: {  	(v2sf) =	vpush v55, $0xF;
	_ =	sdelay $0x2  }
0x14d: {  	s9 =	spop (v2sf)  }
0x14e: {  	s5 =	spop (v2sf)  }
0x14f: {  	s7 =	spop (v2sf)  }
0x150: {  	s15 =	spop (v2sf)  }
0x151: {  	s10 =	spop (v2sf)  }
0x152: {  	s8 =	spop (v2sf)  }
0x153: {  	s6 =	spop (v2sf)  }
0x154: {  	s16 =	spop (v2sf)  }
0x155: {  	s14 =	spop (v2sf)  }
0x156: {  	v1 =	vnsel vm3, $0x0, v1;
	s6 =	sxor.u32 $0x80000000, s6;
	s14 =	spop (v2sf)  }
0x157: {  	(xrf2) =	vadd.scan.msk.f32 $0xffff, v1;
	v1 =	vmov s6;
	s6 =	spop (v2sf)  }
0x158: {  	v2 =	vnsel vm3, $0x0, v2;
	vm3 =	veq.s32 v1, v0;
	s26 =	spop (v2sf)  }
0x159: {  	(xrf2) =	vadd.scan.msk.f32 $0xffff, v2;
	v1 =	vnsel vm3, $0x0, v6;
	s28 =	spop (v2sf)  }
0x15a: {  	v2 =	vnsel vm3, $0x0, v10;
	(xrf2) =	vadd.scan.msk.f32 $0xffff, v1;
	s28 =	sxor.u32 $0x80000000, s28  }
0x15b: {  	v56 =	vsub.f32 v40, v9;
	v3 =	vnsel vm3, $0x0, v3;
	(xrf2) =	vadd.scan.msk.f32 $0xffff, v2;
	v1 =	vmov s28  }
0x15c: {  	v5 =	vnsel vm3, $0x0, v5;
	v2 =	vsub.f32 v44, v7;
	(xrf2) =	vadd.scan.msk.f32 $0xffff, v3;
	vm3 =	veq.s32 v1, v0  }
0x15d: {  	(xrf2) =	vadd.scan.msk.f32 $0xffff, v5;
	v1 =	vnsel vm3, $0x0, v56  }
0x15e: {  	v2 =	vnsel vm3, $0x0, v2;
	(xrf2) =	vadd.scan.msk.f32 $0xffff, v1  }
0x15f: {  	v1 =	vnsel vm3, $0x0, v9;
	(xrf2) =	vadd.scan.msk.f32 $0xffff, v2  }
0x160: {  	(xrf2) =	vadd.scan.msk.f32 $0xffff, v1;
	_ =	sdelay $0x1  }
0x161: {  	v1, _, _ =	vpop (xrf2)  }
0x162: {  	v2, _, _ =	vpop (xrf2);
	(v2sf) =	vpush v1, $0xF  }
0x163: {  	(v2sf) =	vpush v2, $0xF;
	v1, _, _ =	vpop (xrf2)  }
0x164: {  	v2, _, _ =	vpop (xrf2);
	(v2sf) =	vpush v1, $0xF  }
0x165: {  	v1, _, _ =	vpop (xrf2);
	(v2sf) =	vpush v2, $0xF  }
0x166: {  	(v2sf) =	vpush v1, $0xF;
	v1, _, _ =	vpop (xrf2)  }
0x167: {  	(v2sf) =	vpush v1, $0xF;
	v1, _, _ =	vpop (xrf2)  }
0x168: {  	(v2sf) =	vpush v1, $0xF;
	v1, _, _ =	vpop (xrf2)  }
0x169: {  	v2 =	vnsel vm3, $0x0, v7;
	(v2sf) =	vpush v1, $0xF;
	v1, _, _ =	vpop (xrf2)  }
0x16a: {  	(xrf2) =	vadd.scan.msk.f32 $0xffff, v2;
	(v2sf) =	vpush v1, $0xF;
	_ =	sdelay $0x3  }
0x16b: {  	p3 =	por !p2, !p2  }
0x16c: {  	p5 =	por p1, p1;
	p0 =	por p0, p0;
	s10 =	sadd.f32 s10, s2  }
0x16d: {  	p4 =	slt.f32 s20, s18;
	p2 =	por !p5, !p5;
	p0 =	por p0, p0;
	v1 =	vld [tilespmem:$0x2400]  }
0x16e: {  	s13 =	smov.u32 @p3 s9;
	p1 =	sge.f32 s10, s18;
	s10 =	spop (v2sf)  }
0x16f: {  	p5 =	sge.f32 s2, s18;
	s13 =	smov.u32 @p2 s16;
	s16 =	spop (v2sf)  }
0x170: {  	p0 =	por !p0, !p0;
	p6 =	slt.f32 s2, s18;
	s9 =	spop (v2sf)  }
0x171: {  	p4 =	por !p4, !p5;
	v2, _, _ =	vpop (xrf2);
	s13 =	smov.u32 @p0 s10;
	s10 =	spop (v2sf)  }
0x172: {  	p4 =	por p4, p4;
	p1 =	por !p6, !p1;
	v3 =	vnsel vm0, $0x0, v1;
	(v2sf) =	vpush v2, $0xF;
	s28 =	spop (v2sf)  }
0x173: {  	p4 =	por p4, p4;
	p1 =	por p1, p1;
	(xrf2) =	vadd.scan.msk.f32 $0xffff, v3;
	v2 =	vsel vm1, $0x0, v1;
	s29 =	spop (v2sf)  }
0x174: {  	p4 =	por p4, p4;
	p6 =	por p1, p1;
	(xrf2) =	vadd.scan.msk.f32 $0xffff, v2;
	s30 =	spop (v2sf)  }
0x175: {  	p1 =	por !p4, !p4;
	p6 =	por p6, p6;
	s31 =	spop (v2sf)  }
0x176: {  	p4 =	por !p6, !p6;
	v1 =	vsel vm2, $0x0, v1;
	s13 =	smov.u32 @p1 s28;
	s28 =	spop (v2sf)  }
0x177: {  	(xrf2) =	vadd.scan.msk.f32 $0xffff, v1;
	s13 =	smov.u32 @p4 s28  }
0x178: {  	v1 =	vmov s13  }
0x179: {  	v1 =	vadd.f32 $0.0e+00, v1;
	_ =	sdelay $0x1  }
0x17a: {  	v1 =	vbroadcast v1, $0x0  }
0x17b: {  	s3 =	sadd.f32 s3, s12  }
0x17c: {  	s4 =	sadd.f32 s4, s11;
	v2, _, _ =	vpop (xrf2);
	v3 =	vmax.f32 v1, $1.000000000e+00  }
0x17d: {  	s23 =	smov.u32 @p3 s3;
	s0 =	smov.u32 @p3 s7;
	s3 =	sadd.f32 s8, s21;
	v57, _, _ =	vpop (xrf2);
	(erf) = vrcp.f32 v3  }
0x17e: {  	s1 =	smov.u32 @p3 s4;
	s11 =	sadd.f32 s15, s25;
	s0 =	smov.u32 @p2 s14;
	v3 =	vadd.f32 $0.0e+00, v57  }
0x17f: {  	s1 =	smov.u32 @p2 s3;
	s3 =	sadd.f32 s26, s22;
	s0 =	smov.u32 @p0 s16  }
0x180: {  	s26 =	sadd.f32 s5, s24;
	s0 =	smov.u32 @p1 s29;
	v58, _, _ =	vpop (xrf2);
	s5 =	spop (v2sf);
	v3 =	vadd.f32 $9.999999970e-07, v3  }
0x181: {  	s7 =	sadd.f32 s10, s24;
	v4 =	vadd.f32 $9.999999970e-07, v58;
	s0 =	smov.u32 @p4 s5  }
0x182: {  	s1 =	smov.u32 @p0 s3;
	s3 =	sadd.f32 s31, s26;
	v59 =	vmov s0;
	v3 =	vbroadcast v3, $0xF  }
0x183: {  	v4 =	vbroadcast v4, $0xF;
	s0 =	sadd.f32 s6, s19;
	v5 =	vadd.f32 $0.0e+00, v59  }
0x184: {  	s23 =	smov.u32 @p2 s11;
	s4 =	sadd.f32 s9, s20;
	s1 =	smov.u32 @p1 s7;
	(erf) = vrcp.f32 v3  }
0x185: {  	s1 =	smov.u32 @p4 s3;
	s23 =	smov.u32 @p0 s0;
	s0 =	sadd.f32 s30, s2;
	v3 =	vbroadcast v5, $0x0;
	(erf) = vrcp.f32 v4  }
0x186: {  	v60 =	vmov s17;
	v61 =	vmov s1;
	s23 =	smov.u32 @p1 s4;
	v62 =	vpop (erf)  }
0x187: {  	s23 =	smov.u32 @p4 s0;
	v5 =	vadd.f32 $0.0e+00, v61;
	v4 =	vadd.f32 $0.0e+00, v60;
	v3 =	vmul.f32 v62, v3  }
0x188: {  	vm3 =	vgt.f32 v1, $0.0e+00;
	s0 =	ssub.f32 s18, s23  }
0x189: {  	v1 =	vadd.f32 v5, v4;
	v3 =	vnsel vm3, $0x0, v3  }
0x18a: {  	v3 =	vmul.f32 s0, v3  }
0x18b: {  	v2 =	vadd.f32 $0.0e+00, v2;
	v1 =	vbroadcast v1, $0x0;
	_ =	sdelay $0x1  }
0x18c: {  	v2 =	vbroadcast v2, $0xF;
	v63 =	vpop (erf);
	v1 =	vadd.f32 v3, v1  }
0x18d: {  	v3 =	vpop (erf)  }
0x18e: {  	v2 =	vmul.f32 v63, v2;
	v1 =	vmul.f32 v3, v1;
	_ =	sdelay $0x1  }
0x18f: {  	v1 =	vadd.f32 v1, v2  }
0x190: {  	s29 =	simm.s32 $0x2480  }
0x191: {  	s28 =	rddreg [dreg:$0x1];
	s1 =	simm.s32 $0x0;
	s2 =	simm.s32 $0x1;
	[tilespmem:$0x2480] =	vst v1  }
0x192: {  	[hbm4b:s28+s1] =	stream.linear.scatter [tilespmem:s29], [sflag:$0x1], $0x80, $0x38;
	[tilespmem:$0x2500] =	vst v63  }
0x193: {  	_ =	swait.ge [sflag:s2], $0x80  }
0x194: {  	s30 =	rddreg [dreg:$0x9]  }
0x195: {  	s31 =	rddreg [dreg:$0x8];
	s3 =	sadd.s32 $0x1, s30  }
0x196: {  	p0 =	sne.s32 s3, s31  }
.Ltmp3:
0x197: {  	_ = 	snop;
	(pc) =	sbr.rel @p0 .LBB2_2-.Ltmp3, $3  }
0x198: {  	_ =	sdelay $0x1  }
0x199: {  	[sflag:s2] =	ssyncset.done $0x0  }
0x19a: {  	[sflag:s2] =	ssyncadd.s32 $0xFFFFFF80  }
.LBB2_7:
0x19b: {  	_ =	sfence.sel $0x180000  }
0x19c: {  	[bflag:$0x0] =	sbarrier.arrive $0xFFFF  }
0x19d: {  	_ =	strace $0x9000004D  }
0x19e: {  	s0 =	stileid.u32;
	[bflag:$0x2] =	sbarrier.arrive $0xFFFF  }
0x19f: {  	p0 =	sne.s32 s0, $0x0;
	s0 =	rddreg [dreg:$0x2]  }
0x1a0: {  	s0 =	sadd.s32 @!p0 $0x100000, s0  }
0x1a1: {  	[sflag:s0] =	ssyncadd.tile.s32 @!p0 $0x1;
	_ =	shalt  }
.Lfunc_end2:
_tile_overlayer_lowered:
.L_overlay_start_2:
0x1a2: {  	(tag) =	ssettag $0x2  }
0x1a3: {  	s0 =	rddreg [dreg:$0x0];
	s2 =	stileid.u32  }
0x1a4: {  	s1 =	rddreg [dreg:$0x1];
	p0 =	sne.s32 s2, $0x0  }
0x1a5: {  	s3 =	rddreg [dreg:$0x2];
	[bflag:$0x3] =	sbarrier.arrive $0xFFFF;
	s2 =	simm.s32 @!p0 $0x1C01  }
0x1a6: {  	[timem:s3], [sflag:s2] =	dma.local @!p0 [hbm:s0], s1  }
0x1a7: {  	s0 =	simm.s32 @!p0 $0x1  }
0x1a8: {  	_ =	swait.ge @!p0 [sflag:s0], s1  }
0x1a9: {  	s1 =	ssub.s32 @!p0 $0x0, s1;
	[sflag:s0] =	ssyncset.done @!p0 $0x0  }
0x1aa: {  	[sflag:s0] =	ssyncadd.s32 @!p0 s1  }
0x1ab: {  	[bflag:$0x3] =	sbarrier.arrive $0xFFFF  }
0x1ac: {  	_ =	shalt  }

// kernel: kernel.6.cloned.1.call-start
scs
__scs_entry_jumppad:
0x0: {  	(pc) =	sbr.rel $0x88, $3  }
0x1: {  	(tag) =	ssettag $0x0;
	lr =	simm.s32 $0x1  }
0x2: {  	[smem:$0x3F9F] =	sst lr;
	_ =	strace $0xD0000000  }
0x3: {  	_ = 	snop  }
0x4: {  	_ = 	snop  }
0x5: {  	_ = 	snop  }
0x6: {  	_ = 	snop  }
0x7: {  	_ = 	snop  }
__scs_overlays_trampoline_lowered:
0x8: {  	[smem:$0x3FAE] =	sst s0  }
0x9: {  	[smem:$0x3FAF] =	sst s1  }
0xa: {  	[smem:$0x3FB0] =	sst s2  }
0xb: {  	[smem:$0x3FB1] =	sst s3  }
0xc: {  	[smem:$0x3FB2] =	sst s4  }
0xd: {  	[smem:$0x3FB3] =	sst s5  }
0xe: {  	[smem:$0x3FB4] =	sst s6  }
0xf: {  	[smem:$0x3FB5] =	sst s7  }
0x10: {  	[smem:$0x3FB6] =	sst s8  }
0x11: {  	[smem:$0x3FB7] =	sst s9;
	s0 =	simm.s32 @!p0 $0x0  }
0x12: {  	s1 =	sld [smem:$0x3F9D];
	s0 =	simm.s32 @p0 $0x1  }
0x13: {  	[smem:$0x3FB8] =	sst s0;
	s0 =	simm.s32 @!p1 $0x0  }
0x14: {  	s2 =	sld [smem:$0x3F9C];
	s0 =	simm.s32 @p1 $0x1  }
0x15: {  	[smem:$0x3FB9] =	sst s0;
	s0 =	simm.s32 @!p2 $0x0  }
0x16: {  	s3 =	sld [smem:$0x3FDB];
	s0 =	simm.s32 @p2 $0x1  }
0x17: {  	s4 =	simm.s32 $0x1BF5;
	[smem:$0x3FBB] =	sst s0  }
0x18: {  	s0 =	sld [smem:$0x3F9E];
	_ =	swait.ge [sflag:s4], $0x0  }
0x19: {  	s7 =	sld [smem:$0x3F9F]  }
0x1a: {  	s8 =	sadd.s32 $0xFFFFE003, lr  }
0x1b: {  	s9 =	sadd.s32 $0xFFFFFEF7, lr;
	s5 =	simm.s32 $0xFFFFFFFF;
	p2 =	slt.u32 s8, $0xFFFFF086  }
0x1c: {  	p1 =	slt.u32 s9, $0xF7A;
	s5 =	simm.s32 @!p2 $0x0  }
0x1d: {  	s5 =	simm.s32 @p1 $0x1;
	p0 =	seq.s32 s7, s2  }
0x1e: {  	s7 =	smul.u32 @!p0 $0xF7A, s2;
	p2 =	seq.s32 @!p0 s5, $0x0  }
0x1f: {  	s9 =	smul.u32 $0xF7A, s1;
	s8 =	simm.s32 @!p0 $0x1BF5;
	p2 =	por !p2, p0  }
0x20: {  	[sflag:s8] =	ssyncset.s32 @!p0 $0xFFFFF086;
	s6 =	sadd.s32 @!p0 s3, s7;
	s7 =	simm.s32 @!p0 $0x108  }
0x21: {  	s3 =	sadd.s32 s3, s9;
	s6 =	sadd.s32 @!p0 $0x88, s6;
	s7 =	simm.s32 @p2 $0x1082  }
0x22: {  	[simem:s7], [sflag:s8] =	dma.local @!p0 [hbm:s6], $0xF7A  }
0x23: {  	s9 =	sor.u32 $0xD0000000, s2;
	s6 =	simm.s32 $0x108;
	_ =	swait.ge @!p0 [sflag:s8], $0x0  }
0x24: {  	s3 =	sadd.s32 $0x88, s3;
	s6 =	simm.s32 @!p1 $0x1082;
	[sflag:s4] =	ssyncset.s32 $0xFFFFF086  }
0x25: {  	[simem:s6], [sflag:s4] =	dma.local [hbm:s3], $0xF7A  }
0x26: {  	[smem:$0x3F9F] =	sst s1;
	(tag) =	ssettag s2;
	_ =	strace s9  }
0x27: {  	s1 =	sld [smem:$0x3FAF]  }
0x28: {  	s2 =	sld [smem:$0x3FB0]  }
0x29: {  	s4 =	sld [smem:$0x3FB2]  }
0x2a: {  	p0 =	seq.s32 s5, $0x0;
	s5 =	sld [smem:$0x3FB3]  }
0x2b: {  	s6 =	sld [smem:$0x3FB4]  }
0x2c: {  	s7 =	sld [smem:$0x3FB5]  }
0x2d: {  	s3 =	simm.s32 $0x108;
	s8 =	sld [smem:$0x3FB6]  }
0x2e: {  	s3 =	simm.s32 @!p0 $0x1082;
	s9 =	sld [smem:$0x3FB7]  }
0x2f: {  	lr =	sadd.s32 s0, s3;
	s0 =	sld [smem:$0x3FAE]  }
0x30: {  	s3 =	sld [smem:$0x3FB1]  }
0x31: {  	[smem:$0x3FBA] =	sst s10  }
0x32: {  	s10 =	sld [smem:$0x3FB8];
	_ =	sdelay $0x3  }
0x33: {  	p0 =	seq.s32 s10, $0x1;
	s10 =	sld [smem:$0x3FBA];
	_ =	sdelay $0x3  }
0x34: {  	[smem:$0x3FBA] =	sst s10  }
0x35: {  	s10 =	sld [smem:$0x3FB9];
	_ =	sdelay $0x3  }
0x36: {  	p1 =	seq.s32 s10, $0x1;
	s10 =	sld [smem:$0x3FBA];
	_ =	sdelay $0x3  }
0x37: {  	[smem:$0x3FBA] =	sst s10  }
0x38: {  	s10 =	sld [smem:$0x3FBB]  }
0x39: {  	_ = 	snop;
	(pc) =	sbr.ind lr, $3  }
0x3a: {  	_ = 	snop  }
0x3b: {  	_ = 	snop  }
0x3c: {  	p2 =	seq.s32 s10, $0x1;
	s10 =	sld [smem:$0x3FBA]  }
0x3d: {  	_ =	shalt  }
0x3e: {  	_ =	shalt  }
0x3f: {  	_ =	shalt  }
0x40: {  	_ =	shalt  }
0x41: {  	_ =	shalt  }
0x42: {  	_ =	shalt  }
0x43: {  	_ =	shalt  }
0x44: {  	_ =	shalt  }
0x45: {  	_ =	shalt  }
0x46: {  	_ =	shalt  }
0x47: {  	_ =	shalt  }
0x48: {  	_ =	shalt  }
0x49: {  	_ =	shalt  }
0x4a: {  	_ =	shalt  }
0x4b: {  	_ =	shalt  }
0x4c: {  	_ =	shalt  }
0x4d: {  	_ =	shalt  }
0x4e: {  	_ =	shalt  }
0x4f: {  	_ =	shalt  }
0x50: {  	_ =	shalt  }
0x51: {  	_ =	shalt  }
0x52: {  	_ =	shalt  }
0x53: {  	_ =	shalt  }
0x54: {  	_ =	shalt  }
0x55: {  	_ =	shalt  }
0x56: {  	_ =	shalt  }
0x57: {  	_ =	shalt  }
0x58: {  	_ =	shalt  }
0x59: {  	_ =	shalt  }
0x5a: {  	_ =	shalt  }
0x5b: {  	_ =	shalt  }
0x5c: {  	_ =	shalt  }
0x5d: {  	_ =	shalt  }
0x5e: {  	_ =	shalt  }
0x5f: {  	_ =	shalt  }
0x60: {  	_ =	shalt  }
0x61: {  	_ =	shalt  }
0x62: {  	_ =	shalt  }
0x63: {  	_ =	shalt  }
0x64: {  	_ =	shalt  }
0x65: {  	_ =	shalt  }
0x66: {  	_ =	shalt  }
0x67: {  	_ =	shalt  }
0x68: {  	_ =	shalt  }
0x69: {  	_ =	shalt  }
0x6a: {  	_ =	shalt  }
0x6b: {  	_ =	shalt  }
0x6c: {  	_ =	shalt  }
0x6d: {  	_ =	shalt  }
0x6e: {  	_ =	shalt  }
0x6f: {  	_ =	shalt  }
0x70: {  	_ =	shalt  }
0x71: {  	_ =	shalt  }
0x72: {  	_ =	shalt  }
0x73: {  	_ =	shalt  }
0x74: {  	_ =	shalt  }
0x75: {  	_ =	shalt  }
0x76: {  	_ =	shalt  }
0x77: {  	_ =	shalt  }
0x78: {  	_ =	shalt  }
0x79: {  	_ =	shalt  }
0x7a: {  	_ =	shalt  }
0x7b: {  	_ =	shalt  }
0x7c: {  	_ =	shalt  }
0x7d: {  	_ =	shalt  }
0x7e: {  	_ =	shalt  }
0x7f: {  	_ =	shalt  }
0x80: {  	_ =	shalt  }
0x81: {  	_ =	shalt  }
0x82: {  	_ =	shalt  }
0x83: {  	_ =	shalt  }
0x84: {  	_ =	shalt  }
0x85: {  	_ =	shalt  }
0x86: {  	_ =	shalt  }
0x87: {  	_ =	shalt  }
.Lfunc_end0:
.L_simem_size_0:
called_computation_lowered:
.L_overlay_start_0:
0x88: {  	s2 =	sld [smem:$0x3FD9]  }
0x89: {  	s3 =	sld [smem:$0x3FFE];
	_ =	sdelay $0x1  }
0x8a: {  	s1 =	srdreg.scid  }
0x8b: {  	s0 =	sand.u32 $0x1, s1  }
0x8c: {  	s16 =	sshll.u32 s0, $0xA;
	s2 =	sadd.s32 s3, s2  }
0x8d: {  	s2 =	sadd.s32 s2, s16  }
0x8e: {  	[smem:$0x3FC6] =	sst s2  }
0x8f: {  	_ = 	snop  }
0x90: {  	(tm) =	ssettm $0x1  }
0x91: {  	s17 =	sld [smem:$0x3FFB];
	_ =	sdelay $0x3  }
0x92: {  	_ =	strace s17  }
0x93: {  	s2 =	sld [smem:$0x3FFC];
	_ =	sdelay $0x3  }
0x94: {  	_ =	strace s2  }
0x95: {  	s2 =	sld [smem:$0x3FFD];
	_ =	sdelay $0x3  }
0x96: {  	_ =	strace s2  }
0x97: {  	_ =	strace $0x8FFFFFFF  }
0x98: {  	s18 =	sld [smem:$0x3FDB];
	_ =	sdelay $0x1  }
0x99: {  	s19 =	simm.s32 $_scs_section_size  }
0x9a: {  	s4 =	simm.s32 $_size__tile_overlayer_lowered;
	s5 =	simm.s32 $_tile_overlayer_lowered  }
0x9b: {  	s22 =	simm.s32 $0x1BFF;
	s21 =	sshll.u32 s5, $0x1;
	s2 =	sadd.s32 s19, s18  }
0x9c: {  	s6 =	simm.s32 $0x0;
	s20 =	sshll.u32 s4, $0x1;
	s4 =	sadd.s32 s21, s2  }
0x9d: {  	[timem:s6], [sflag:s22] =	dma.local [hbm:s4], s20  }
0x9e: {  	_ =	swait.ge [sflag:s22], s20  }
0x9f: {  	s3 =	ssub.s32 $0x0, s20;
	[sflag:s22] =	ssyncset.done $0x0  }
0xa0: {  	[sflag:s22] =	ssyncadd.s32 s3;
	_ =	sdelay $0x1  }
0xa1: {  	s23 =	simm.s32 $0x1B8B  }
0xa2: {  	_ =	swait.ge [sflag:s23], $0x1  }
0xa3: {  	[sflag:s23] =	ssyncset.done $0x0  }
0xa4: {  	s25 =	simm.s32 $0x1B8E;
	s24 =	sld [smem:$0x3FFE];
	[sflag:s23] =	ssyncadd.s32 $0xFFFFFFFF  }
0xa5: {  	s26 =	simm.s32 $execute0_lowered;
	[smem:$0x3FD2] =	sst s25  }
0xa6: {  	s4 =	sshll.u32 s26, $0x1;
	_ =	strace $0x80000046;
	[dreg:$0x1] =	wrdreg $0xFFFFFFFF  }
0xa7: {  	s28 =	simm.s32 $_size_execute0_lowered;
	s2 =	sadd.s32 s2, s4;
	[dreg:$0x0] =	wrdreg $0x0  }
0xa8: {  	s4 =	sshll.u32 s28, $0x1;
	[dreg:$0x2] =	wrdreg s2  }
0xa9: {  	[dreg:$0x3] =	wrdreg s4  }
0xaa: {  	[dreg:$0x4] =	wrdreg $0xC0  }
0xab: {  	_ =	task [dreg:s6], $0x5FFFF  }
0xac: {  	[dreg:$0x1] =	wrdreg $0xFFFFFFFF  }
0xad: {  	[dreg:$0x0] =	wrdreg $0x60  }
0xae: {  	[dreg:$0x2] =	wrdreg s24  }
0xaf: {  	[dreg:$0x3] =	wrdreg $0x10D800  }
0xb0: {  	[dreg:$0x4] =	wrdreg $0x10DC80  }
0xb1: {  	[dreg:$0x5] =	wrdreg $0x9  }
0xb2: {  	_ =	task.clear_ibuf [dreg:s6], $0x6FFFF;
	_ =	strace $0x90000046  }
0xb3: {  	s29 =	simm.s32 $0x9;
	_ =	strace $0x80000048  }
0xb4: {  	_ =	swait.ge [sflag:s29], $0x1  }
0xb5: {  	[sflag:s29] =	ssyncadd.s32 $0xFFFFFFFF  }
0xb6: {  	_ =	strace $0x90000048  }
0xb7: {  	_ =	sfence  }
0xb8: {  	s30 =	sld [smem:$0x0];
	_ =	sdelay $0x2  }
0xb9: {  	s31 =	sshll.u32 s1, $0xD;
	s1 =	sshrl.u32 s1, $0x2  }
0xba: {  	s3 =	sand.u32 $0x4000, s31;
	s1 =	sadd.s32 s1, s30  }
0xbb: {  	s0 =	sor.u32 s3, s0;
	s1 =	sshll.u32 s1, $0x11  }
0xbc: {  	s0 =	sor.u32 s1, s0  }
0xbd: {  	s0 =	sadd.s32 $0x8F2B, s0  }
0xbe: {  	[sflag:s0] =	ssyncadd.remote.s32 $0x1  }
0xbf: {  	_ =	sfence.sel $0xFFFF  }
0xc0: {  	[dreg:$0x0] =	wrdreg $0xFFFFFFFF;
	(pc) =	sbr.abs _section_cstart, $3  }
0xc1: {  	[dreg:$0x1] =	wrdreg $0xFFFFFFFF  }
0xc2: {  	_ =	task.clear_ibuf [dreg:s6], $0x2FFFF;
	_ =	strace $0x9FFFFFFF  }
0xc3: {  	(tm) =	ssettm $0x7FFFFFFF  }
tec
execute0_lowered:
.L_overlay_start_1:
0x0: {  	(tag) =	ssettag $0x1  }
0x1: {  	s4 =	rddreg [dreg:$0x0]  }
0x2: {  	s1 =	rddreg [dreg:$0x1]  }
0x3: {  	s2 =	rddreg [dreg:$0x2]  }
0x4: {  	s0 =	rddreg [dreg:$0x3]  }
0x5: {  	s3 =	simm.s32 $0x0;
	s5 =	srdreg.scid;
	s10 =	stileid.u32  }
0x6: {  	s11 =	simm.s32 $0x10000;
	s12 =	simm.s32 $0x10480;
	s13 =	simm.s32 $0x2  }
0x7: {  	s14 =	simm.s32 $0x440;
	s15 =	simm.s32 $0x10900;
	s16 =	simm.s32 $0x3  }
0x8: {  	s17 =	simm.s32 $0x0;
	[smem:$0x7FF] =	sst s3;
	s5 =	sand.u32 $0x1, s5  }
0x9: {  	s7 =	sshll.u32 s10, $0xD;
	p0 =	sne.s32 s10, $0x0;
	s10 =	simm.s32 $0x1  }
0xa: {  	_ =	strace $0x80000047;
	s6 =	sshll.u32 s5, $0x11;
	s8 =	ssub.s32 $0x2, s5  }
0xb: {  	s5 =	sshll.u32 s5, $0x4;
	s6 =	sor.u32 s7, s6;
	s31 =	sshrl.u32 s8, $0x1  }
0xc: {  	s9 =	sadd.s32 s5, s4;
	s6 =	sadd.s32 s6, s4;
	s8 =	ssub.s32 s8, s31  }
0xd: {  	v0 =	vimm.f32 $0.0e+00;
	s7 =	sadd.s32 $0x42000, s9;
	s4 =	sadd.s32 $0x1C00, s6;
	s5 =	sadd.s32 $0x2C00, s6  }
0xe: {  	v1 =	vlaneseq.u32;
	v2 =	vimm.f32 $1.000000000e+00;
	vm0 =	vmmov $0x1;
	s6 =	sadd.s32 $0x41E00, s9;
	s8 =	smax.u32 s8, $0x1;
	s9 =	simm.s32 $0x8000  }
.LBB2_1:
0xf: {  	[tilespmem:s3], [sflag:$0x1] =	stream.linear.gather [hbm4b:s4+s3], $0x8000, $0x38;
	[tilespmem:$0x10E10] =	vst v63  }
0x10: {  	_ = 	snop  }
0x11: {  	[tilespmem:s9], [sflag:$0x2] =	stream.linear.gather [hbm4b:s5+s3], $0x8000, $0x38;
	[tilespmem:$0x10E10] =	vst v63  }
0x12: {  	[tilespmem:s11+$0x0] =	vst v0  }
0x13: {  	v3 =	vor.u32 s3, v1;
	s18 =	simm.s32 $0x10;
	[tilespmem:s12+$0x0] =	vst v0  }
0x14: {  	s19 =	simm.s32 $0x10010;
	s20 =	simm.s32 $0x10480;
	s21 =	simm.s32 $0x10900;
	[tilespmem:s15+$0x0] =	vst v3  }
.LBB2_2:
0x15: {  	[tilespmem:s19+$0x0] =	vst v0;
	s20 =	sadd.s32 $0x10, s20;
	p1 =	sne.s32 s18, $0x430  }
.Ltmp0:
0x16: {  	v3 =	vor.u32 s18, v1;
	s18 =	sadd.s32 $0x10, s18;
	s21 =	sadd.s32 $0x10, s21;
	[tilespmem:s20+$0x0] =	vst v0;
	(pc) =	sbr.rel @p1 .LBB2_2-.Ltmp0, $2  }
0x17: {  	[tilespmem:s21+$0x0] =	vst v3;
	_ =	sdelay $0x2  }
0x18: {  	s19 =	sadd.s32 $0x10, s19  }
0x19: {  	s18 =	simm.s32 @!p0 $0x10000  }
0x1a: {  	[spmem:s1] =	stream.linear.scatter @!p0 [tilespmem:s18], [sflag:$0x3], $0x480, $0x38;
	[tilespmem:$0x10E10] =	vst v63  }
0x1b: {  	s18 =	simm.s32 @!p0 $0x3  }
0x1c: {  	_ =	swait.ge @!p0 [sflag:s18], $0x480  }
0x1d: {  	[sflag:s18] =	ssyncset.done @!p0 $0x0  }
0x1e: {  	s19 =	simm.s32 @!p0 $0x10480;
	[sflag:s18] =	ssyncadd.s32 @!p0 $0xFFFFFB80  }
0x1f: {  	[spmem:s2] =	stream.linear.scatter @!p0 [tilespmem:s19], [sflag:$0x3], $0x480, $0x38;
	[tilespmem:$0x10E10] =	vst v63  }
0x20: {  	_ =	swait.ge @!p0 [sflag:s18], $0x480  }
0x21: {  	[sflag:s18] =	ssyncset.done @!p0 $0x0  }
0x22: {  	s31 =	simm.s32 $0x0;
	[sflag:s18] =	ssyncadd.s32 @!p0 $0xFFFFFB80  }
0x23: {  	s21 =	simm.s32 $0x0;
	s18 =	simm.s32 $0x0;
	[bflag:$0x0] =	sbarrier.arrive $0xFFFF  }
0x24: {  	s19 =	sand.u32 $0x7000, s31;
	s20 =	sand.u32 $0xC00, s18;
	_ =	swait.ge [sflag:s10], $0x8000  }
0x25: {  	s21 =	sand.u32 $0x380, s21;
	s19 =	sor.u32 s20, s19;
	[sflag:s10] =	ssyncset.done $0x0  }
0x26: {  	s19 =	sor.u32 s21, s19;
	[sflag:s10] =	ssyncadd.s32 $0xFFFF8000  }
0x27: {  	v3 =	vld [tilespmem:s19+$0x0];
	_ =	sdelay $0x1  }
0x28: {  	v10 =	vld [tilespmem:s19+$0x10];
	_ =	sdelay $0x1  }
0x29: {  	v11 =	vld [tilespmem:s19+$0x20]  }
0x2a: {  	vm1 =	vne.s32 v3, $0x0;
	vm2 =	veq.s32 v3, $0x0  }
0x2b: {  	v4 =	vimm.f32 $0.0e+00;
	v5 =	vld [tilespmem:s19+$0x30];
	v8 =	vshra.s32 v3, $0x15;
	v6 =	vsel vm2, $0x3F800000, v0  }
0x2c: {  	vm2 =	veq.s32 v10, $0x0;
	v6 =	vadd.f32 v6, v4  }
0x2d: {  	v7 =	vsel vm2, $0x3F800000, v0;
	v4 =	vld [tilespmem:s19+$0x40]  }
0x2e: {  	vm4 =	vne.s32 v10, $0x0;
	vm2 =	veq.s32 v11, $0x0;
	v7 =	vadd.f32 v7, v6  }
0x2f: {  	v12 =	vshra.s32 v10, $0x15;
	v9 =	vsel vm2, $0x3F800000, v0;
	v6 =	vld [tilespmem:s19+$0x50]  }
0x30: {  	vm5 =	vne.s32 v11, $0x0;
	vm2 =	veq.s32 v5, $0x0;
	[tilespmem:v8+s11+$0x0] =	vst.idx.add.f32.msk vm1, v2;
	v9 =	vadd.f32 v9, v7  }
0x31: {  	v13 =	vshra.s32 v11, $0x15;
	v14 =	vsel vm2, $0x3F800000, v0;
	v7 =	vld [tilespmem:s19+$0x60]  }
0x32: {  	vm2 =	vne.s32 v5, $0x0;
	[tilespmem:v8+s12+$0x0] =	vst.idx.add.f32.msk vm1, v3;
	vm1 =	veq.s32 v4, $0x0;
	v8 =	vadd.f32 v14, v9  }
0x33: {  	v3 =	vld [tilespmem:s19+$0x70];
	v9 =	vshra.s32 v5, $0x15;
	v14 =	vsel vm1, $0x3F800000, v0  }
0x34: {  	[tilespmem:v12+s11+$0x0] =	vst.idx.add.f32.msk vm4, v2;
	vm1 =	vne.s32 v4, $0x0;
	vm6 =	veq.s32 v6, $0x0;
	v14 =	vadd.f32 v14, v8  }
0x35: {  	[tilespmem:v12+s12+$0x0] =	vst.idx.add.f32.msk vm4, v10;
	vm3 =	vne.s32 v6, $0x0;
	v8 =	vshra.s32 v4, $0x15;
	v12 =	vsel vm6, $0x3F800000, v0  }
0x36: {  	[tilespmem:v13+s11+$0x0] =	vst.idx.add.f32.msk vm5, v2;
	v10 =	vshra.s32 v6, $0x15;
	vm6 =	veq.s32 v7, $0x0;
	v12 =	vadd.f32 v12, v14  }
0x37: {  	s19 =	simm.s32 $0x0;
	[tilespmem:v13+s12+$0x0] =	vst.idx.add.f32.msk vm5, v11;
	vm4 =	vne.s32 v7, $0x0;
	v11 =	vshra.s32 v7, $0x15;
	v13 =	vsel vm6, $0x3F800000, v0  }
.LBB2_4:
0x38: {  	s19 =	sadd.s32 $0x8, s19;
	[tilespmem:v9+s11+$0x0] =	vst.idx.add.f32.msk vm2, v2;
	v12 =	vadd.f32 v13, v12;
	vm5 =	vne.s32 v3, $0x0;
	vm6 =	veq.s32 v3, $0x0  }
0x39: {  	s18 =	sadd.s32 $0x400, s18;
	s20 =	sshll.u32 s19, $0x4;
	p1 =	slt.u32 s19, $0x7F8;
	[tilespmem:v9+s12+$0x0] =	vst.idx.add.f32.msk vm2, v5;
	v9 =	vshra.s32 v3, $0x15;
	v5 =	vsel vm6, $0x3F800000, v0  }
0x3a: {  	s21 =	sand.u32 $0xC00, s18;
	s22 =	sshll.u32 s19, $0x2;
	s20 =	sand.u32 $0x7000, s20;
	[tilespmem:v8+s11+$0x0] =	vst.idx.add.f32.msk vm1, v2;
	v12 =	vadd.f32 v5, v12  }
0x3b: {  	s22 =	sand.u32 $0x380, s22;
	s20 =	sor.u32 s21, s20;
	[tilespmem:v8+s12+$0x0] =	vst.idx.add.f32.msk vm1, v4  }
0x3c: {  	s20 =	sor.u32 s22, s20;
	[tilespmem:v10+s11+$0x0] =	vst.idx.add.f32.msk vm3, v2  }
0x3d: {  	v8 =	vld [tilespmem:s20+$0x0]  }
0x3e: {  	[tilespmem:v10+s12+$0x0] =	vst.idx.add.f32.msk vm3, v6  }
0x3f: {  	v10 =	vld [tilespmem:s20+$0x10]  }
0x40: {  	[tilespmem:v11+s11+$0x0] =	vst.idx.add.f32.msk vm4, v2  }
0x41: {  	v13 =	vld [tilespmem:s20+$0x20]  }
0x42: {  	vm1 =	vne.s32 v8, $0x0;
	v14 =	vshra.s32 v8, $0x15;
	vm2 =	veq.s32 v8, $0x0;
	[tilespmem:v11+s12+$0x0] =	vst.idx.add.f32.msk vm4, v7  }
0x43: {  	v4 =	vsel vm2, $0x3F800000, v0;
	v5 =	vld [tilespmem:s20+$0x30]  }
0x44: {  	v6 =	vadd.f32 v4, v12;
	vm4 =	vne.s32 v10, $0x0;
	vm2 =	veq.s32 v10, $0x0;
	[tilespmem:v9+s11+$0x0] =	vst.idx.add.f32.msk vm5, v2  }
0x45: {  	v11 =	vshra.s32 v10, $0x15;
	v7 =	vsel vm2, $0x3F800000, v0;
	v4 =	vld [tilespmem:s20+$0x40]  }
0x46: {  	v7 =	vadd.f32 v7, v6;
	vm6 =	vne.s32 v13, $0x0;
	vm2 =	veq.s32 v13, $0x0;
	[tilespmem:v9+s12+$0x0] =	vst.idx.add.f32.msk vm5, v3  }
0x47: {  	v15 =	vshra.s32 v13, $0x15;
	v3 =	vsel vm2, $0x3F800000, v0;
	v6 =	vld [tilespmem:s20+$0x50]  }
0x48: {  	[tilespmem:v14+s11+$0x0] =	vst.idx.add.f32.msk vm1, v2;
	v3 =	vadd.f32 v3, v7;
	vm2 =	vne.s32 v5, $0x0;
	vm3 =	veq.s32 v5, $0x0  }
0x49: {  	v9 =	vshra.s32 v5, $0x15;
	v12 =	vsel vm3, $0x3F800000, v0;
	v7 =	vld [tilespmem:s20+$0x60]  }
0x4a: {  	[tilespmem:v14+s12+$0x0] =	vst.idx.add.f32.msk vm1, v8;
	v12 =	vadd.f32 v12, v3;
	vm1 =	vne.s32 v4, $0x0;
	vm3 =	veq.s32 v4, $0x0  }
.Ltmp1:
0x4b: {  	v8 =	vshra.s32 v4, $0x15;
	v14 =	vsel vm3, $0x3F800000, v0;
	v3 =	vld [tilespmem:s20+$0x70];
	(pc) =	sbr.rel @p1 .LBB2_4-.Ltmp1, $4  }
0x4c: {  	[tilespmem:v11+s11+$0x0] =	vst.idx.add.f32.msk vm4, v2;
	v12 =	vadd.f32 v14, v12;
	vm3 =	vne.s32 v6, $0x0;
	vm5 =	veq.s32 v6, $0x0  }
0x4d: {  	[tilespmem:v11+s12+$0x0] =	vst.idx.add.f32.msk vm4, v10;
	v10 =	vshra.s32 v6, $0x15;
	v11 =	vsel vm5, $0x3F800000, v0  }
0x4e: {  	[tilespmem:v15+s11+$0x0] =	vst.idx.add.f32.msk vm6, v2;
	v12 =	vadd.f32 v11, v12;
	vm4 =	vne.s32 v7, $0x0;
	vm5 =	veq.s32 v7, $0x0  }
0x4f: {  	v11 =	vshra.s32 v7, $0x15;
	[tilespmem:v15+s12+$0x0] =	vst.idx.add.f32.msk vm6, v13;
	v13 =	vsel vm5, $0x3F800000, v0  }
0x50: {  	_ =	sdelay $0x4  }
0x51: {  	[tilespmem:v9+s11+$0x0] =	vst.idx.add.f32.msk vm2, v2  }
0x52: {  	[tilespmem:v8+s11+$0x0] =	vst.idx.add.f32.msk vm1, v2  }
0x53: {  	[tilespmem:v9+s12+$0x0] =	vst.idx.add.f32.msk vm2, v5;
	vm2 =	vne.s32 v3, $0x0  }
0x54: {  	[tilespmem:v10+s11+$0x0] =	vst.idx.add.f32.msk vm3, v2;
	v5 =	vshra.s32 v3, $0x15  }
0x55: {  	[tilespmem:v11+s11+$0x0] =	vst.idx.add.f32.msk vm4, v2  }
0x56: {  	[tilespmem:v8+s12+$0x0] =	vst.idx.add.f32.msk vm1, v4  }
0x57: {  	[tilespmem:v10+s12+$0x0] =	vst.idx.add.f32.msk vm3, v6  }
0x58: {  	[tilespmem:v11+s12+$0x0] =	vst.idx.add.f32.msk vm4, v7  }
0x59: {  	[tilespmem:v5+s11+$0x0] =	vst.idx.add.f32.msk vm2, v2  }
0x5a: {  	s18 =	simm.s32 $0x40000;
	s19 =	simm.s32 $0x8000;
	s21 =	simm.s32 $0x2000;
	[tilespmem:v5+s12+$0x0] =	vst.idx.add.f32.msk vm2, v3  }
0x5b: {  	s19 =	sand.u32 $0xF000, s19;
	s20 =	sand.u32 $0xC00, s18;
	_ =	swait.ge [sflag:s13], $0x8000  }
0x5c: {  	s21 =	sand.u32 $0x380, s21;
	s19 =	sor.u32 s20, s19;
	[sflag:s13] =	ssyncset.done $0x0  }
0x5d: {  	s19 =	sor.u32 s21, s19;
	[sflag:s13] =	ssyncadd.s32 $0xFFFF8000  }
0x5e: {  	v5 =	vld [tilespmem:s19+$0x0];
	_ =	sdelay $0x1  }
0x5f: {  	v10 =	vld [tilespmem:s19+$0x10]  }
0x60: {  	v4 =	vadd.f32 v13, v12;
	vm1 =	veq.s32 v3, $0x0  }
0x61: {  	v3 =	vsel vm1, $0x3F800000, v0;
	v11 =	vld [tilespmem:s19+$0x20]  }
0x62: {  	v3 =	vadd.f32 v3, v4;
	vm1 =	vne.s32 v5, $0x0;
	vm2 =	veq.s32 v5, $0x0  }
0x63: {  	v4 =	vld [tilespmem:s19+$0x30];
	v8 =	vshra.s32 v5, $0x15;
	v6 =	vsel vm2, $0x3F800000, v0  }
0x64: {  	vm2 =	veq.s32 v10, $0x0;
	v6 =	vadd.f32 v6, v3  }
0x65: {  	v7 =	vsel vm2, $0x3F800000, v0;
	v3 =	vld [tilespmem:s19+$0x40]  }
0x66: {  	vm4 =	vne.s32 v10, $0x0;
	vm2 =	veq.s32 v11, $0x0;
	v7 =	vadd.f32 v7, v6  }
0x67: {  	v12 =	vshra.s32 v10, $0x15;
	v9 =	vsel vm2, $0x3F800000, v0;
	v6 =	vld [tilespmem:s19+$0x50]  }
0x68: {  	vm5 =	vne.s32 v11, $0x0;
	vm2 =	veq.s32 v4, $0x0;
	[tilespmem:v8+s11+$0x0] =	vst.idx.add.f32.msk vm1, v2;
	v9 =	vadd.f32 v9, v7  }
0x69: {  	v13 =	vshra.s32 v11, $0x15;
	v14 =	vsel vm2, $0x3F800000, v0;
	v7 =	vld [tilespmem:s19+$0x60]  }
0x6a: {  	vm2 =	vne.s32 v4, $0x0;
	[tilespmem:v8+s12+$0x0] =	vst.idx.add.f32.msk vm1, v5;
	vm1 =	veq.s32 v3, $0x0;
	v8 =	vadd.f32 v14, v9  }
0x6b: {  	v5 =	vld [tilespmem:s19+$0x70];
	v9 =	vshra.s32 v4, $0x15;
	v14 =	vsel vm1, $0x3F800000, v0  }
0x6c: {  	[tilespmem:v12+s11+$0x0] =	vst.idx.add.f32.msk vm4, v2;
	vm1 =	vne.s32 v3, $0x0;
	vm6 =	veq.s32 v6, $0x0;
	v14 =	vadd.f32 v14, v8  }
0x6d: {  	[tilespmem:v12+s12+$0x0] =	vst.idx.add.f32.msk vm4, v10;
	vm3 =	vne.s32 v6, $0x0;
	v8 =	vshra.s32 v3, $0x15;
	v12 =	vsel vm6, $0x3F800000, v0  }
0x6e: {  	[tilespmem:v13+s11+$0x0] =	vst.idx.add.f32.msk vm5, v2;
	v10 =	vshra.s32 v6, $0x15;
	vm6 =	veq.s32 v7, $0x0;
	v12 =	vadd.f32 v12, v14  }
0x6f: {  	s19 =	simm.s32 $0x800;
	[tilespmem:v13+s12+$0x0] =	vst.idx.add.f32.msk vm5, v11;
	vm4 =	vne.s32 v7, $0x0;
	v11 =	vshra.s32 v7, $0x15;
	v13 =	vsel vm6, $0x3F800000, v0  }
.LBB2_6:
0x70: {  	s19 =	sadd.s32 $0x8, s19;
	[tilespmem:v9+s11+$0x0] =	vst.idx.add.f32.msk vm2, v2;
	v12 =	vadd.f32 v13, v12;
	vm5 =	vne.s32 v5, $0x0;
	vm6 =	veq.s32 v5, $0x0  }
0x71: {  	s18 =	sadd.s32 $0x400, s18;
	s20 =	sshll.u32 s19, $0x4;
	p1 =	slt.u32 s19, $0xFF8;
	[tilespmem:v9+s12+$0x0] =	vst.idx.add.f32.msk vm2, v4;
	v9 =	vshra.s32 v5, $0x15;
	v4 =	vsel vm6, $0x3F800000, v0  }
0x72: {  	s21 =	sand.u32 $0xC00, s18;
	s22 =	sshll.u32 s19, $0x2;
	s20 =	sand.u32 $0xF000, s20;
	[tilespmem:v8+s11+$0x0] =	vst.idx.add.f32.msk vm1, v2;
	v12 =	vadd.f32 v4, v12  }
0x73: {  	s22 =	sand.u32 $0x380, s22;
	s20 =	sor.u32 s21, s20;
	[tilespmem:v8+s12+$0x0] =	vst.idx.add.f32.msk vm1, v3  }
0x74: {  	s20 =	sor.u32 s22, s20;
	[tilespmem:v10+s11+$0x0] =	vst.idx.add.f32.msk vm3, v2  }
0x75: {  	v8 =	vld [tilespmem:s20+$0x0]  }
0x76: {  	[tilespmem:v10+s12+$0x0] =	vst.idx.add.f32.msk vm3, v6  }
0x77: {  	v10 =	vld [tilespmem:s20+$0x10]  }
0x78: {  	[tilespmem:v11+s11+$0x0] =	vst.idx.add.f32.msk vm4, v2  }
0x79: {  	v13 =	vld [tilespmem:s20+$0x20]  }
0x7a: {  	vm1 =	vne.s32 v8, $0x0;
	v14 =	vshra.s32 v8, $0x15;
	vm2 =	veq.s32 v8, $0x0;
	[tilespmem:v11+s12+$0x0] =	vst.idx.add.f32.msk vm4, v7  }
0x7b: {  	v3 =	vsel vm2, $0x3F800000, v0;
	v4 =	vld [tilespmem:s20+$0x30]  }
0x7c: {  	v6 =	vadd.f32 v3, v12;
	vm4 =	vne.s32 v10, $0x0;
	vm2 =	veq.s32 v10, $0x0;
	[tilespmem:v9+s11+$0x0] =	vst.idx.add.f32.msk vm5, v2  }
0x7d: {  	v11 =	vshra.s32 v10, $0x15;
	v7 =	vsel vm2, $0x3F800000, v0;
	v3 =	vld [tilespmem:s20+$0x40]  }
0x7e: {  	v7 =	vadd.f32 v7, v6;
	vm6 =	vne.s32 v13, $0x0;
	vm2 =	veq.s32 v13, $0x0;
	[tilespmem:v9+s12+$0x0] =	vst.idx.add.f32.msk vm5, v5  }
0x7f: {  	v15 =	vshra.s32 v13, $0x15;
	v5 =	vsel vm2, $0x3F800000, v0;
	v6 =	vld [tilespmem:s20+$0x50]  }
0x80: {  	[tilespmem:v14+s11+$0x0] =	vst.idx.add.f32.msk vm1, v2;
	v5 =	vadd.f32 v5, v7;
	vm2 =	vne.s32 v4, $0x0;
	vm3 =	veq.s32 v4, $0x0  }
0x81: {  	v9 =	vshra.s32 v4, $0x15;
	v12 =	vsel vm3, $0x3F800000, v0;
	v7 =	vld [tilespmem:s20+$0x60]  }
0x82: {  	[tilespmem:v14+s12+$0x0] =	vst.idx.add.f32.msk vm1, v8;
	v12 =	vadd.f32 v12, v5;
	vm1 =	vne.s32 v3, $0x0;
	vm3 =	veq.s32 v3, $0x0  }
.Ltmp2:
0x83: {  	v8 =	vshra.s32 v3, $0x15;
	v14 =	vsel vm3, $0x3F800000, v0;
	v5 =	vld [tilespmem:s20+$0x70];
	(pc) =	sbr.rel @p1 .LBB2_6-.Ltmp2, $4  }
0x84: {  	[tilespmem:v11+s11+$0x0] =	vst.idx.add.f32.msk vm4, v2;
	v12 =	vadd.f32 v14, v12;
	vm3 =	vne.s32 v6, $0x0;
	vm5 =	veq.s32 v6, $0x0  }
0x85: {  	[tilespmem:v11+s12+$0x0] =	vst.idx.add.f32.msk vm4, v10;
	v10 =	vshra.s32 v6, $0x15;
	v11 =	vsel vm5, $0x3F800000, v0  }
0x86: {  	[tilespmem:v15+s11+$0x0] =	vst.idx.add.f32.msk vm6, v2;
	v12 =	vadd.f32 v11, v12;
	vm4 =	vne.s32 v7, $0x0;
	vm5 =	veq.s32 v7, $0x0  }
0x87: {  	v11 =	vshra.s32 v7, $0x15;
	[tilespmem:v15+s12+$0x0] =	vst.idx.add.f32.msk vm6, v13;
	v13 =	vsel vm5, $0x3F800000, v0  }
0x88: {  	_ =	sdelay $0x1  }
0x89: {  	v12 =	vadd.f32 v13, v12;
	vm5 =	veq.s32 v5, $0x0  }
0x8a: {  	v61 =	vsel vm5, $0x3F800000, v0  }
0x8b: {  	v12 =	vadd.f32 v61, v12  }
0x8c: {  	[tilespmem:v9+s11+$0x0] =	vst.idx.add.f32.msk vm2, v2  }
0x8d: {  	[tilespmem:v8+s11+$0x0] =	vst.idx.add.f32.msk vm1, v2;
	(xrf2) =	vadd.scan.msk.f32 $0xffff, v12  }
0x8e: {  	[tilespmem:v9+s12+$0x0] =	vst.idx.add.f32.msk vm2, v4;
	vm2 =	vne.s32 v5, $0x0  }
0x8f: {  	v62 =	vshra.s32 v5, $0x15;
	[tilespmem:v10+s11+$0x0] =	vst.idx.add.f32.msk vm3, v2  }
0x90: {  	[tilespmem:v11+s11+$0x0] =	vst.idx.add.f32.msk vm4, v2  }
0x91: {  	[tilespmem:v8+s12+$0x0] =	vst.idx.add.f32.msk vm1, v3  }
0x92: {  	[tilespmem:v10+s12+$0x0] =	vst.idx.add.f32.msk vm3, v6  }
0x93: {  	[tilespmem:v11+s12+$0x0] =	vst.idx.add.f32.msk vm4, v7  }
0x94: {  	[tilespmem:v62+s11+$0x0] =	vst.idx.add.f32.msk vm2, v2  }
0x95: {  	[tilespmem:v62+s12+$0x0] =	vst.idx.add.f32.msk vm2, v5  }
0x96: {  	v3 =	vld [tilespmem:$0x10000]  }
0x97: {  	v63, _, _ =	vpop (xrf2)  }
0x98: {  	v4 =	vbroadcast v63, $0xF;
	_ =	sdelay $0x1  }
0x99: {  	v4 =	vnsel vm0, $0x0, v4  }
0x9a: {  	v3 =	vadd.f32 v3, v4;
	_ =	sdelay $0x1  }
0x9b: {  	[tilespmem:$0x10000] =	vst v3  }
0x9c: {  	[spmem:s1] =	stream.indirect.scatter.add.f32 [tilespmem:s11], [sflag:$0x3], $0x1, s15, s14, $0xb8;
	[tilespmem:$0x10E10] =	vst v63  }
0x9d: {  	_ =	swait.ge [sflag:s16], $0x440  }
0x9e: {  	[sflag:s16] =	ssyncset.done $0x0  }
0x9f: {  	[sflag:s16] =	ssyncadd.s32 $0xFFFFFBC0  }
0xa0: {  	[spmem:s2] =	stream.indirect.scatter.add.f32 [tilespmem:s12], [sflag:$0x3], $0x1, s15, s14, $0xb8;
	[tilespmem:$0x10E10] =	vst v63  }
0xa1: {  	_ =	swait.ge [sflag:s16], $0x440  }
0xa2: {  	s18 =	sshrl.u32 @!p0 s1, $0x3;
	[sflag:s16] =	ssyncset.done $0x0  }
0xa3: {  	s19 =	simm.s32 @!p0 $0x1;
	s20 =	simm.s32 @!p0 $0x20;
	[sflag:s16] =	ssyncadd.s32 $0xFFFFFBC0  }
0xa4: {  	s21 =	simm.s32 @!p0 $0x10;
	s22 =	simm.s32 @!p0 $0x1C03;
	[bflag:$0x0] =	sbarrier.arrive $0xFFFF  }
0xa5: {  	[hbm:s6@s20], [sflag:s22] =	dma.strided @!p0 [spmem:s18@s21], $0x90, s19, $0x10   }
0xa6: {  	s18 =	simm.s32 @!p0 $0x3  }
0xa7: {  	s17 =	sadd.s32 $0x1, s17;
	_ =	swait.ge @!p0 [sflag:s18], $0x90  }
0xa8: {  	p1 =	sne.s32 s17, s8;
	[sflag:s18] =	ssyncset.done @!p0 $0x0  }
.Ltmp3:
0xa9: {  	s23 =	sshrl.u32 @!p0 s2, $0x3;
	[sflag:s18] =	ssyncadd.s32 @!p0 $0xFFFFFF70;
	(pc) =	sbr.rel @p1 .LBB2_1-.Ltmp3, $4  }
0xaa: {  	[hbm:s7@s20], [sflag:s22] =	dma.strided @!p0 [spmem:s23@s21], $0x90, s19, $0x10   }
0xab: {  	_ =	swait.ge @!p0 [sflag:s18], $0x90  }
0xac: {  	[sflag:s18] =	ssyncset.done @!p0 $0x0  }
0xad: {  	[sflag:s18] =	ssyncadd.s32 @!p0 $0xFFFFFF70  }
0xae: {  	_ =	sfence.sel $0x180000  }
0xaf: {  	[bflag:$0x0] =	sbarrier.arrive $0xFFFF  }
0xb0: {  	_ =	strace $0x90000047  }
0xb1: {  	s0 =	sadd.s32 @!p0 $0x100000, s0;
	[bflag:$0x2] =	sbarrier.arrive $0xFFFF  }
0xb2: {  	[sflag:s0] =	ssyncadd.tile.s32 @!p0 $0x1;
	_ =	shalt  }
.Lfunc_end2:
_tile_overlayer_lowered:
.L_overlay_start_2:
0xb3: {  	(tag) =	ssettag $0x2  }
0xb4: {  	s0 =	rddreg [dreg:$0x0];
	s2 =	stileid.u32  }
0xb5: {  	s1 =	rddreg [dreg:$0x1];
	p0 =	sne.s32 s2, $0x0  }
0xb6: {  	s3 =	rddreg [dreg:$0x2];
	[bflag:$0x3] =	sbarrier.arrive $0xFFFF;
	s2 =	simm.s32 @!p0 $0x1C03  }
0xb7: {  	[timem:s3], [sflag:s2] =	dma.local @!p0 [hbm:s0], s1  }
0xb8: {  	s0 =	simm.s32 @!p0 $0x3  }
0xb9: {  	_ =	swait.ge @!p0 [sflag:s0], s1  }
0xba: {  	s1 =	ssub.s32 @!p0 $0x0, s1;
	[sflag:s0] =	ssyncset.done @!p0 $0x0  }
0xbb: {  	[sflag:s0] =	ssyncadd.s32 @!p0 s1  }
0xbc: {  	[bflag:$0x3] =	sbarrier.arrive $0xFFFF  }
0xbd: {  	_ =	shalt  }

// kernel: kernel.9.cloned.1.call-start
scs
__scs_entry_jumppad:
0x0: {  	(pc) =	sbr.rel $0x88, $3  }
0x1: {  	(tag) =	ssettag $0x0;
	lr =	simm.s32 $0x1  }
0x2: {  	[smem:$0x3F9F] =	sst lr;
	_ =	strace $0xD0000000  }
0x3: {  	_ = 	snop  }
0x4: {  	_ = 	snop  }
0x5: {  	_ = 	snop  }
0x6: {  	_ = 	snop  }
0x7: {  	_ = 	snop  }
__scs_overlays_trampoline_lowered:
0x8: {  	[smem:$0x3FAE] =	sst s0  }
0x9: {  	[smem:$0x3FAF] =	sst s1  }
0xa: {  	[smem:$0x3FB0] =	sst s2  }
0xb: {  	[smem:$0x3FB1] =	sst s3  }
0xc: {  	[smem:$0x3FB2] =	sst s4  }
0xd: {  	[smem:$0x3FB3] =	sst s5  }
0xe: {  	[smem:$0x3FB4] =	sst s6  }
0xf: {  	[smem:$0x3FB5] =	sst s7  }
0x10: {  	[smem:$0x3FB6] =	sst s8  }
0x11: {  	[smem:$0x3FB7] =	sst s9;
	s0 =	simm.s32 @!p0 $0x0  }
0x12: {  	s1 =	sld [smem:$0x3F9D];
	s0 =	simm.s32 @p0 $0x1  }
0x13: {  	[smem:$0x3FB8] =	sst s0;
	s0 =	simm.s32 @!p1 $0x0  }
0x14: {  	s2 =	sld [smem:$0x3F9C];
	s0 =	simm.s32 @p1 $0x1  }
0x15: {  	[smem:$0x3FB9] =	sst s0;
	s0 =	simm.s32 @!p2 $0x0  }
0x16: {  	s3 =	sld [smem:$0x3FDB];
	s0 =	simm.s32 @p2 $0x1  }
0x17: {  	s4 =	simm.s32 $0x1BF5;
	[smem:$0x3FBB] =	sst s0  }
0x18: {  	s0 =	sld [smem:$0x3F9E];
	_ =	swait.ge [sflag:s4], $0x0  }
0x19: {  	s7 =	sld [smem:$0x3F9F]  }
0x1a: {  	s8 =	sadd.s32 $0xFFFFE003, lr  }
0x1b: {  	s9 =	sadd.s32 $0xFFFFFEF7, lr;
	s5 =	simm.s32 $0xFFFFFFFF;
	p2 =	slt.u32 s8, $0xFFFFF086  }
0x1c: {  	p1 =	slt.u32 s9, $0xF7A;
	s5 =	simm.s32 @!p2 $0x0  }
0x1d: {  	s5 =	simm.s32 @p1 $0x1;
	p0 =	seq.s32 s7, s2  }
0x1e: {  	s7 =	smul.u32 @!p0 $0xF7A, s2;
	p2 =	seq.s32 @!p0 s5, $0x0  }
0x1f: {  	s9 =	smul.u32 $0xF7A, s1;
	s8 =	simm.s32 @!p0 $0x1BF5;
	p2 =	por !p2, p0  }
0x20: {  	[sflag:s8] =	ssyncset.s32 @!p0 $0xFFFFF086;
	s6 =	sadd.s32 @!p0 s3, s7;
	s7 =	simm.s32 @!p0 $0x108  }
0x21: {  	s3 =	sadd.s32 s3, s9;
	s6 =	sadd.s32 @!p0 $0x88, s6;
	s7 =	simm.s32 @p2 $0x1082  }
0x22: {  	[simem:s7], [sflag:s8] =	dma.local @!p0 [hbm:s6], $0xF7A  }
0x23: {  	s9 =	sor.u32 $0xD0000000, s2;
	s6 =	simm.s32 $0x108;
	_ =	swait.ge @!p0 [sflag:s8], $0x0  }
0x24: {  	s3 =	sadd.s32 $0x88, s3;
	s6 =	simm.s32 @!p1 $0x1082;
	[sflag:s4] =	ssyncset.s32 $0xFFFFF086  }
0x25: {  	[simem:s6], [sflag:s4] =	dma.local [hbm:s3], $0xF7A  }
0x26: {  	[smem:$0x3F9F] =	sst s1;
	(tag) =	ssettag s2;
	_ =	strace s9  }
0x27: {  	s1 =	sld [smem:$0x3FAF]  }
0x28: {  	s2 =	sld [smem:$0x3FB0]  }
0x29: {  	s4 =	sld [smem:$0x3FB2]  }
0x2a: {  	p0 =	seq.s32 s5, $0x0;
	s5 =	sld [smem:$0x3FB3]  }
0x2b: {  	s6 =	sld [smem:$0x3FB4]  }
0x2c: {  	s7 =	sld [smem:$0x3FB5]  }
0x2d: {  	s3 =	simm.s32 $0x108;
	s8 =	sld [smem:$0x3FB6]  }
0x2e: {  	s3 =	simm.s32 @!p0 $0x1082;
	s9 =	sld [smem:$0x3FB7]  }
0x2f: {  	lr =	sadd.s32 s0, s3;
	s0 =	sld [smem:$0x3FAE]  }
0x30: {  	s3 =	sld [smem:$0x3FB1]  }
0x31: {  	[smem:$0x3FBA] =	sst s10  }
0x32: {  	s10 =	sld [smem:$0x3FB8];
	_ =	sdelay $0x3  }
0x33: {  	p0 =	seq.s32 s10, $0x1;
	s10 =	sld [smem:$0x3FBA];
	_ =	sdelay $0x3  }
0x34: {  	[smem:$0x3FBA] =	sst s10  }
0x35: {  	s10 =	sld [smem:$0x3FB9];
	_ =	sdelay $0x3  }
0x36: {  	p1 =	seq.s32 s10, $0x1;
	s10 =	sld [smem:$0x3FBA];
	_ =	sdelay $0x3  }
0x37: {  	[smem:$0x3FBA] =	sst s10  }
0x38: {  	s10 =	sld [smem:$0x3FBB]  }
0x39: {  	_ = 	snop;
	(pc) =	sbr.ind lr, $3  }
0x3a: {  	_ = 	snop  }
0x3b: {  	_ = 	snop  }
0x3c: {  	p2 =	seq.s32 s10, $0x1;
	s10 =	sld [smem:$0x3FBA]  }
0x3d: {  	_ =	shalt  }
0x3e: {  	_ =	shalt  }
0x3f: {  	_ =	shalt  }
0x40: {  	_ =	shalt  }
0x41: {  	_ =	shalt  }
0x42: {  	_ =	shalt  }
0x43: {  	_ =	shalt  }
0x44: {  	_ =	shalt  }
0x45: {  	_ =	shalt  }
0x46: {  	_ =	shalt  }
0x47: {  	_ =	shalt  }
0x48: {  	_ =	shalt  }
0x49: {  	_ =	shalt  }
0x4a: {  	_ =	shalt  }
0x4b: {  	_ =	shalt  }
0x4c: {  	_ =	shalt  }
0x4d: {  	_ =	shalt  }
0x4e: {  	_ =	shalt  }
0x4f: {  	_ =	shalt  }
0x50: {  	_ =	shalt  }
0x51: {  	_ =	shalt  }
0x52: {  	_ =	shalt  }
0x53: {  	_ =	shalt  }
0x54: {  	_ =	shalt  }
0x55: {  	_ =	shalt  }
0x56: {  	_ =	shalt  }
0x57: {  	_ =	shalt  }
0x58: {  	_ =	shalt  }
0x59: {  	_ =	shalt  }
0x5a: {  	_ =	shalt  }
0x5b: {  	_ =	shalt  }
0x5c: {  	_ =	shalt  }
0x5d: {  	_ =	shalt  }
0x5e: {  	_ =	shalt  }
0x5f: {  	_ =	shalt  }
0x60: {  	_ =	shalt  }
0x61: {  	_ =	shalt  }
0x62: {  	_ =	shalt  }
0x63: {  	_ =	shalt  }
0x64: {  	_ =	shalt  }
0x65: {  	_ =	shalt  }
0x66: {  	_ =	shalt  }
0x67: {  	_ =	shalt  }
0x68: {  	_ =	shalt  }
0x69: {  	_ =	shalt  }
0x6a: {  	_ =	shalt  }
0x6b: {  	_ =	shalt  }
0x6c: {  	_ =	shalt  }
0x6d: {  	_ =	shalt  }
0x6e: {  	_ =	shalt  }
0x6f: {  	_ =	shalt  }
0x70: {  	_ =	shalt  }
0x71: {  	_ =	shalt  }
0x72: {  	_ =	shalt  }
0x73: {  	_ =	shalt  }
0x74: {  	_ =	shalt  }
0x75: {  	_ =	shalt  }
0x76: {  	_ =	shalt  }
0x77: {  	_ =	shalt  }
0x78: {  	_ =	shalt  }
0x79: {  	_ =	shalt  }
0x7a: {  	_ =	shalt  }
0x7b: {  	_ =	shalt  }
0x7c: {  	_ =	shalt  }
0x7d: {  	_ =	shalt  }
0x7e: {  	_ =	shalt  }
0x7f: {  	_ =	shalt  }
0x80: {  	_ =	shalt  }
0x81: {  	_ =	shalt  }
0x82: {  	_ =	shalt  }
0x83: {  	_ =	shalt  }
0x84: {  	_ =	shalt  }
0x85: {  	_ =	shalt  }
0x86: {  	_ =	shalt  }
0x87: {  	_ =	shalt  }
.Lfunc_end0:
.L_simem_size_0:
called_computation.1_lowered:
.L_overlay_start_0:
0x88: {  	s2 =	sld [smem:$0x3FD9]  }
0x89: {  	s3 =	sld [smem:$0x3FFE];
	_ =	sdelay $0x1  }
0x8a: {  	s1 =	srdreg.scid  }
0x8b: {  	s0 =	sand.u32 $0x1, s1  }
0x8c: {  	s16 =	sshll.u32 s0, $0xA;
	s2 =	sadd.s32 s3, s2  }
0x8d: {  	s2 =	sadd.s32 s2, s16  }
0x8e: {  	[smem:$0x3FC6] =	sst s2  }
0x8f: {  	_ = 	snop  }
0x90: {  	(tm) =	ssettm $0x1  }
0x91: {  	s17 =	sld [smem:$0x3FFB];
	_ =	sdelay $0x3  }
0x92: {  	_ =	strace s17  }
0x93: {  	s2 =	sld [smem:$0x3FFC];
	_ =	sdelay $0x3  }
0x94: {  	_ =	strace s2  }
0x95: {  	s2 =	sld [smem:$0x3FFD];
	_ =	sdelay $0x3  }
0x96: {  	_ =	strace s2  }
0x97: {  	_ =	strace $0x8FFFFFFF  }
0x98: {  	s18 =	sld [smem:$0x3FDB];
	_ =	sdelay $0x1  }
0x99: {  	s19 =	simm.s32 $_scs_section_size  }
0x9a: {  	s4 =	simm.s32 $_size__tile_overlayer_lowered;
	s5 =	simm.s32 $_tile_overlayer_lowered  }
0x9b: {  	s22 =	simm.s32 $0x1BFF;
	s21 =	sshll.u32 s5, $0x1;
	s2 =	sadd.s32 s19, s18  }
0x9c: {  	s6 =	simm.s32 $0x0;
	s20 =	sshll.u32 s4, $0x1;
	s4 =	sadd.s32 s21, s2  }
0x9d: {  	[timem:s6], [sflag:s22] =	dma.local [hbm:s4], s20  }
0x9e: {  	_ =	swait.ge [sflag:s22], s20  }
0x9f: {  	s3 =	ssub.s32 $0x0, s20;
	[sflag:s22] =	ssyncset.done $0x0  }
0xa0: {  	[sflag:s22] =	ssyncadd.s32 s3;
	_ =	sdelay $0x1  }
0xa1: {  	s23 =	simm.s32 $0x1B8B  }
0xa2: {  	_ =	swait.ge [sflag:s23], $0x1  }
0xa3: {  	[sflag:s23] =	ssyncset.done $0x0  }
0xa4: {  	s25 =	simm.s32 $0x1B8E;
	s24 =	sld [smem:$0x3FFE];
	[sflag:s23] =	ssyncadd.s32 $0xFFFFFFFF  }
0xa5: {  	s26 =	simm.s32 $execute0_lowered;
	[smem:$0x3FD2] =	sst s25  }
0xa6: {  	s4 =	sshll.u32 s26, $0x1;
	_ =	strace $0x80000049;
	[dreg:$0x1] =	wrdreg $0xFFFFFFFF  }
0xa7: {  	s28 =	simm.s32 $_size_execute0_lowered;
	s2 =	sadd.s32 s2, s4;
	[dreg:$0x0] =	wrdreg $0x0  }
0xa8: {  	s4 =	sshll.u32 s28, $0x1;
	[dreg:$0x2] =	wrdreg s2  }
0xa9: {  	[dreg:$0x3] =	wrdreg s4  }
0xaa: {  	[dreg:$0x4] =	wrdreg $0xC0  }
0xab: {  	_ =	task [dreg:s6], $0x5FFFF  }
0xac: {  	[dreg:$0x1] =	wrdreg $0xFFFFFFFF  }
0xad: {  	[dreg:$0x0] =	wrdreg $0x60  }
0xae: {  	[dreg:$0x2] =	wrdreg s24  }
0xaf: {  	[dreg:$0x3] =	wrdreg $0x116800  }
0xb0: {  	[dreg:$0x4] =	wrdreg $0x116C80  }
0xb1: {  	[dreg:$0x5] =	wrdreg $0x9  }
0xb2: {  	_ =	task.clear_ibuf [dreg:s6], $0x6FFFF;
	_ =	strace $0x90000049  }
0xb3: {  	s29 =	simm.s32 $0x9;
	_ =	strace $0x8000004B  }
0xb4: {  	_ =	swait.ge [sflag:s29], $0x1  }
0xb5: {  	[sflag:s29] =	ssyncadd.s32 $0xFFFFFFFF  }
0xb6: {  	_ =	strace $0x9000004B  }
0xb7: {  	_ =	sfence  }
0xb8: {  	s30 =	sld [smem:$0x0];
	_ =	sdelay $0x2  }
0xb9: {  	s31 =	sshll.u32 s1, $0xD;
	s1 =	sshrl.u32 s1, $0x2  }
0xba: {  	s3 =	sand.u32 $0x4000, s31;
	s1 =	sadd.s32 s1, s30  }
0xbb: {  	s0 =	sor.u32 s3, s0;
	s1 =	sshll.u32 s1, $0x11  }
0xbc: {  	s0 =	sor.u32 s1, s0  }
0xbd: {  	s0 =	sadd.s32 $0x8F2B, s0  }
0xbe: {  	[sflag:s0] =	ssyncadd.remote.s32 $0x1  }
0xbf: {  	_ =	sfence.sel $0xFFFF  }
0xc0: {  	[dreg:$0x0] =	wrdreg $0xFFFFFFFF;
	(pc) =	sbr.abs _section_cstart, $3  }
0xc1: {  	[dreg:$0x1] =	wrdreg $0xFFFFFFFF  }
0xc2: {  	_ =	task.clear_ibuf [dreg:s6], $0x2FFFF;
	_ =	strace $0x9FFFFFFF  }
0xc3: {  	(tm) =	ssettm $0x7FFFFFFF  }
tec
execute0_lowered:
.L_overlay_start_1:
0x0: {  	(tag) =	ssettag $0x1  }
0x1: {  	s0 =	rddreg [dreg:$0x0]  }
0x2: {  	s1 =	rddreg [dreg:$0x1]  }
0x3: {  	s2 =	rddreg [dreg:$0x2]  }
0x4: {  	s3 =	srdreg.scid;
	s13 =	stileid.u32;
	s12 =	simm.s32 $0x3  }
0x5: {  	s14 =	simm.s32 $0x10900;
	s15 =	simm.s32 $0x10D80;
	s16 =	simm.s32 $0x2  }
0x6: {  	s18 =	simm.s32 $0x11200;
	s19 =	simm.s32 $0x0;
	s5 =	sand.u32 $0x1, s3  }
0x7: {  	s3 =	simm.s32 $0x0;
	s6 =	sshll.u32 s13, $0xD;
	s31 =	sadd.s32 $0x41E00, s0  }
0x8: {  	p0 =	sne.s32 s13, $0x0;
	s13 =	simm.s32 $0x1;
	s4 =	sshll.u32 s5, $0x11  }
0x9: {  	[smem:$0x7FF] =	sst s3;
	s7 =	ssub.s32 $0x2, s5;
	s5 =	sshll.u32 s5, $0x4  }
0xa: {  	s4 =	sor.u32 s6, s4;
	_ =	strace $0x8000004A;
	[dreg:$0x4] =	wrdreg s31  }
0xb: {  	s8 =	sshrl.u32 s7, $0x1;
	s6 =	sadd.s32 s4, s0;
	s0 =	sadd.s32 s5, s0  }
0xc: {  	s9 =	ssub.s32 s7, s8;
	s5 =	sadd.s32 $0x1C00, s6;
	s6 =	sadd.s32 $0x2C00, s6  }
0xd: {  	v0 =	vimm.f32 $0.0e+00;
	v1 =	vlaneseq.u32;
	v2 =	vimm.f32 $1.000000000e+00;
	s7 =	sadd.s32 $0x42200, s0;
	s8 =	sadd.s32 $0x42400, s0;
	s9 =	smax.u32 s9, $0x1  }
.LBB2_1:
0xe: {  	[tilespmem:s3], [sflag:$0x1] =	stream.linear.gather [hbm4b:s5+s3], $0x8000, $0x38;
	[tilespmem:$0x11710] =	vst v63  }
0xf: {  	s0 =	simm.s32 $0x8000  }
0x10: {  	[tilespmem:s0], [sflag:$0x2] =	stream.linear.gather [hbm4b:s6+s3], $0x8000, $0x38;
	[tilespmem:$0x11710] =	vst v63  }
0x11: {  	s31 =	rddreg [dreg:$0x4];
	s4 =	simm.s32 $0x10000  }
0x12: {  	[tilespmem:s4], [sflag:$0x3] =	stream.linear.gather [hbm4b:s31+s3], $0x900, $0x38;
	[tilespmem:$0x11710] =	vst v63  }
0x13: {  	_ =	swait.ge [sflag:s12], $0x900  }
0x14: {  	[sflag:s12] =	ssyncset.done $0x0  }
0x15: {  	[sflag:s12] =	ssyncadd.s32 $0xFFFFF700  }
0x16: {  	[tilespmem:s14+$0x0] =	vst v0  }
0x17: {  	v3 =	vor.u32 s3, v1;
	s20 =	simm.s32 $0x10910;
	[tilespmem:s15+$0x0] =	vst v0  }
0x18: {  	s21 =	simm.s32 $0x10D80;
	s22 =	simm.s32 $0x11200;
	s0 =	simm.s32 $0x10;
	[tilespmem:s18+$0x0] =	vst v3  }
.LBB2_2:
0x19: {  	[tilespmem:s20+$0x0] =	vst v0;
	s21 =	sadd.s32 $0x10, s21;
	p1 =	sne.s32 s0, $0x430  }
.Ltmp0:
0x1a: {  	v3 =	vor.u32 s0, v1;
	s0 =	sadd.s32 $0x10, s0;
	s22 =	sadd.s32 $0x10, s22;
	[tilespmem:s21+$0x0] =	vst v0;
	(pc) =	sbr.rel @p1 .LBB2_2-.Ltmp0, $2  }
0x1b: {  	[tilespmem:s22+$0x0] =	vst v3;
	_ =	sdelay $0x2  }
0x1c: {  	s20 =	sadd.s32 $0x10, s20  }
0x1d: {  	s0 =	simm.s32 @!p0 $0x10900  }
0x1e: {  	[spmem:s1] =	stream.linear.scatter @!p0 [tilespmem:s0], [sflag:$0x3], $0x480, $0x38;
	[tilespmem:$0x11710] =	vst v63  }
0x1f: {  	s0 =	simm.s32 @!p0 $0x3  }
0x20: {  	_ =	swait.ge @!p0 [sflag:s0], $0x480  }
0x21: {  	[sflag:s0] =	ssyncset.done @!p0 $0x0  }
0x22: {  	s20 =	simm.s32 @!p0 $0x10D80;
	[sflag:s0] =	ssyncadd.s32 @!p0 $0xFFFFFB80  }
0x23: {  	[spmem:s2] =	stream.linear.scatter @!p0 [tilespmem:s20], [sflag:$0x3], $0x480, $0x38;
	[tilespmem:$0x11710] =	vst v63  }
0x24: {  	s17 =	simm.s32 $0x0;
	_ =	swait.ge @!p0 [sflag:s0], $0x480  }
0x25: {  	s21 =	sand.u32 $0x70, s17;
	s22 =	sand.u32 $0x700, s17;
	[sflag:s0] =	ssyncset.done @!p0 $0x0  }
0x26: {  	s26 =	sor.u32 s21, s22;
	[sflag:s0] =	ssyncadd.s32 @!p0 $0xFFFFFB80  }
0x27: {  	v3 =	vld [tilespmem:s26+$0x10000]  }
0x28: {  	v4 =	vld [tilespmem:s26+$0x10080];
	_ =	sdelay $0x3  }
0x29: {  	s4 =	simm.s32 $0x20;
	s21 =	simm.s32 $0x10  }
0x2a: {  	s10 =	sand.u32 $0x70, s21;
	s0 =	sand.u32 $0x700, s4;
	v3 =	vadd.f32 v4, v3  }
0x2b: {  	s0 =	sor.u32 s10, s0  }
0x2c: {  	v4 =	vld [tilespmem:s0+$0x10080];
	(xrf2) =	vadd.scan.msk.f32 $0xffff, v3  }
0x2d: {  	v3 =	vld [tilespmem:s0+$0x10000];
	_ =	sdelay $0x4  }
0x2e: {  	v3 =	vadd.f32 v4, v3;
	_ =	sdelay $0x1  }
0x2f: {  	(xrf2) =	vadd.scan.msk.f32 $0xffff, v3;
	_ =	sdelay $0x1  }
0x30: {  	v3, _, _ =	vpop (xrf2)  }
0x31: {  	(xrf0) =	vmax.scan.msk.f32 $0xffff, v3;
	_ =	sdelay $0x5  }
0x32: {  	v4, _, _ =	vpop (xrf0)  }
0x33: {  	(v2sf) =	vpush v4, $0xF;
	v4, _, _ =	vpop (xrf2)  }
0x34: {  	(xrf0) =	vmax.scan.msk.f32 $0xffff, v4  }
0x35: {  	s23 =	simm.s32 $0x20;
	s11 =	simm.s32 $0x40  }
0x36: {  	s29 =	simm.f32 $0.0e+00;
	s24 =	sand.u32 $0x70, s23;
	s0 =	sand.u32 $0x700, s11  }
0x37: {  	s0 =	sor.u32 s24, s0;
	v3 =	vadd.f32 s29, v3  }
0x38: {  	v5 =	vld [tilespmem:s0+$0x10000]  }
0x39: {  	vm0 =	vge.f32 v3, $1.572864000e+06;
	v3 =	vld [tilespmem:s0+$0x10080]  }
0x3a: {  	v9, _, _ =	vpop (xrf0)  }
0x3b: {  	(v2sf) =	vpush v9, $0xF  }
0x3c: {  	s22 =	simm.s32 $0x30;
	s20 =	simm.s32 $0x60  }
0x3d: {  	s25 =	sand.u32 $0x70, s22;
	s24 =	sand.u32 $0x700, s20  }
0x3e: {  	s25 =	sor.u32 s25, s24;
	v3 =	vadd.f32 v3, v5  }
0x3f: {  	v7 =	vld [tilespmem:s25+$0x10000]  }
0x40: {  	v8 =	vld [tilespmem:s25+$0x10080];
	v6 =	vmctz.xlane vm0;
	(xrf2) =	vadd.scan.msk.f32 $0xffff, v3;
	_ =	sdelay $0x1  }
0x41: {  	v6 =	vxor.u32 $0x80000000, v6  }
0x42: {  	(xrf0) =	vmax.scan.msk.u32 $0xffff, v6;
	_ =	sdelay $0x1  }
0x43: {  	v3 =	vadd.f32 v8, v7;
	_ =	sdelay $0x1  }
0x44: {  	s26 =	spop (v2sf)  }
0x45: {  	s26 =	sadd.f32 s26, s29  }
0x46: {  	(xrf2) =	vadd.scan.msk.f32 $0xffff, v3;
	v3, _, _ =	vpop (xrf0)  }
0x47: {  	(v2sf) =	vpush v3, $0xF;
	v3 =	vadd.f32 s26, v4;
	v4, _, _ =	vpop (xrf2);
	s11 =	spop (v2sf)  }
0x48: {  	(xrf0) =	vmax.scan.msk.f32 $0xffff, v4;
	s28 =	sadd.f32 s11, s26;
	_ =	sdelay $0x1  }
0x49: {  	s4 =	simm.s32 $0x80;
	s25 =	simm.s32 $0x40;
	vm14 =	vge.f32 v3, $1.572864000e+06;
	v4 =	vadd.f32 s28, v4  }
0x4a: {  	s10 =	sand.u32 $0x70, s25;
	s0 =	sand.u32 $0x700, s4;
	v3 =	vmctz.xlane vm14  }
0x4b: {  	s0 =	sor.u32 s10, s0  }
0x4c: {  	v5 =	vld [tilespmem:s0+$0x10000];
	v3 =	vxor.u32 $0x80000000, v3  }
0x4d: {  	v6 =	vld [tilespmem:s0+$0x10080];
	vm15 =	vge.f32 v4, $1.572864000e+06;
	v4, _, _ =	vpop (xrf0)  }
0x4e: {  	(xrf0) =	vmax.scan.msk.u32 $0xffff, v3;
	(v2sf) =	vpush v4, $0xF  }
0x4f: {  	v3, _, _ =	vpop (xrf2)  }
0x50: {  	(xrf0) =	vmax.scan.msk.f32 $0xffff, v3;
	_ =	sdelay $0x1  }
0x51: {  	v5 =	vadd.f32 v6, v5;
	_ =	sdelay $0x1  }
0x52: {  	s30 =	simm.s32 $0xA0;
	s24 =	simm.s32 $0x50;
	(xrf2) =	vadd.scan.msk.f32 $0xffff, v5;
	v4, _, _ =	vpop (xrf0)  }
0x53: {  	s31 =	sand.u32 $0x700, s30;
	s20 =	sand.u32 $0x70, s24;
	v6 =	vmctz.xlane vm15;
	(v2sf) =	vpush v4, $0xF  }
0x54: {  	s0 =	sor.u32 s20, s31;
	s10 =	spop (v2sf);
	v7, _, _ =	vpop (xrf0)  }
0x55: {  	p2 =	slt.f32 s29, $1.572864000e+06;
	s31 =	simm.s32 $0x60;
	v5 =	vld [tilespmem:s0+$0x10080];
	s10 =	sadd.s32 $0x0, s10;
	v6 =	vxor.u32 $0x80000000, v6;
	(v2sf) =	vpush v7, $0xF  }
0x56: {  	p1 =	sge.f32 s26, $1.572864000e+06;
	s29 =	smov.u32 s28;
	v4 =	vld [tilespmem:s0+$0x10000];
	(xrf0) =	vmax.scan.msk.u32 $0xffff, v6;
	s0 =	sadd.s32 $0x80000000, s10  }
.LBB2_4:
0x57: {  	p3 =	sne.s32 s31, $0x3F0  }
0x58: {  	s10 =	smov.u32 s17;
	s11 =	smov.u32 s25;
	s25 =	smov.u32 s24  }
0x59: {  	s24 =	smov.u32 s31;
	s31 =	sadd.s32 $0x10, s31;
	s10 =	smov.u32 @p1 s0  }
0x5a: {  	s0 =	smov.u32 s26;
	s26 =	smov.u32 s28;
	s17 =	smov.u32 @p2 s10  }
0x5b: {  	s10 =	spop (v2sf)  }
0x5c: {  	v4 =	vadd.f32 v5, v4;
	v5, _, _ =	vpop (xrf2);
	s28 =	sadd.f32 s10, s28  }
0x5d: {  	(xrf0) =	vmax.scan.msk.f32 $0xffff, v5  }
0x5e: {  	(xrf2) =	vadd.scan.msk.f32 $0xffff, v4;
	v4 =	vadd.f32 s28, v3;
	v6, _, _ =	vpop (xrf0);
	v3 =	vmov v5  }
0x5f: {  	s30 =	sadd.s32 $0x20, s30;
	(v2sf) =	vpush v6, $0xF  }
.Ltmp1:
0x60: {  	s4 =	sand.u32 $0x700, s30;
	s10 =	sand.u32 $0x70, s24;
	vm0 =	vge.f32 v4, $1.572864000e+06;
	(pc) =	sbr.rel @p3 .LBB2_4-.Ltmp1, $4  }
0x61: {  	s4 =	sor.u32 s10, s4;
	v6 =	vmctz.xlane vm0  }
0x62: {  	p1 =	sge.f32 s29, $1.572864000e+06;
	s29 =	smov.u32 s28;
	v4 =	vld [tilespmem:s4+$0x10000];
	s10 =	spop (v2sf)  }
0x63: {  	p2 =	slt.f32 s0, $1.572864000e+06;
	v5 =	vld [tilespmem:s4+$0x10080];
	v7, _, _ =	vpop (xrf0);
	v6 =	vxor.u32 $0x80000000, v6;
	s0 =	sadd.s32 s21, s10;
	s21 =	smov.u32 s23  }
0x64: {  	s23 =	smov.u32 s22;
	s22 =	smov.u32 s11;
	(v2sf) =	vpush v7, $0xF;
	(xrf0) =	vmax.scan.msk.u32 $0xffff, v6;
	s0 =	sadd.s32 $0x80000000, s0  }
0x65: {  	_ =	sdelay $0x2  }
0x66: {  	v6, _, _ =	vpop (xrf2)  }
0x67: {  	(xrf0) =	vmax.scan.msk.f32 $0xffff, v6;
	_ =	sdelay $0x4  }
0x68: {  	v7, _, _ =	vpop (xrf0)  }
0x69: {  	(v2sf) =	vpush v7, $0xF;
	v7, _, _ =	vpop (xrf0)  }
0x6a: {  	(v2sf) =	vpush v7, $0xF;
	_ =	sdelay $0x4  }
0x6b: {  	v4 =	vadd.f32 v5, v4;
	_ =	sdelay $0x1  }
0x6c: {  	(xrf2) =	vadd.scan.msk.f32 $0xffff, v4;
	_ =	sdelay $0x1  }
0x6d: {  	s4 =	spop (v2sf)  }
0x6e: {  	s4 =	sadd.f32 s4, s28;
	_ =	sdelay $0x1  }
0x6f: {  	v3 =	vadd.f32 s4, v3;
	s10 =	spop (v2sf)  }
0x70: {  	s11 =	spop (v2sf)  }
0x71: {  	vm0 =	vge.f32 v3, $1.572864000e+06;
	s11 =	sadd.f32 s11, s4;
	s31 =	spop (v2sf)  }
0x72: {  	v3 =	vmctz.xlane vm0;
	s30 =	spop (v2sf)  }
0x73: {  	v5 =	vadd.f32 s11, v6;
	s30 =	sadd.f32 s30, s11  }
0x74: {  	v3 =	vxor.u32 $0x80000000, v3;
	v4, _, _ =	vpop (xrf2)  }
0x75: {  	(xrf0) =	vmax.scan.msk.u32 $0xffff, v3;
	vm0 =	vge.f32 v5, $1.572864000e+06;
	v3 =	vadd.f32 s30, v4  }
0x76: {  	v5 =	vmctz.xlane vm0  }
0x77: {  	vm0 =	vge.f32 v3, $1.572864000e+06  }
0x78: {  	(xrf0) =	vmax.scan.msk.f32 $0xffff, v4;
	v4 =	vxor.u32 $0x80000000, v5;
	v3 =	vmctz.xlane vm0;
	_ =	sdelay $0x1  }
0x79: {  	(xrf0) =	vmax.scan.msk.u32 $0xffff, v4;
	v3 =	vxor.u32 $0x80000000, v3  }
0x7a: {  	v4, _, _ =	vpop (xrf0);
	(xrf0) =	vmax.scan.msk.u32 $0xffff, v3;
	_ =	sdelay $0x3  }
0x7b: {  	(v2sf) =	vpush v4, $0xF;
	v3, _, _ =	vpop (xrf0)  }
0x7c: {  	(v2sf) =	vpush v3, $0xF;
	v3, _, _ =	vpop (xrf0)  }
0x7d: {  	(v2sf) =	vpush v3, $0xF;
	v3, _, _ =	vpop (xrf0)  }
0x7e: {  	(v2sf) =	vpush v3, $0xF;
	_ =	sdelay $0x3  }
0x7f: {  	s20 =	smov.u32 s17  }
0x80: {  	s20 =	smov.u32 @p1 s0  }
0x81: {  	p1 =	sge.f32 s29, $1.572864000e+06;
	s17 =	smov.u32 @p2 s20;
	s20 =	sadd.s32 s21, s10  }
0x82: {  	p2 =	slt.f32 s26, $1.572864000e+06;
	s10 =	smov.u32 s17;
	s0 =	sadd.s32 $0x80000000, s20  }
0x83: {  	s10 =	smov.u32 @p1 s0  }
0x84: {  	p1 =	sge.f32 s4, $1.572864000e+06;
	s17 =	smov.u32 @p2 s10;
	s21 =	sadd.s32 s23, s31  }
0x85: {  	p2 =	slt.f32 s28, $1.572864000e+06;
	s10 =	smov.u32 s17;
	s0 =	sadd.s32 $0x80000000, s21  }
0x86: {  	s21 =	simm.s32 $0x0;
	s10 =	smov.u32 @p1 s0;
	p1 =	sge.f32 s11, $1.572864000e+06  }
0x87: {  	s17 =	smov.u32 @p2 s10;
	p2 =	slt.f32 s4, $1.572864000e+06;
	s23 =	spop (v2sf)  }
0x88: {  	s4 =	smov.u32 s17;
	s26 =	sadd.s32 s22, s23;
	s28 =	spop (v2sf)  }
0x89: {  	s22 =	simm.s32 $0x0;
	s0 =	sadd.s32 $0x80000000, s26;
	s29 =	spop (v2sf)  }
0x8a: {  	s23 =	simm.s32 $0x0;
	s4 =	smov.u32 @p1 s0;
	s31 =	spop (v2sf)  }
0x8b: {  	s20 =	sand.u32 $0x7000, s22;
	s17 =	smov.u32 @p2 s4;
	[bflag:$0x0] =	sbarrier.arrive $0xFFFF  }
0x8c: {  	p2 =	slt.f32 s11, $1.572864000e+06;
	s11 =	sand.u32 $0xC00, s21;
	_ =	swait.ge [sflag:s13], $0x8000  }
0x8d: {  	s21 =	sand.u32 $0x380, s23;
	s11 =	sor.u32 s11, s20;
	[sflag:s13] =	ssyncset.done $0x0  }
0x8e: {  	s4 =	sadd.s32 s25, s29;
	s25 =	sor.u32 s21, s11;
	[sflag:s13] =	ssyncadd.s32 $0xFFFF8000  }
0x8f: {  	p1 =	sge.f32 s30, $1.572864000e+06;
	v22 =	vld [tilespmem:s25+$0x0]  }
0x90: {  	s22 =	smov.u32 s17;
	s0 =	sadd.f32 s28, s30;
	s4 =	sadd.s32 $0x80000000, s4  }
0x91: {  	s22 =	smov.u32 @p1 s4  }
0x92: {  	p1 =	sge.f32 s0, $1.572864000e+06;
	s17 =	smov.u32 @p2 s22;
	s26 =	sadd.s32 s24, s31  }
0x93: {  	p2 =	slt.f32 s30, $1.572864000e+06;
	s0 =	sadd.s32 $0x80000000, s26;
	s10 =	smov.u32 s17;
	v23 =	vld [tilespmem:s25+$0x10]  }
0x94: {  	v6 =	vimm.s32 $0x0;
	s10 =	smov.u32 @p1 s0;
	vm0 =	vne.s32 v22, $0x0  }
0x95: {  	s17 =	smov.u32 @p2 s10;
	v17 =	vld [tilespmem:s25+$0x20];
	v6 =	vsel vm0, $0xFFFFFFFF, v6  }
0x96: {  	v3 =	vmov s17;
	v5 =	vshra.s32 v22, $0x15;
	vm2 =	veq.s32 v22, $0x0;
	[tilespmem:$0x1FFA0] =	vst v6  }
0x97: {  	v4 =	vimm.f32 $0.0e+00;
	vm1 =	veq.s32 v5, v3;
	v5 =	vsel vm2, $0x3F800000, v0;
	v21 =	vld [tilespmem:s25+$0x30]  }
0x98: {  	vm4 =	veq.s32 v23, $0x0;
	v5 =	vadd.f32 v5, v4;
	v4 =	vshra.s32 v23, $0x15  }
0x99: {  	v6 =	vsel vm4, $0x3F800000, v0;
	vm2 =	veq.s32 v4, v3;
	v4 =	vld [tilespmem:s25+$0x40]  }
0x9a: {  	vm6 =	veq.s32 v17, $0x0;
	v6 =	vadd.f32 v6, v5;
	v5 =	vshra.s32 v17, $0x15  }
0x9b: {  	v7 =	vsel vm6, $0x3F800000, v0;
	vm4 =	veq.s32 v5, v3;
	v5 =	vld [tilespmem:s25+$0x50]  }
0x9c: {  	v7 =	vadd.f32 v7, v6;
	v6 =	vshra.s32 v21, $0x15;
	vm8 =	veq.s32 v21, $0x0  }
0x9d: {  	vm6 =	veq.s32 v6, v3;
	v8 =	vsel vm8, $0x3F800000, v0;
	v6 =	vld [tilespmem:s25+$0x60]  }
0x9e: {  	vm10 =	veq.s32 v4, $0x0;
	v8 =	vadd.f32 v8, v7;
	v7 =	vshra.s32 v4, $0x15  }
0x9f: {  	v9 =	vsel vm10, $0x3F800000, v0;
	vm8 =	veq.s32 v7, v3;
	v7 =	vld [tilespmem:s25+$0x70]  }
0xa0: {  	vm10 =	veq.s32 v5, $0x0;
	v8 =	vadd.f32 v9, v8;
	v9 =	vshra.s32 v5, $0x15  }
0xa1: {  	vm11 =	veq.s32 v9, v3;
	v9 =	vsel vm10, $0x3F800000, v0  }
0xa2: {  	v8 =	vadd.f32 v9, v8;
	v9 =	vshra.s32 v6, $0x15;
	vm10 =	veq.s32 v6, $0x0  }
0xa3: {  	vm13 =	veq.s32 v9, v3;
	v9 =	vsel vm10, $0x3F800000, v0  }
0xa4: {  	v8 =	vadd.f32 v9, v8;
	v9 =	vshra.s32 v7, $0x15;
	vm10 =	veq.s32 v7, $0x0  }
0xa5: {  	vm15 =	veq.s32 v9, v3;
	v9 =	vsel vm10, $0x3F800000, v0  }
0xa6: {  	v16 =	vadd.f32 v9, v8;
	v8 =	vld [tilespmem:$0x1FFA0];
	_ =	sdelay $0x2  }
0xa7: {  	s28 =	simm.s32 $0x80;
	s21 =	simm.s32 $0x400  }
0xa8: {  	s29 =	sand.u32 $0xC00, s21;
	s30 =	simm.s32 $0x20;
	s0 =	sand.u32 $0x7000, s28;
	vm5 =	vne.s32 v17, $0x0  }
0xa9: {  	s10 =	sand.u32 $0x380, s30;
	s0 =	sor.u32 s29, s0;
	vm14 =	vne.s32 v6, $0x0;
	v9 =	vimm.s32 $0x0;
	vm10 =	vnez.u8 v8  }
0xaa: {  	s31 =	sor.u32 s10, s0;
	vm10 =	vmand vm10, vm1;
	vm1 =	vmand vm5, vm4;
	vm4 =	vmand vm14, vm13  }
0xab: {  	v8 =	vld [tilespmem:s31+$0x0];
	v9 =	vsel vm4, $0xFFFFFFFF, v9  }
0xac: {  	v10 =	vshrl.u32 v22, $0xB;
	vm3 =	vne.s32 v23, $0x0;
	[tilespmem:$0x1FFB0] =	vst v9  }
0xad: {  	v24 =	vand.u32 $0x3FF, v10;
	vm3 =	vmand vm3, vm2;
	v9 =	vld [tilespmem:s31+$0x10]  }
0xae: {  	vm7 =	vne.s32 v21, $0x0;
	vm9 =	vne.s32 v4, $0x0;
	v13 =	vshrl.u32 v21, $0xB  }
0xaf: {  	vm2 =	vmand vm7, vm6;
	vm7 =	vmand vm9, vm8;
	vm0 =	vne.s32 v7, $0x0  }
0xb0: {  	v19 =	vshrl.u32 v6, $0xB;
	vm8 =	vmand vm0, vm15;
	vm0 =	veq.s32 v8, $0x0  }
0xb1: {  	v27 =	vand.u32 $0x3FF, v13;
	v13 =	vand.u32 $0x3FF, v19;
	v19 =	vsel vm0, $0x3F800000, v0  }
0xb2: {  	v16 =	vadd.f32 v19, v16;
	v19 =	vshra.s32 v9, $0x15  }
0xb3: {  	v11 =	vshrl.u32 v23, $0xB;
	v10 =	vld [tilespmem:s31+$0x20];
	vm4 =	veq.s32 v19, v3;
	v19 =	vimm.s32 $0x0  }
0xb4: {  	v25 =	vand.u32 $0x3FF, v11;
	v11 =	vshra.s32 v8, $0x15;
	[tilespmem:v24+s14+$0x0] =	vst.idx.add.f32.msk vm10, v2;
	v19 =	vsel vm4, $0xFFFFFFFF, v19  }
0xb5: {  	vm6 =	veq.s32 v11, v3;
	v11 =	vld [tilespmem:s31+$0x30];
	vm4 =	vne.s32 v9, $0x0;
	[tilespmem:$0x1FFC0] =	vst v19;
	v19 =	vimm.s32 $0x0  }
0xb6: {  	vm0 =	veq.s32 v9, $0x0;
	v19 =	vsel vm4, $0xFFFFFFFF, v19  }
0xb7: {  	v12 =	vshrl.u32 v17, $0xB;
	[tilespmem:$0x1FFD0] =	vst v19;
	v19 =	vsel vm0, $0x3F800000, v0  }
0xb8: {  	v26 =	vand.u32 $0x3FF, v12;
	v28 =	vadd.f32 v19, v16;
	v16 =	vshra.s32 v10, $0x15  }
0xb9: {  	v20 =	vshrl.u32 v7, $0xB;
	vm4 =	veq.s32 v16, v3;
	v16 =	vimm.s32 $0x0  }
0xba: {  	v14 =	vshrl.u32 v4, $0xB;
	v12 =	vand.u32 $0x3FF, v20;
	v20 =	vld [tilespmem:s31+$0x40];
	v16 =	vsel vm4, $0xFFFFFFFF, v16  }
0xbb: {  	v18 =	vand.u32 $0x3FF, v14;
	v19 =	vld [tilespmem:s31+$0x50];
	vm4 =	vne.s32 v10, $0x0;
	[tilespmem:$0x1FFE0] =	vst v16;
	v16 =	vimm.s32 $0x0  }
0xbc: {  	vm12 =	vne.s32 v5, $0x0;
	v15 =	vshrl.u32 v5, $0xB;
	v16 =	vsel vm4, $0xFFFFFFFF, v16  }
0xbd: {  	v15 =	vand.u32 $0x3FF, v15;
	vm5 =	vmand vm12, vm11;
	vm9 =	vne.s32 v8, $0x0;
	[tilespmem:$0x1FFF0] =	vst v16  }
0xbe: {  	v14 =	vshrl.u32 v8, $0xB;
	v59 =	vshra.s32 v11, $0x15;
	vm0 =	veq.s32 v10, $0x0;
	v16 =	vld [tilespmem:s31+$0x60]  }
0xbf: {  	vm11 =	vne.s32 v11, $0x0;
	v29 =	vsel vm0, $0x3F800000, v0;
	vm0 =	veq.s32 v11, $0x0;
	[tilespmem:v24+s15+$0x0] =	vst.idx.add.f32.msk vm10, v22  }
0xc0: {  	v60 =	vsel vm0, $0x3F800000, v0;
	v61 =	vshra.s32 v20, $0x15;
	v22 =	vadd.f32 v29, v28;
	[tilespmem:v25+s14+$0x0] =	vst.idx.add.f32.msk vm3, v2  }
0xc1: {  	vm0 =	veq.s32 v20, $0x0;
	vm13 =	vne.s32 v20, $0x0;
	vm10 =	veq.s32 v59, v3;
	[tilespmem:v26+s14+$0x0] =	vst.idx.add.f32.msk vm1, v2  }
0xc2: {  	vm15 =	vne.s32 v19, $0x0;
	vm12 =	veq.s32 v61, v3;
	[tilespmem:v25+s15+$0x0] =	vst.idx.add.f32.msk vm3, v23;
	v22 =	vadd.f32 v60, v22  }
0xc3: {  	v23 =	vsel vm0, $0x3F800000, v0;
	vm0 =	veq.s32 v19, $0x0;
	[tilespmem:v26+s15+$0x0] =	vst.idx.add.f32.msk vm1, v17;
	v17 =	vshra.s32 v19, $0x15  }
0xc4: {  	[tilespmem:v27+s14+$0x0] =	vst.idx.add.f32.msk vm2, v2;
	v62 =	vsel vm0, $0x3F800000, v0;
	vm14 =	veq.s32 v17, v3;
	v23 =	vadd.f32 v23, v22  }
0xc5: {  	[tilespmem:v27+s15+$0x0] =	vst.idx.add.f32.msk vm2, v21;
	vm0 =	veq.s32 v16, $0x0;
	v63 =	vshra.s32 v16, $0x15;
	vm4 =	vne.s32 v16, $0x0  }
0xc6: {  	s22 =	simm.s32 $0x8;
	v17 =	vld [tilespmem:s31+$0x70];
	v22 =	vsel vm0, $0x3F800000, v0;
	v21 =	vadd.f32 v62, v23;
	vm3 =	veq.s32 v63, v3  }
.LBB2_6:
0xc7: {  	[tilespmem:v15+s14+$0x0] =	vst.idx.add.f32.msk vm5, v2  }
0xc8: {  	[tilespmem:v15+s15+$0x0] =	vst.idx.add.f32.msk vm5, v5  }
0xc9: {  	v15 =	vld [tilespmem:$0x1FFB0];
	_ =	sdelay $0x2  }
0xca: {  	[tilespmem:v18+s14+$0x0] =	vst.idx.add.f32.msk vm7, v2  }
0xcb: {  	vm1 =	vmmov vm6;
	[tilespmem:v18+s15+$0x0] =	vst.idx.add.f32.msk vm7, v4  }
0xcc: {  	vm7 =	vmand vm9, vm1;
	vm9 =	vnez.u8 v15;
	v15 =	vld [tilespmem:$0x1FFC0];
	_ =	sdelay $0x3  }
0xcd: {  	v21 =	vadd.f32 v22, v21;
	v22 =	vshra.s32 v17, $0x15;
	vm0 =	veq.s32 v17, $0x0  }
0xce: {  	vm2 =	veq.s32 v22, v3;
	v22 =	vsel vm0, $0x3F800000, v0;
	vm0 =	vnez.u8 v15;
	v15 =	vld [tilespmem:$0x1FFD0];
	_ =	sdelay $0x4  }
0xcf: {  	vm1 =	vnez.u8 v15;
	v15 =	vld [tilespmem:$0x1FFE0];
	_ =	sdelay $0x3  }
0xd0: {  	s22 =	sadd.s32 $0x8, s22  }
0xd1: {  	vm6 =	vmmov vm8;
	s21 =	sadd.s32 $0x400, s21;
	s0 =	sshll.u32 s22, $0x4;
	vm1 =	vmand vm1, vm0;
	vm0 =	vnez.u8 v15;
	v15 =	vld [tilespmem:$0x1FFF0]  }
0xd2: {  	s4 =	sand.u32 $0xC00, s21;
	s10 =	sshll.u32 s22, $0x2;
	s0 =	sand.u32 $0x7000, s0  }
0xd3: {  	s10 =	sand.u32 $0x380, s10;
	s0 =	sor.u32 s4, s0  }
0xd4: {  	v24 =	vshrl.u32 v19, $0xB;
	vm3 =	vmand vm4, vm3;
	s23 =	sor.u32 s10, s0  }
0xd5: {  	v4 =	vmovc v20;
	v18 =	vshrl.u32 v9, $0xB;
	v20 =	vshrl.u32 v10, $0xB;
	v5 =	vmovc v19;
	v19 =	vshrl.u32 v16, $0xB;
	v26 =	vld [tilespmem:s23+$0x0]  }
0xd6: {  	v23 =	vshrl.u32 v4, $0xB;
	v27 =	vld [tilespmem:s23+$0x10];
	vm5 =	vnez.u8 v15;
	v15 =	vimm.s32 $0x0  }
0xd7: {  	[tilespmem:v12+s14+$0x0] =	vst.idx.add.f32.msk vm6, v2;
	vm5 =	vmand vm5, vm0;
	vm0 =	vmand vm11, vm10;
	vm11 =	vmand vm15, vm14  }
0xd8: {  	v28 =	vand.u32 $0x3FF, v18;
	v29 =	vand.u32 $0x3FF, v20;
	[tilespmem:v13+s14+$0x0] =	vst.idx.add.f32.msk vm9, v2;
	v15 =	vsel vm11, $0xFFFFFFFF, v15  }
0xd9: {  	v18 =	vand.u32 $0x3FF, v23;
	vm8 =	vne.s32 v17, $0x0;
	[tilespmem:$0x1FF90] =	vst v15;
	v15 =	vimm.s32 $0x0  }
0xda: {  	v25 =	vshrl.u32 v17, $0xB;
	v21 =	vadd.f32 v22, v21;
	[tilespmem:v13+s15+$0x0] =	vst.idx.add.f32.msk vm9, v6;
	v13 =	vsel vm3, $0xFFFFFFFF, v15  }
0xdb: {  	v6 =	vmovc v16;
	v16 =	vand.u32 $0x3FF, v14;
	[tilespmem:$0x1FFB0] =	vst v13;
	v13 =	vand.u32 $0x3FF, v19;
	v19 =	vshra.s32 v26, $0x15  }
0xdc: {  	v22 =	vshrl.u32 v11, $0xB;
	[tilespmem:v12+s15+$0x0] =	vst.idx.add.f32.msk vm6, v7;
	vm6 =	veq.s32 v19, v3;
	v19 =	vshra.s32 v27, $0x15  }
0xdd: {  	v30 =	vand.u32 $0x3FF, v22;
	v22 =	vld [tilespmem:s23+$0x20];
	vm3 =	veq.s32 v19, v3;
	v19 =	vimm.s32 $0x0  }
0xde: {  	vm8 =	vmand vm8, vm2;
	vm2 =	veq.s32 v26, $0x0;
	v19 =	vsel vm3, $0xFFFFFFFF, v19  }
0xdf: {  	v23 =	vld [tilespmem:s23+$0x30];
	v7 =	vmovc v17;
	v17 =	vsel vm2, $0x3F800000, v0;
	vm3 =	vne.s32 v27, $0x0;
	[tilespmem:$0x1FFC0] =	vst v19;
	v19 =	vimm.s32 $0x0  }
0xe0: {  	vm2 =	veq.s32 v27, $0x0;
	v17 =	vadd.f32 v17, v21;
	[tilespmem:v16+s14+$0x0] =	vst.idx.add.f32.msk vm7, v2;
	v19 =	vsel vm3, $0xFFFFFFFF, v19  }
0xe1: {  	v20 =	vld [tilespmem:s23+$0x40];
	[tilespmem:$0x1FFD0] =	vst v19;
	v19 =	vsel vm2, $0x3F800000, v0  }
0xe2: {  	[tilespmem:v16+s15+$0x0] =	vst.idx.add.f32.msk vm7, v8;
	v17 =	vadd.f32 v19, v17;
	v19 =	vshra.s32 v22, $0x15  }
0xe3: {  	v14 =	vand.u32 $0x3FF, v25;
	v16 =	vimm.s32 $0x0;
	[tilespmem:v29+s14+$0x0] =	vst.idx.add.f32.msk vm5, v2;
	vm3 =	veq.s32 v19, v3  }
0xe4: {  	vm9 =	vne.s32 v26, $0x0;
	v12 =	vmovc v14;
	v14 =	vshrl.u32 v26, $0xB;
	[tilespmem:v29+s15+$0x0] =	vst.idx.add.f32.msk vm5, v10;
	v16 =	vsel vm3, $0xFFFFFFFF, v16  }
0xe5: {  	vm10 =	vmand vm13, vm12;
	v10 =	vld [tilespmem:$0x1FF90];
	vm3 =	vne.s32 v22, $0x0;
	[tilespmem:$0x1FFE0] =	vst v16;
	v16 =	vimm.s32 $0x0  }
0xe6: {  	vm13 =	vne.s32 v20, $0x0;
	vm2 =	veq.s32 v22, $0x0;
	v19 =	vld [tilespmem:s23+$0x50];
	v16 =	vsel vm3, $0xFFFFFFFF, v16  }
0xe7: {  	vm7 =	vmmov vm10;
	vm11 =	vne.s32 v23, $0x0;
	[tilespmem:$0x1FFF0] =	vst v16;
	v16 =	vsel vm2, $0x3F800000, v0  }
0xe8: {  	vm2 =	veq.s32 v23, $0x0;
	v17 =	vadd.f32 v16, v17;
	v16 =	vshra.s32 v23, $0x15  }
0xe9: {  	v15 =	vand.u32 $0x3FF, v24;
	v21 =	vsel vm2, $0x3F800000, v0;
	vm10 =	veq.s32 v16, v3;
	v16 =	vld [tilespmem:s23+$0x60]  }
0xea: {  	p1 =	slt.u32 s22, $0x7F8;
	[tilespmem:v28+s14+$0x0] =	vst.idx.add.f32.msk vm1, v2;
	vm5 =	vnez.u8 v10;
	vm2 =	veq.s32 v20, $0x0;
	v21 =	vadd.f32 v21, v17  }
.Ltmp2:
0xeb: {  	[tilespmem:v28+s15+$0x0] =	vst.idx.add.f32.msk vm1, v9;
	v62 =	vshra.s32 v19, $0x15;
	vm1 =	veq.s32 v19, $0x0;
	v61 =	vsel vm2, $0x3F800000, v0;
	(pc) =	sbr.rel @p1 .LBB2_6-.Ltmp2, $4  }
0xec: {  	v8 =	vmovc v26;
	vm15 =	vne.s32 v19, $0x0;
	v17 =	vshra.s32 v20, $0x15;
	v21 =	vadd.f32 v61, v21  }
0xed: {  	[tilespmem:v30+s14+$0x0] =	vst.idx.add.f32.msk vm0, v2;
	vm14 =	veq.s32 v62, v3;
	v63 =	vsel vm1, $0x3F800000, v0;
	vm12 =	veq.s32 v17, v3  }
0xee: {  	[tilespmem:v30+s15+$0x0] =	vst.idx.add.f32.msk vm0, v11;
	v10 =	vmovc v22;
	v21 =	vadd.f32 v63, v21;
	v22 =	vshra.s32 v16, $0x15;
	vm1 =	veq.s32 v16, $0x0  }
0xef: {  	v9 =	vmovc v27;
	v11 =	vmovc v23;
	v17 =	vld [tilespmem:s23+$0x70];
	vm4 =	vne.s32 v16, $0x0;
	vm3 =	veq.s32 v22, v3;
	v22 =	vsel vm1, $0x3F800000, v0  }
0xf0: {  	_ =	sdelay $0x4  }
0xf1: {  	[tilespmem:v18+s14+$0x0] =	vst.idx.add.f32.msk vm7, v2  }
0xf2: {  	[tilespmem:v15+s14+$0x0] =	vst.idx.add.f32.msk vm5, v2  }
0xf3: {  	[tilespmem:v18+s15+$0x0] =	vst.idx.add.f32.msk vm7, v4  }
0xf4: {  	[tilespmem:v15+s15+$0x0] =	vst.idx.add.f32.msk vm5, v5  }
0xf5: {  	v4 =	vand.u32 $0x3FF, v14;
	v14 =	vld [tilespmem:$0x1FFB0];
	_ =	sdelay $0x4  }
0xf6: {  	vm5 =	vnez.u8 v14;
	_ =	sdelay $0x5  }
0xf7: {  	[tilespmem:v13+s14+$0x0] =	vst.idx.add.f32.msk vm5, v2  }
0xf8: {  	v14 =	vld [tilespmem:$0x1FFC0];
	_ =	sdelay $0x4  }
0xf9: {  	vm2 =	vnez.u8 v14;
	v14 =	vld [tilespmem:$0x1FFD0]  }
0xfa: {  	[tilespmem:v13+s15+$0x0] =	vst.idx.add.f32.msk vm5, v6  }
0xfb: {  	v13 =	vld [tilespmem:$0x1FFE0];
	_ =	sdelay $0x4  }
0xfc: {  	vm5 =	vnez.u8 v13;
	v13 =	vld [tilespmem:$0x1FFF0]  }
0xfd: {  	vm1 =	vmand vm9, vm6  }
0xfe: {  	vm6 =	vnez.u8 v14  }
0xff: {  	v5 =	vshrl.u32 v9, $0xB;
	vm2 =	vmand vm6, vm2  }
0x100: {  	vm0 =	vmmov vm8;
	v5 =	vand.u32 $0x3FF, v5;
	[tilespmem:v12+s14+$0x0] =	vst.idx.add.f32.msk vm8, v2  }
0x101: {  	vm0 =	vmand vm11, vm10;
	[tilespmem:v12+s15+$0x0] =	vst.idx.add.f32.msk vm8, v7;
	v7 =	vshrl.u32 v11, $0xB;
	vm6 =	vnez.u8 v13  }
0x102: {  	v6 =	vshrl.u32 v10, $0xB;
	v7 =	vand.u32 $0x3FF, v7;
	vm5 =	vmand vm6, vm5  }
0x103: {  	v6 =	vand.u32 $0x3FF, v6;
	[tilespmem:v4+s14+$0x0] =	vst.idx.add.f32.msk vm1, v2  }
0x104: {  	[tilespmem:v4+s15+$0x0] =	vst.idx.add.f32.msk vm1, v8;
	v4 =	vshrl.u32 v20, $0xB;
	vm1 =	vmand vm13, vm12  }
0x105: {  	v4 =	vand.u32 $0x3FF, v4;
	[tilespmem:v5+s14+$0x0] =	vst.idx.add.f32.msk vm2, v2  }
0x106: {  	[tilespmem:v5+s15+$0x0] =	vst.idx.add.f32.msk vm2, v9  }
0x107: {  	v8 =	vshrl.u32 v19, $0xB;
	v5 =	vshra.s32 v17, $0x15;
	vm2 =	vmand vm15, vm14;
	[tilespmem:v7+s14+$0x0] =	vst.idx.add.f32.msk vm0, v2  }
0x108: {  	vm6 =	veq.s32 v5, v3;
	v5 =	vand.u32 $0x3FF, v8;
	[tilespmem:v6+s14+$0x0] =	vst.idx.add.f32.msk vm5, v2  }
0x109: {  	vm3 =	vmand vm4, vm3;
	[tilespmem:v6+s15+$0x0] =	vst.idx.add.f32.msk vm5, v10;
	v6 =	vshrl.u32 v16, $0xB  }
0x10a: {  	[tilespmem:v4+s14+$0x0] =	vst.idx.add.f32.msk vm1, v2;
	vm5 =	vne.s32 v17, $0x0;
	v6 =	vand.u32 $0x3FF, v6  }
0x10b: {  	[tilespmem:v7+s15+$0x0] =	vst.idx.add.f32.msk vm0, v11;
	v7 =	vshrl.u32 v17, $0xB;
	vm4 =	vmand vm5, vm6  }
0x10c: {  	[tilespmem:v4+s15+$0x0] =	vst.idx.add.f32.msk vm1, v20;
	v7 =	vand.u32 $0x3FF, v7  }
0x10d: {  	[tilespmem:v5+s14+$0x0] =	vst.idx.add.f32.msk vm2, v2  }
0x10e: {  	[tilespmem:v5+s15+$0x0] =	vst.idx.add.f32.msk vm2, v19  }
0x10f: {  	[tilespmem:v6+s14+$0x0] =	vst.idx.add.f32.msk vm3, v2  }
0x110: {  	[tilespmem:v6+s15+$0x0] =	vst.idx.add.f32.msk vm3, v16  }
0x111: {  	[tilespmem:v7+s14+$0x0] =	vst.idx.add.f32.msk vm4, v2  }
0x112: {  	s0 =	simm.s32 $0x40000;
	s4 =	simm.s32 $0x8000;
	s10 =	simm.s32 $0x2000;
	[tilespmem:v7+s15+$0x0] =	vst.idx.add.f32.msk vm4, v17  }
0x113: {  	s4 =	sand.u32 $0xF000, s4;
	s0 =	sand.u32 $0xC00, s0;
	_ =	swait.ge [sflag:s16], $0x8000  }
0x114: {  	s10 =	sand.u32 $0x380, s10;
	s0 =	sor.u32 s0, s4;
	[sflag:s16] =	ssyncset.done $0x0  }
0x115: {  	s0 =	sor.u32 s10, s0;
	[sflag:s16] =	ssyncadd.s32 $0xFFFF8000  }
0x116: {  	v23 =	vld [tilespmem:s0+$0x0];
	_ =	sdelay $0x2  }
0x117: {  	vm0 =	vmmov vm4  }
0x118: {  	v4 =	vadd.f32 v22, v21;
	vm0 =	veq.s32 v17, $0x0;
	v22 =	vld [tilespmem:s0+$0x10]  }
0x119: {  	v5 =	vsel vm0, $0x3F800000, v0;
	v6 =	vimm.s32 $0x0;
	vm0 =	vne.s32 v23, $0x0  }
0x11a: {  	v20 =	vld [tilespmem:s0+$0x20];
	v6 =	vsel vm0, $0xFFFFFFFF, v6  }
0x11b: {  	v4 =	vadd.f32 v5, v4;
	v5 =	vshra.s32 v23, $0x15;
	vm2 =	veq.s32 v23, $0x0;
	[tilespmem:$0x1FF30] =	vst v6  }
0x11c: {  	vm1 =	veq.s32 v5, v3;
	v5 =	vsel vm2, $0x3F800000, v0;
	v21 =	vld [tilespmem:s0+$0x30]  }
0x11d: {  	vm4 =	veq.s32 v22, $0x0;
	v5 =	vadd.f32 v5, v4;
	v4 =	vshra.s32 v22, $0x15  }
0x11e: {  	v6 =	vsel vm4, $0x3F800000, v0;
	vm2 =	veq.s32 v4, v3;
	v4 =	vld [tilespmem:s0+$0x40]  }
0x11f: {  	vm6 =	veq.s32 v20, $0x0;
	v6 =	vadd.f32 v6, v5;
	v5 =	vshra.s32 v20, $0x15  }
0x120: {  	v7 =	vsel vm6, $0x3F800000, v0;
	vm4 =	veq.s32 v5, v3;
	v5 =	vld [tilespmem:s0+$0x50]  }
0x121: {  	v7 =	vadd.f32 v7, v6;
	v6 =	vshra.s32 v21, $0x15;
	vm8 =	veq.s32 v21, $0x0  }
0x122: {  	vm6 =	veq.s32 v6, v3;
	v8 =	vsel vm8, $0x3F800000, v0;
	v6 =	vld [tilespmem:s0+$0x60]  }
0x123: {  	vm10 =	veq.s32 v4, $0x0;
	v8 =	vadd.f32 v8, v7;
	v7 =	vshra.s32 v4, $0x15  }
0x124: {  	v10 =	vsel vm10, $0x3F800000, v0;
	vm8 =	veq.s32 v7, v3;
	v7 =	vld [tilespmem:s0+$0x70]  }
0x125: {  	vm10 =	veq.s32 v5, $0x0;
	v8 =	vadd.f32 v10, v8;
	v10 =	vshra.s32 v5, $0x15  }
0x126: {  	vm11 =	veq.s32 v10, v3;
	v10 =	vsel vm10, $0x3F800000, v0  }
0x127: {  	v8 =	vadd.f32 v10, v8;
	v10 =	vshra.s32 v6, $0x15;
	vm10 =	veq.s32 v6, $0x0  }
0x128: {  	vm13 =	veq.s32 v10, v3;
	v10 =	vsel vm10, $0x3F800000, v0  }
0x129: {  	v8 =	vadd.f32 v10, v8;
	v10 =	vshra.s32 v7, $0x15;
	vm10 =	veq.s32 v7, $0x0  }
0x12a: {  	vm15 =	veq.s32 v10, v3;
	v10 =	vsel vm10, $0x3F800000, v0  }
0x12b: {  	v16 =	vadd.f32 v10, v8;
	v8 =	vld [tilespmem:$0x1FF30];
	_ =	sdelay $0x2  }
0x12c: {  	s29 =	simm.s32 $0x8080;
	s21 =	simm.s32 $0x40400  }
0x12d: {  	s31 =	simm.s32 $0x2020;
	s30 =	sand.u32 $0xC00, s21;
	vm5 =	vne.s32 v20, $0x0;
	s0 =	sand.u32 $0xF000, s29  }
0x12e: {  	s10 =	sand.u32 $0x380, s31;
	s0 =	sor.u32 s30, s0;
	vm14 =	vne.s32 v6, $0x0;
	vm10 =	vnez.u8 v8;
	v8 =	vimm.s32 $0x0  }
0x12f: {  	s23 =	sor.u32 s10, s0;
	vm10 =	vmand vm10, vm1;
	vm1 =	vmand vm5, vm4;
	vm4 =	vmand vm14, vm13  }
0x130: {  	v11 =	vld [tilespmem:s23+$0x0];
	v8 =	vsel vm4, $0xFFFFFFFF, v8  }
0x131: {  	v9 =	vshrl.u32 v23, $0xB;
	[tilespmem:$0x1FF40] =	vst v8  }
0x132: {  	vm3 =	vne.s32 v22, $0x0;
	v13 =	vshrl.u32 v20, $0xB;
	v24 =	vand.u32 $0x3FF, v9;
	v8 =	vld [tilespmem:s23+$0x10]  }
0x133: {  	vm3 =	vmand vm3, vm2;
	vm7 =	vne.s32 v21, $0x0;
	vm9 =	vne.s32 v4, $0x0  }
0x134: {  	vm2 =	vmand vm7, vm6;
	vm7 =	vmand vm9, vm8;
	vm0 =	vne.s32 v7, $0x0  }
0x135: {  	v17 =	vshrl.u32 v6, $0xB;
	vm8 =	vmand vm0, vm15;
	vm0 =	veq.s32 v11, $0x0  }
0x136: {  	v26 =	vand.u32 $0x3FF, v13;
	v13 =	vand.u32 $0x3FF, v17;
	v17 =	vsel vm0, $0x3F800000, v0  }
0x137: {  	v16 =	vadd.f32 v17, v16;
	v17 =	vshra.s32 v8, $0x15  }
0x138: {  	v10 =	vshrl.u32 v21, $0xB;
	v9 =	vld [tilespmem:s23+$0x20];
	vm4 =	veq.s32 v17, v3;
	v17 =	vimm.s32 $0x0  }
0x139: {  	v27 =	vand.u32 $0x3FF, v10;
	v10 =	vshra.s32 v11, $0x15;
	[tilespmem:v24+s14+$0x0] =	vst.idx.add.f32.msk vm10, v2;
	v17 =	vsel vm4, $0xFFFFFFFF, v17  }
0x13a: {  	vm6 =	veq.s32 v10, v3;
	v10 =	vld [tilespmem:s23+$0x30];
	vm4 =	vne.s32 v8, $0x0;
	[tilespmem:$0x1FF50] =	vst v17;
	v17 =	vimm.s32 $0x0  }
0x13b: {  	vm0 =	veq.s32 v8, $0x0;
	v17 =	vsel vm4, $0xFFFFFFFF, v17  }
0x13c: {  	v12 =	vshrl.u32 v22, $0xB;
	[tilespmem:$0x1FF60] =	vst v17;
	v17 =	vsel vm0, $0x3F800000, v0  }
0x13d: {  	v25 =	vand.u32 $0x3FF, v12;
	v28 =	vadd.f32 v17, v16;
	v16 =	vshra.s32 v9, $0x15  }
0x13e: {  	v18 =	vshrl.u32 v7, $0xB;
	vm4 =	veq.s32 v16, v3;
	v16 =	vimm.s32 $0x0  }
0x13f: {  	v14 =	vshrl.u32 v4, $0xB;
	v12 =	vand.u32 $0x3FF, v18;
	v18 =	vld [tilespmem:s23+$0x40];
	v16 =	vsel vm4, $0xFFFFFFFF, v16  }
0x140: {  	v19 =	vand.u32 $0x3FF, v14;
	v17 =	vld [tilespmem:s23+$0x50];
	vm4 =	vne.s32 v9, $0x0;
	[tilespmem:$0x1FF70] =	vst v16;
	v16 =	vimm.s32 $0x0  }
0x141: {  	vm12 =	vne.s32 v5, $0x0;
	v15 =	vshrl.u32 v5, $0xB;
	v16 =	vsel vm4, $0xFFFFFFFF, v16  }
0x142: {  	v15 =	vand.u32 $0x3FF, v15;
	vm9 =	vne.s32 v11, $0x0;
	v14 =	vshrl.u32 v11, $0xB;
	[tilespmem:$0x1FF80] =	vst v16  }
0x143: {  	vm5 =	vmand vm12, vm11;
	v59 =	vshra.s32 v10, $0x15;
	vm0 =	veq.s32 v9, $0x0;
	v16 =	vld [tilespmem:s23+$0x60]  }
0x144: {  	vm11 =	vne.s32 v10, $0x0;
	v29 =	vsel vm0, $0x3F800000, v0;
	vm0 =	veq.s32 v10, $0x0;
	[tilespmem:v24+s15+$0x0] =	vst.idx.add.f32.msk vm10, v23  }
0x145: {  	v60 =	vsel vm0, $0x3F800000, v0;
	v61 =	vshra.s32 v18, $0x15;
	v23 =	vadd.f32 v29, v28;
	[tilespmem:v25+s14+$0x0] =	vst.idx.add.f32.msk vm3, v2  }
0x146: {  	vm0 =	veq.s32 v18, $0x0;
	vm13 =	vne.s32 v18, $0x0;
	vm10 =	veq.s32 v59, v3;
	[tilespmem:v26+s14+$0x0] =	vst.idx.add.f32.msk vm1, v2  }
0x147: {  	vm15 =	vne.s32 v17, $0x0;
	vm12 =	veq.s32 v61, v3;
	[tilespmem:v25+s15+$0x0] =	vst.idx.add.f32.msk vm3, v22;
	v23 =	vadd.f32 v60, v23  }
0x148: {  	v22 =	vsel vm0, $0x3F800000, v0;
	vm0 =	veq.s32 v17, $0x0;
	[tilespmem:v26+s15+$0x0] =	vst.idx.add.f32.msk vm1, v20;
	v20 =	vshra.s32 v17, $0x15  }
0x149: {  	[tilespmem:v27+s14+$0x0] =	vst.idx.add.f32.msk vm2, v2;
	v62 =	vsel vm0, $0x3F800000, v0;
	vm14 =	veq.s32 v20, v3;
	v23 =	vadd.f32 v22, v23  }
0x14a: {  	[tilespmem:v27+s15+$0x0] =	vst.idx.add.f32.msk vm2, v21;
	vm0 =	veq.s32 v16, $0x0;
	v63 =	vshra.s32 v16, $0x15;
	vm4 =	vne.s32 v16, $0x0  }
0x14b: {  	s22 =	simm.s32 $0x808;
	v20 =	vld [tilespmem:s23+$0x70];
	v22 =	vsel vm0, $0x3F800000, v0;
	v21 =	vadd.f32 v62, v23;
	vm3 =	veq.s32 v63, v3  }
.LBB2_8:
0x14c: {  	[tilespmem:v15+s14+$0x0] =	vst.idx.add.f32.msk vm5, v2  }
0x14d: {  	[tilespmem:v15+s15+$0x0] =	vst.idx.add.f32.msk vm5, v5  }
0x14e: {  	v15 =	vld [tilespmem:$0x1FF40];
	_ =	sdelay $0x2  }
0x14f: {  	[tilespmem:v19+s14+$0x0] =	vst.idx.add.f32.msk vm7, v2  }
0x150: {  	vm1 =	vmmov vm6;
	[tilespmem:v19+s15+$0x0] =	vst.idx.add.f32.msk vm7, v4  }
0x151: {  	vm7 =	vmand vm9, vm1;
	vm9 =	vnez.u8 v15;
	v15 =	vld [tilespmem:$0x1FF50];
	_ =	sdelay $0x3  }
0x152: {  	v21 =	vadd.f32 v22, v21;
	v22 =	vshra.s32 v20, $0x15;
	vm0 =	veq.s32 v20, $0x0  }
0x153: {  	vm2 =	veq.s32 v22, v3;
	v22 =	vsel vm0, $0x3F800000, v0;
	vm0 =	vnez.u8 v15;
	v15 =	vld [tilespmem:$0x1FF60];
	_ =	sdelay $0x4  }
0x154: {  	vm1 =	vnez.u8 v15;
	v15 =	vld [tilespmem:$0x1FF70];
	_ =	sdelay $0x1  }
0x155: {  	s22 =	sadd.s32 $0x8, s22  }
0x156: {  	s21 =	sadd.s32 $0x400, s21;
	s0 =	sshll.u32 s22, $0x4  }
0x157: {  	s4 =	sand.u32 $0xC00, s21;
	s10 =	sshll.u32 s22, $0x2;
	s0 =	sand.u32 $0xF000, s0  }
0x158: {  	s10 =	sand.u32 $0x380, s10;
	s0 =	sor.u32 s4, s0;
	vm1 =	vmand vm1, vm0;
	vm0 =	vnez.u8 v15;
	v15 =	vld [tilespmem:$0x1FF80]  }
0x159: {  	vm6 =	vmmov vm8;
	v24 =	vshrl.u32 v17, $0xB;
	vm3 =	vmand vm4, vm3;
	s23 =	sor.u32 s10, s0  }
0x15a: {  	v4 =	vmovc v18;
	v18 =	vshrl.u32 v8, $0xB;
	v19 =	vshrl.u32 v9, $0xB;
	v5 =	vmovc v17;
	v17 =	vshrl.u32 v16, $0xB;
	v26 =	vld [tilespmem:s23+$0x0]  }
0x15b: {  	v23 =	vshrl.u32 v4, $0xB;
	v28 =	vand.u32 $0x3FF, v18;
	v29 =	vand.u32 $0x3FF, v19;
	v27 =	vld [tilespmem:s23+$0x10]  }
0x15c: {  	v19 =	vand.u32 $0x3FF, v23;
	vm8 =	vne.s32 v20, $0x0;
	v25 =	vshrl.u32 v20, $0xB;
	[tilespmem:v13+s14+$0x0] =	vst.idx.add.f32.msk vm9, v2  }
0x15d: {  	[tilespmem:v13+s15+$0x0] =	vst.idx.add.f32.msk vm9, v6;
	v6 =	vmovc v16;
	v16 =	vand.u32 $0x3FF, v14;
	vm5 =	vnez.u8 v15;
	v15 =	vimm.s32 $0x0  }
0x15e: {  	vm5 =	vmand vm5, vm0;
	vm0 =	vmand vm11, vm10;
	vm11 =	vmand vm15, vm14  }
0x15f: {  	v21 =	vadd.f32 v22, v21;
	v22 =	vshrl.u32 v10, $0xB;
	[tilespmem:v12+s14+$0x0] =	vst.idx.add.f32.msk vm6, v2;
	v15 =	vsel vm11, $0xFFFFFFFF, v15  }
0x160: {  	vm8 =	vmand vm8, vm2;
	v30 =	vand.u32 $0x3FF, v22;
	v22 =	vld [tilespmem:s23+$0x20];
	[tilespmem:$0x1FF20] =	vst v15;
	v15 =	vimm.s32 $0x0  }
0x161: {  	[tilespmem:v12+s15+$0x0] =	vst.idx.add.f32.msk vm6, v7;
	vm2 =	veq.s32 v26, $0x0;
	v18 =	vshra.s32 v27, $0x15;
	v13 =	vsel vm3, $0xFFFFFFFF, v15  }
0x162: {  	vm3 =	veq.s32 v18, v3;
	[tilespmem:$0x1FF40] =	vst v13;
	v13 =	vand.u32 $0x3FF, v17;
	v17 =	vshra.s32 v26, $0x15  }
0x163: {  	[tilespmem:v16+s14+$0x0] =	vst.idx.add.f32.msk vm7, v2;
	v18 =	vimm.s32 $0x0;
	vm6 =	veq.s32 v17, v3;
	v17 =	vsel vm2, $0x3F800000, v0  }
0x164: {  	[tilespmem:v16+s15+$0x0] =	vst.idx.add.f32.msk vm7, v11;
	v18 =	vsel vm3, $0xFFFFFFFF, v18;
	vm2 =	veq.s32 v27, $0x0;
	v17 =	vadd.f32 v17, v21  }
0x165: {  	v23 =	vld [tilespmem:s23+$0x30];
	v7 =	vmovc v20;
	vm3 =	vne.s32 v27, $0x0;
	[tilespmem:$0x1FF50] =	vst v18;
	v18 =	vimm.s32 $0x0;
	v20 =	vsel vm2, $0x3F800000, v0  }
0x166: {  	v18 =	vsel vm3, $0xFFFFFFFF, v18;
	[tilespmem:v29+s14+$0x0] =	vst.idx.add.f32.msk vm5, v2;
	v20 =	vadd.f32 v20, v17;
	v17 =	vshra.s32 v22, $0x15  }
0x167: {  	v14 =	vand.u32 $0x3FF, v25;
	v16 =	vimm.s32 $0x0;
	[tilespmem:$0x1FF60] =	vst v18;
	v18 =	vld [tilespmem:s23+$0x40];
	vm3 =	veq.s32 v17, v3  }
0x168: {  	vm9 =	vne.s32 v26, $0x0;
	v12 =	vmovc v14;
	v14 =	vshrl.u32 v26, $0xB;
	[tilespmem:v29+s15+$0x0] =	vst.idx.add.f32.msk vm5, v9;
	v16 =	vsel vm3, $0xFFFFFFFF, v16  }
0x169: {  	vm10 =	vmand vm13, vm12;
	v9 =	vld [tilespmem:$0x1FF20];
	vm3 =	vne.s32 v22, $0x0;
	[tilespmem:$0x1FF70] =	vst v16;
	v16 =	vimm.s32 $0x0  }
0x16a: {  	vm7 =	vmmov vm10;
	vm2 =	veq.s32 v22, $0x0;
	v17 =	vld [tilespmem:s23+$0x50];
	v16 =	vsel vm3, $0xFFFFFFFF, v16  }
0x16b: {  	vm11 =	vne.s32 v23, $0x0;
	v15 =	vand.u32 $0x3FF, v24;
	[tilespmem:$0x1FF80] =	vst v16;
	v16 =	vsel vm2, $0x3F800000, v0  }
0x16c: {  	vm2 =	veq.s32 v23, $0x0;
	v20 =	vadd.f32 v16, v20;
	v16 =	vshra.s32 v23, $0x15  }
0x16d: {  	vm13 =	vne.s32 v18, $0x0;
	v21 =	vsel vm2, $0x3F800000, v0;
	vm10 =	veq.s32 v16, v3;
	v16 =	vld [tilespmem:s23+$0x60]  }
0x16e: {  	p1 =	slt.u32 s22, $0xFF8;
	[tilespmem:v28+s14+$0x0] =	vst.idx.add.f32.msk vm1, v2;
	vm5 =	vnez.u8 v9;
	vm2 =	veq.s32 v18, $0x0;
	v21 =	vadd.f32 v21, v20  }
.Ltmp3:
0x16f: {  	[tilespmem:v28+s15+$0x0] =	vst.idx.add.f32.msk vm1, v8;
	v62 =	vshra.s32 v17, $0x15;
	vm1 =	veq.s32 v17, $0x0;
	v61 =	vsel vm2, $0x3F800000, v0;
	(pc) =	sbr.rel @p1 .LBB2_8-.Ltmp3, $4  }
0x170: {  	v11 =	vmovc v26;
	vm15 =	vne.s32 v17, $0x0;
	v20 =	vshra.s32 v18, $0x15;
	v21 =	vadd.f32 v61, v21  }
0x171: {  	[tilespmem:v30+s14+$0x0] =	vst.idx.add.f32.msk vm0, v2;
	vm14 =	veq.s32 v62, v3;
	v63 =	vsel vm1, $0x3F800000, v0;
	vm12 =	veq.s32 v20, v3  }
0x172: {  	[tilespmem:v30+s15+$0x0] =	vst.idx.add.f32.msk vm0, v10;
	v9 =	vmovc v22;
	v21 =	vadd.f32 v63, v21;
	v22 =	vshra.s32 v16, $0x15;
	vm1 =	veq.s32 v16, $0x0  }
0x173: {  	v8 =	vmovc v27;
	v10 =	vmovc v23;
	v20 =	vld [tilespmem:s23+$0x70];
	vm4 =	vne.s32 v16, $0x0;
	vm3 =	veq.s32 v22, v3;
	v22 =	vsel vm1, $0x3F800000, v0  }
0x174: {  	_ =	sdelay $0x4  }
0x175: {  	[tilespmem:v19+s14+$0x0] =	vst.idx.add.f32.msk vm7, v2  }
0x176: {  	[tilespmem:v15+s14+$0x0] =	vst.idx.add.f32.msk vm5, v2  }
0x177: {  	[tilespmem:v19+s15+$0x0] =	vst.idx.add.f32.msk vm7, v4  }
0x178: {  	[tilespmem:v15+s15+$0x0] =	vst.idx.add.f32.msk vm5, v5  }
0x179: {  	v51 =	vld [tilespmem:$0x1FF40];
	_ =	sdelay $0x4  }
0x17a: {  	vm1 =	vmand vm9, vm6;
	vm9 =	vnez.u8 v51;
	_ =	sdelay $0x1  }
0x17b: {  	v5 =	vld [tilespmem:$0x1FF50]  }
0x17c: {  	v49 =	vld [tilespmem:$0x1FF60];
	_ =	sdelay $0x2  }
0x17d: {  	[tilespmem:v13+s14+$0x0] =	vst.idx.add.f32.msk vm9, v2  }
0x17e: {  	vm0 =	vmmov vm8;
	[tilespmem:v13+s15+$0x0] =	vst.idx.add.f32.msk vm9, v6  }
0x17f: {  	vm2 =	vnez.u8 v5;
	vm0 =	vnez.u8 v49;
	v6 =	vld [tilespmem:$0x1FF70]  }
0x180: {  	v48 =	vand.u32 $0x3FF, v14;
	v50 =	vshrl.u32 v8, $0xB;
	vm2 =	vmand vm0, vm2;
	v52 =	vld [tilespmem:$0x1FF80]  }
0x181: {  	vm3 =	vmand vm4, vm3;
	v62 =	vshrl.u32 v16, $0xB;
	v5 =	vand.u32 $0x3FF, v50  }
0x182: {  	v63 =	vand.u32 $0x3FF, v62;
	_ =	sdelay $0x1  }
0x183: {  	[tilespmem:v12+s14+$0x0] =	vst.idx.add.f32.msk vm8, v2  }
0x184: {  	v53 =	vshrl.u32 v9, $0xB;
	[tilespmem:v48+s14+$0x0] =	vst.idx.add.f32.msk vm1, v2;
	vm0 =	vnez.u8 v6;
	vm9 =	vnez.u8 v52  }
0x185: {  	v54 =	vshrl.u32 v10, $0xB;
	v56 =	vshrl.u32 v18, $0xB;
	[tilespmem:v5+s14+$0x0] =	vst.idx.add.f32.msk vm2, v2;
	vm5 =	vmand vm9, vm0  }
0x186: {  	v58 =	vadd.f32 v22, v21;
	[tilespmem:v63+s14+$0x0] =	vst.idx.add.f32.msk vm3, v2;
	v6 =	vand.u32 $0x3FF, v53;
	vm0 =	vmand vm11, vm10  }
0x187: {  	v60 =	vshrl.u32 v17, $0xB;
	v55 =	vand.u32 $0x3FF, v54;
	[tilespmem:v12+s15+$0x0] =	vst.idx.add.f32.msk vm8, v7;
	vm10 =	vmand vm13, vm12  }
0x188: {  	[tilespmem:v48+s15+$0x0] =	vst.idx.add.f32.msk vm1, v11;
	v7 =	vand.u32 $0x3FF, v56;
	vm11 =	veq.s32 v20, $0x0;
	vm12 =	vmand vm15, vm14  }
0x189: {  	v61 =	vand.u32 $0x3FF, v60;
	v59 =	vshra.s32 v20, $0x15;
	[tilespmem:v5+s15+$0x0] =	vst.idx.add.f32.msk vm2, v8;
	v57 =	vsel vm11, $0x3F800000, v0  }
0x18a: {  	[tilespmem:v63+s15+$0x0] =	vst.idx.add.f32.msk vm3, v16;
	vm13 =	veq.s32 v59, v3;
	v3 =	vadd.f32 v57, v58  }
0x18b: {  	p1 =	sne.s32 s17, $0x0;
	[tilespmem:v6+s14+$0x0] =	vst.idx.add.f32.msk vm5, v2  }
0x18c: {  	vm14 =	vne.s32 v20, $0x0;
	(xrf2) =	vadd.scan.msk.f32 @!p1 $0xffff, v3;
	[tilespmem:v55+s14+$0x0] =	vst.idx.add.f32.msk vm0, v2  }
0x18d: {  	vm4 =	vmand vm14, vm13;
	v3 =	vshrl.u32 v20, $0xB;
	[tilespmem:v7+s14+$0x0] =	vst.idx.add.f32.msk vm10, v2  }
0x18e: {  	v3 =	vand.u32 $0x3FF, v3;
	[tilespmem:v61+s14+$0x0] =	vst.idx.add.f32.msk vm12, v2  }
0x18f: {  	[tilespmem:v6+s15+$0x0] =	vst.idx.add.f32.msk vm5, v9  }
0x190: {  	[tilespmem:v55+s15+$0x0] =	vst.idx.add.f32.msk vm0, v10  }
0x191: {  	[tilespmem:v7+s15+$0x0] =	vst.idx.add.f32.msk vm10, v18  }
0x192: {  	[tilespmem:v61+s15+$0x0] =	vst.idx.add.f32.msk vm12, v17  }
0x193: {  	[tilespmem:v3+s14+$0x0] =	vst.idx.add.f32.msk vm4, v2  }
0x194: {  	[tilespmem:v3+s15+$0x0] =	vst.idx.add.f32.msk vm4, v20  }
0x195: {  	v3 =	vld @!p1 [tilespmem:$0x10900]  }
0x196: {  	v4, _, _ =	vpop @!p1 (xrf2)  }
0x197: {  	v4 =	vbroadcast @!p1 v4, $0xF  }
0x198: {  	vm0 =	vmmov @!p1 $0x1  }
0x199: {  	v4 =	vnsel @!p1 vm0, $0x0, v4  }
0x19a: {  	v3 =	vadd.f32 @!p1 v3, v4;
	_ =	sdelay $0x1  }
0x19b: {  	s0 =	simm.s32 $0x440;
	[tilespmem:$0x10900] =	vst @!p1 v3  }
0x19c: {  	[spmem:s1] =	stream.indirect.scatter.add.f32 [tilespmem:s14], [sflag:$0x3], $0x1, s18, s0, $0xb8;
	[tilespmem:$0x11710] =	vst v63  }
0x19d: {  	_ =	swait.ge [sflag:s12], $0x440  }
0x19e: {  	[sflag:s12] =	ssyncset.done $0x0  }
0x19f: {  	[sflag:s12] =	ssyncadd.s32 $0xFFFFFBC0  }
0x1a0: {  	[spmem:s2] =	stream.indirect.scatter.add.f32 [tilespmem:s15], [sflag:$0x3], $0x1, s18, s0, $0xb8;
	[tilespmem:$0x11710] =	vst v63  }
0x1a1: {  	_ =	swait.ge [sflag:s12], $0x440  }
0x1a2: {  	s4 =	simm.s32 @!p0 $0x1;
	[sflag:s12] =	ssyncset.done $0x0  }
0x1a3: {  	s10 =	simm.s32 @!p0 $0x20;
	s11 =	simm.s32 @!p0 $0x10;
	[sflag:s12] =	ssyncadd.s32 $0xFFFFFBC0  }
0x1a4: {  	s17 =	simm.s32 @!p0 $0x1C03;
	s0 =	sshrl.u32 @!p0 s1, $0x3;
	[bflag:$0x0] =	sbarrier.arrive $0xFFFF  }
0x1a5: {  	[hbm:s7@s10], [sflag:s17] =	dma.strided @!p0 [spmem:s0@s11], $0x90, s4, $0x10   }
0x1a6: {  	s0 =	simm.s32 @!p0 $0x3  }
0x1a7: {  	s19 =	sadd.s32 $0x1, s19;
	_ =	swait.ge @!p0 [sflag:s0], $0x90  }
0x1a8: {  	p1 =	sne.s32 s19, s9;
	[sflag:s0] =	ssyncset.done @!p0 $0x0  }
.Ltmp4:
0x1a9: {  	s20 =	sshrl.u32 @!p0 s2, $0x3;
	[sflag:s0] =	ssyncadd.s32 @!p0 $0xFFFFFF70;
	(pc) =	sbr.rel @p1 .LBB2_1-.Ltmp4, $4  }
0x1aa: {  	[hbm:s8@s10], [sflag:s17] =	dma.strided @!p0 [spmem:s20@s11], $0x90, s4, $0x10   }
0x1ab: {  	_ =	swait.ge @!p0 [sflag:s0], $0x90  }
0x1ac: {  	[sflag:s0] =	ssyncset.done @!p0 $0x0  }
0x1ad: {  	vm15 =	vmmov vm4;
	[sflag:s0] =	ssyncadd.s32 @!p0 $0xFFFFFF70  }
0x1ae: {  	_ =	sfence.sel $0x180000  }
0x1af: {  	[bflag:$0x0] =	sbarrier.arrive $0xFFFF  }
0x1b0: {  	_ =	strace $0x9000004A  }
0x1b1: {  	[bflag:$0x2] =	sbarrier.arrive $0xFFFF  }
0x1b2: {  	s0 =	rddreg [dreg:$0x3]  }
0x1b3: {  	s0 =	sadd.s32 @!p0 $0x100000, s0  }
0x1b4: {  	[sflag:s0] =	ssyncadd.tile.s32 @!p0 $0x1;
	_ =	shalt  }
.Lfunc_end2:
_tile_overlayer_lowered:
.L_overlay_start_2:
0x1b5: {  	(tag) =	ssettag $0x2  }
0x1b6: {  	s0 =	rddreg [dreg:$0x0];
	s2 =	stileid.u32  }
0x1b7: {  	s1 =	rddreg [dreg:$0x1];
	p0 =	sne.s32 s2, $0x0  }
0x1b8: {  	s3 =	rddreg [dreg:$0x2];
	[bflag:$0x3] =	sbarrier.arrive $0xFFFF;
	s2 =	simm.s32 @!p0 $0x1C03  }
0x1b9: {  	[timem:s3], [sflag:s2] =	dma.local @!p0 [hbm:s0], s1  }
0x1ba: {  	s0 =	simm.s32 @!p0 $0x3  }
0x1bb: {  	_ =	swait.ge @!p0 [sflag:s0], s1  }
0x1bc: {  	s1 =	ssub.s32 @!p0 $0x0, s1;
	[sflag:s0] =	ssyncset.done @!p0 $0x0  }
0x1bd: {  	[sflag:s0] =	ssyncadd.s32 @!p0 s1  }
0x1be: {  	[bflag:$0x3] =	sbarrier.arrive $0xFFFF  }
0x1bf: {  	_ =	shalt  }

</sc_bundles>
